<compile_context>
chip_gen: v7x
topology: tpu7x:2x2x1
jax: 0.10.2.dev20260603
libtpu: 0.0.44.dev20260713+nightly
codegen_flags: <defaults>
</compile_context>

<pallas_src>
import functools

import jax
import jax.numpy as jnp
from jax import lax
from jax.experimental import pallas as pl
from jax.experimental.pallas import tpu as pltpu
from jax.experimental.pallas import tpu_sc as plsc

N = 10000
E = 320000
F = 128
G = 64
H2 = 64
C = 10

NC, NS, L = 2, 16, 16
NW = NC * NS
NP = 10240
CH = 125
ECH = E // CH
CPT = ECH // NW
HPT = CPT // 2
RPS = 624
RTL = N - NS * RPS
DPS = NP // NS

RB = 1000
NRB = N // RB

_mesh = plsc.VectorSubcoreMesh(
    core_axis_name="c", subcore_axis_name="s", num_cores=NC, num_subcores=NS)


@functools.partial(
    pl.kernel,
    out_type=(jax.ShapeDtypeStruct((NP,), jnp.float32),
              jax.ShapeDtypeStruct((NP,), jnp.float32)),
    mesh=_mesh,
    scratch_types=dict(
        ones_v=pltpu.VMEM((128,), jnp.float32),
        zero_v=pltpu.VMEM((DPS,), jnp.float32),
        didx_v=pltpu.VMEM((CPT, CH), jnp.int32),
        deg_sh=pltpu.VMEM_SHARED((NP,), jnp.float32),
        sem=pltpu.SemaphoreType.DMA,
    ),
)
def _sc_deg(dst2_h, deg0_out, deg1_out, ones_v, zero_v, didx_v, deg_sh, sem):
    cid = lax.axis_index("c")
    sid = lax.axis_index("s")
    w = sid * NC + cid
    for k in range(128 // L):
        ones_v[pl.ds(k * L, L)] = jnp.ones((L,), jnp.float32)
    for k in range(DPS // L):
        zero_v[pl.ds(k * L, L)] = jnp.zeros((L,), jnp.float32)
    pltpu.sync_copy(dst2_h.at[pl.ds(w * CPT, CPT)], didx_v)
    pltpu.sync_copy(zero_v, deg_sh.at[pl.ds(sid * DPS, DPS)])
    plsc.subcore_barrier()

    ones = ones_v.at[pl.ds(0, CH)]

    def fire(c, carry):
        pltpu.async_copy(ones, deg_sh.at[didx_v.at[c]], sem, add=True)
        return carry

    lax.fori_loop(0, CPT, fire, 0)

    def drain(c, carry):
        pltpu.make_async_copy(ones, deg_sh.at[didx_v.at[c]], sem).wait()
        return carry

    lax.fori_loop(0, CPT, drain, 0)
    plsc.subcore_barrier()

    @pl.when(cid == 0)
    def _():
        pltpu.sync_copy(deg_sh.at[pl.ds(sid * DPS, DPS)],
                        deg0_out.at[pl.ds(sid * DPS, DPS)])

    @pl.when(cid == 1)
    def _():
        pltpu.sync_copy(deg_sh.at[pl.ds(sid * DPS, DPS)],
                        deg1_out.at[pl.ds(sid * DPS, DPS)])


@functools.partial(
    pl.kernel,
    out_type=jax.ShapeDtypeStruct((NC, N, F), jnp.float32),
    mesh=_mesh,
    scratch_types=dict(
        sidx_v=pltpu.VMEM((HPT, CH), jnp.int32),
        didx_v=pltpu.VMEM((HPT, CH), jnp.int32),
        rows0=pltpu.VMEM((CH, F), jnp.float32),
        rows1=pltpu.VMEM((CH, F), jnp.float32),
        acc_sh=pltpu.VMEM_SHARED((N, F), jnp.float32),
        semi=pltpu.SemaphoreType.DMA,
        semg0=pltpu.SemaphoreType.DMA,
        semg1=pltpu.SemaphoreType.DMA,
        sems0=pltpu.SemaphoreType.DMA,
        sems1=pltpu.SemaphoreType.DMA,
    ),
)
def _sc_scatter(y_h, src2_h, dst2_h, out_h,
                sidx_v, didx_v, rows0, rows1, acc_sh,
                semi, semg0, semg1, sems0, sems1):
    cid = lax.axis_index("c")
    sid = lax.axis_index("s")
    w = sid * NC + cid
    rows = (rows0, rows1)
    semg = (semg0, semg1)
    sems = (sems0, sems1)

    def sidx(c):
        return sidx_v.at[c]

    pltpu.sync_copy(src2_h.at[pl.ds(w * CPT, HPT)], sidx_v)
    pltpu.sync_copy(dst2_h.at[pl.ds(w * CPT, HPT)], didx_v)
    pltpu.async_copy(y_h.at[pl.ds(sid * RPS, RPS)],
                     acc_sh.at[pl.ds(sid * RPS, RPS)], semi)

    @pl.when(sid == NS - 1)
    def _():
        pltpu.sync_copy(y_h.at[pl.ds(NS * RPS, RTL)],
                        acc_sh.at[pl.ds(NS * RPS, RTL)])

    for b in range(2):
        pltpu.async_copy(y_h.at[sidx(b)], rows[b], semg[b])
    pltpu.make_async_copy(y_h.at[pl.ds(sid * RPS, RPS)],
                          acc_sh.at[pl.ds(sid * RPS, RPS)], semi).wait()
    plsc.subcore_barrier()

    def run_phase(h):
        def body(p, carry):
            for b in range(2):
                c = 2 * p + b

                @pl.when(c >= 2)
                def _():
                    pltpu.make_async_copy(
                        rows[b], acc_sh.at[didx_v.at[c - 2]], sems[b]).wait()
                    pltpu.async_copy(y_h.at[sidx(c)], rows[b], semg[b])

                @pl.when(c >= 1)
                def _():
                    b1 = 1 - b
                    pltpu.make_async_copy(y_h.at[sidx(c - 1)], rows[b1],
                                          semg[b1]).wait()
                    pltpu.async_copy(rows[b1], acc_sh.at[didx_v.at[c - 1]],
                                     sems[b1], add=True)
            return carry

        lax.fori_loop(0, HPT // 2, body, 0)
        last = HPT - 1
        pltpu.make_async_copy(y_h.at[sidx(last)], rows[1],
                              semg[1]).wait()
        pltpu.async_copy(rows[1], acc_sh.at[didx_v.at[last]], sems[1],
                         add=True)
        pltpu.make_async_copy(rows[0], acc_sh.at[didx_v.at[last - 1]],
                              sems[0]).wait()
        pltpu.make_async_copy(rows[1], acc_sh.at[didx_v.at[last]],
                              sems[1]).wait()

    run_phase(0)
    pltpu.sync_copy(src2_h.at[pl.ds(w * CPT + HPT, HPT)], sidx_v)
    pltpu.sync_copy(dst2_h.at[pl.ds(w * CPT + HPT, HPT)], didx_v)
    for b in range(2):
        pltpu.async_copy(y_h.at[sidx(b)], rows[b], semg[b])
    run_phase(1)
    plsc.subcore_barrier()
    pltpu.sync_copy(acc_sh.at[pl.ds(sid * RPS, RPS)],
                    out_h.at[cid, pl.ds(sid * RPS, RPS)])

    @pl.when(sid == NS - 1)
    def _():
        pltpu.sync_copy(acc_sh.at[pl.ds(NS * RPS, RTL)],
                        out_h.at[cid, pl.ds(NS * RPS, RTL)])


def _tc_pre_body(deg0_ref, deg1_ref, x_ref, w1_ref, y_ref, dinv_ref):
    deg = deg0_ref[...] + deg1_ref[...] + 1.0
    dinv = lax.rsqrt(deg)
    y = jnp.dot(x_ref[...], w1_ref[...], preferred_element_type=jnp.float32)
    y_ref[...] = y * dinv
    dinv_ref[...] = dinv


def _tc_pre(deg0, deg1, x, w1):
    return pl.pallas_call(
        _tc_pre_body,
        grid=(NRB,),
        in_specs=[
            pl.BlockSpec((RB, 1), lambda i: (i, 0)),
            pl.BlockSpec((RB, 1), lambda i: (i, 0)),
            pl.BlockSpec((RB, F), lambda i: (i, 0)),
            pl.BlockSpec((F, F), lambda i: (0, 0)),
        ],
        out_specs=[
            pl.BlockSpec((RB, F), lambda i: (i, 0)),
            pl.BlockSpec((RB, 1), lambda i: (i, 0)),
        ],
        out_shape=[
            jax.ShapeDtypeStruct((N, F), jnp.float32),
            jax.ShapeDtypeStruct((N, 1), jnp.float32),
        ],
    )(deg0, deg1, x, w1)


def _tc_mid_body(p_ref, y_ref, dinv_ref, b1_ref, w2_ref, y2_ref):
    acc = p_ref[0] + p_ref[1] - y_ref[...]
    h = acc * dinv_ref[...] + b1_ref[...]
    h = jnp.where(h >= 0, h, 0.01 * h)
    y2 = jnp.dot(h, w2_ref[...], preferred_element_type=jnp.float32)
    y2_ref[...] = y2 * dinv_ref[...]


def _tc_mid(parts, y1, dinv, b1, w2):
    return pl.pallas_call(
        _tc_mid_body,
        grid=(NRB,),
        in_specs=[
            pl.BlockSpec((NC, RB, F), lambda i: (0, i, 0)),
            pl.BlockSpec((RB, F), lambda i: (i, 0)),
            pl.BlockSpec((RB, 1), lambda i: (i, 0)),
            pl.BlockSpec((1, F), lambda i: (0, 0)),
            pl.BlockSpec((F, F), lambda i: (0, 0)),
        ],
        out_specs=pl.BlockSpec((RB, F), lambda i: (i, 0)),
        out_shape=jax.ShapeDtypeStruct((N, F), jnp.float32),
    )(parts, y1, dinv, b1, w2)


def _tc_post_body(q_ref, y2_ref, dinv_ref, b2_ref, batch_ref,
                  w3_ref, b3_ref, w4_ref, b4_ref, w5_ref, b5_ref,
                  out_ref, ssum, scnt):
    i = pl.program_id(0)
    acc = q_ref[0] + q_ref[1] - y2_ref[...]
    h = acc * dinv_ref[...] + b2_ref[...]
    h = jnp.where(h >= 0, h, 0.01 * h)
    gids = lax.broadcasted_iota(jnp.int32, (1, G), 1)
    oh = (batch_ref[...] == gids).astype(jnp.float32)
    dn = (((0,), (0,)), ((), ()))
    s_part = lax.dot_general(oh, h, dn, preferred_element_type=jnp.float32)
    c_part = lax.dot_general(oh, jnp.ones((RB, F), jnp.float32), dn,
                             preferred_element_type=jnp.float32)

    @pl.when(i == 0)
    def _():
        ssum[...] = s_part
        scnt[...] = c_part

    @pl.when(i > 0)
    def _():
        ssum[...] += s_part
        scnt[...] += c_part

    @pl.when(i == NRB - 1)
    def _():
        g = ssum[...] / jnp.maximum(scnt[...], 1.0)
        a = jnp.dot(g, w3_ref[...], preferred_element_type=jnp.float32)
        a = a + b3_ref[...]
        a = jnp.where(a >= 0, a, 0.01 * a)
        a = jnp.dot(a, w4_ref[...], preferred_element_type=jnp.float32)
        a = a + b4_ref[...]
        a = jnp.where(a >= 0, a, 0.01 * a)
        a = jnp.dot(a, w5_ref[...], preferred_element_type=jnp.float32)
        out_ref[...] = a + b5_ref[...]


def _tc_post(parts, y2, dinv, b2, batch2, w3, b3, w4, b4, w5, b5):
    return pl.pallas_call(
        _tc_post_body,
        grid=(NRB,),
        in_specs=[
            pl.BlockSpec((NC, RB, F), lambda i: (0, i, 0)),
            pl.BlockSpec((RB, F), lambda i: (i, 0)),
            pl.BlockSpec((RB, 1), lambda i: (i, 0)),
            pl.BlockSpec((1, F), lambda i: (0, 0)),
            pl.BlockSpec((RB, 1), lambda i: (i, 0)),
            pl.BlockSpec((F, H2), lambda i: (0, 0)),
            pl.BlockSpec((1, H2), lambda i: (0, 0)),
            pl.BlockSpec((H2, H2), lambda i: (0, 0)),
            pl.BlockSpec((1, H2), lambda i: (0, 0)),
            pl.BlockSpec((H2, C), lambda i: (0, 0)),
            pl.BlockSpec((1, C), lambda i: (0, 0)),
        ],
        out_specs=pl.BlockSpec((G, C), lambda i: (0, 0)),
        out_shape=jax.ShapeDtypeStruct((G, C), jnp.float32),
        scratch_shapes=[
            pltpu.VMEM((G, F), jnp.float32),
            pltpu.VMEM((G, F), jnp.float32),
        ],
    )(parts, y2, dinv, b2, batch2, w3, b3, w4, b4, w5, b5)


def kernel(x, edge_index, batch, W1, b1, W2, b2, W3, b3, W4, b4, W5, b5):
    src = edge_index[0].reshape(ECH, CH)
    dst = edge_index[1].reshape(ECH, CH)
    deg0, deg1 = _sc_deg(dst)
    y1, dinv = _tc_pre(deg0[:N].reshape(N, 1), deg1[:N].reshape(N, 1), x, W1)
    parts1 = _sc_scatter(y1, src, dst)
    y2 = _tc_mid(parts1, y1, dinv, b1.reshape(1, F), W2)
    parts2 = _sc_scatter(y2, src, dst)
    return _tc_post(parts2, y2, dinv, b2.reshape(1, F),
                    batch.reshape(N, 1).astype(jnp.int32),
                    W3, b3.reshape(1, H2), W4, b4.reshape(1, H2),
                    W5, b5.reshape(1, C))

# --- scband reference (transcript-rebuilt; emitter-appended) ---
"""Pipeline reference for scband-gcn-31568009625965 (READ-ONLY COPY).

The authoritative reference and input builder live on the scoring server;
editing this copy changes nothing except your own understanding.
"""

import jax, jax.numpy as jnp
import numpy as np

NUM_NODES = 10000
NUM_EDGES = 320000
IN_CH = 128
HID = 128
NUM_CLASSES = 10
NUM_GRAPHS = 64


def setup_inputs(seed: int = 0) -> dict:
    key = jax.random.key(seed)
    ks = jax.random.split(key, 16)
    x = jax.random.normal(ks[0], (NUM_NODES, IN_CH), dtype=jnp.float32)
    edge_index = jax.random.randint(ks[1], (2, NUM_EDGES), 0, NUM_NODES, dtype=jnp.int32)
    batch = jnp.sort(jax.random.randint(ks[2], (NUM_NODES,), 0, NUM_GRAPHS, dtype=jnp.int32))
    def lin_init(k, fan_in, fan_out):
        k1, k2 = jax.random.split(k)
        bound = 1.0 / np.sqrt(fan_in)
        W = jax.random.uniform(k1, (fan_in, fan_out), minval=-bound, maxval=bound, dtype=jnp.float32)
        b = jax.random.uniform(k2, (fan_out,), minval=-bound, maxval=bound, dtype=jnp.float32)
        return W, b
    W1, b1 = lin_init(ks[3], IN_CH, HID)      # conv1
    W2, b2 = lin_init(ks[4], HID, HID)        # conv2
    W3, b3 = lin_init(ks[5], HID, HID // 2)   # lin
    W4, b4 = lin_init(ks[6], HID // 2, HID // 2)  # lin2
    W5, b5 = lin_init(ks[7], HID // 2, NUM_CLASSES)  # lin3
    return {"x": x, "edge_index": edge_index, "batch": batch,
            "W1": W1, "b1": b1, "W2": W2, "b2": b2,
            "W3": W3, "b3": b3, "W4": W4, "b4": b4,
            "W5": W5, "b5": b5}


def gcn_conv(x, edge_index, W, b):
    n = x.shape[0]
    loop = jnp.arange(n, dtype=edge_index.dtype)
    src = jnp.concatenate([edge_index[0], loop])
    dst = jnp.concatenate([edge_index[1], loop])
    # symmetric normalization (PyG GCNConv with add_self_loops=True)
    deg = jnp.zeros((n,), dtype=x.dtype).at[dst].add(1.0)
    deg_inv_sqrt = jnp.where(deg > 0, jax.lax.rsqrt(deg), 0.0)
    norm = deg_inv_sqrt[src] * deg_inv_sqrt[dst]
    xw = x @ W
    msgs = xw[src] * norm[:, None]
    out = jnp.zeros_like(xw).at[dst].add(msgs)
    return out + b


def global_mean_pool(x, batch, num_graphs):
    sums = jax.ops.segment_sum(x, batch, num_segments=num_graphs)
    cnts = jax.ops.segment_sum(jnp.ones((x.shape[0],), dtype=x.dtype), batch, num_segments=num_graphs)
    return sums / jnp.clip(cnts, 1.0)[:, None]


def reference(x, edge_index, batch, W1, b1, W2, b2, W3, b3, W4, b4, W5, b5):
    h = gcn_conv(x, edge_index, W1, b1)
    h = jax.nn.leaky_relu(h, negative_slope=0.01)
    h = gcn_conv(h, edge_index, W2, b2)
    h = jax.nn.leaky_relu(h, negative_slope=0.01)
    g = global_mean_pool(h, batch, NUM_GRAPHS)
    g = jax.nn.leaky_relu(g @ W3 + b3, negative_slope=0.01)
    g = jax.nn.leaky_relu(g @ W4 + b4, negative_slope=0.01)
    g = g @ W5 + b5
    return g

if __name__ == "__main__":
    import jax
    _d = setup_inputs()
    print(jax.jit(kernel)(*tuple(_d.values())))

</pallas_src>

<mosaic_0001>
#map = affine_map<(d0, d1) -> (0, 0)>
#map1 = affine_map<(d0, d1) -> (0, 0, 0)>
module attributes {stable_mosaic.version = 14 : i64} {
  func.func @_sc_scatter(%arg0: i32, %arg1: i32, %arg2: memref<10000x128xf32, #tpu.memory_space<hbm>>, %arg3: memref<2560x125xi32, #tpu.memory_space<hbm>>, %arg4: memref<2560x125xi32, #tpu.memory_space<hbm>>, %arg5: memref<2x10000x128xf32, #tpu.memory_space<hbm>>, %arg6: memref<10000x128xf32, #tpu.memory_space<vmem_shared>>, %arg7: memref<40x125xi32, #tpu.memory_space<vmem>>, %arg8: memref<125x128xf32, #tpu.memory_space<vmem>>, %arg9: memref<125x128xf32, #tpu.memory_space<vmem>>, %arg10: memref<!tpu.dma_semaphore, #tpu.memory_space<semaphore_mem>>, %arg11: memref<!tpu.dma_semaphore, #tpu.memory_space<semaphore_mem>>, %arg12: memref<!tpu.dma_semaphore, #tpu.memory_space<semaphore_mem>>, %arg13: memref<!tpu.dma_semaphore, #tpu.memory_space<semaphore_mem>>, %arg14: memref<!tpu.dma_semaphore, #tpu.memory_space<semaphore_mem>>, %arg15: memref<40x125xi32, #tpu.memory_space<vmem>>) attributes {dimension_semantics = [#tpu.dimension_semantics<core_parallel>, #tpu.dimension_semantics<subcore_parallel>], iteration_bounds = array<i64: 2, 16>, scalar_prefetch = 0 : i64, scratch_operands = 10 : i64, tpu.core_type = #tpu.core_type<sc_vector_subcore>, window_params = [{transform_indices = #map}, {transform_indices = #map}, {transform_indices = #map}, {transform_indices = #map1}]} {
    %mul3A = arith.constant 2 : i32
    %mul3A_0 = arith.muli %arg1, %mul3A : i32
    %add3A = arith.addi %mul3A_0, %arg0 : i32
    %mul3A_1 = arith.constant 80 : i32
    %mul3A_2 = arith.muli %add3A, %mul3A_1 : i32
    "tpu.region"() ({
      %run_scoped3A = tpu.sem_alloc : memref<!tpu.dma_semaphore, #tpu.memory_space<semaphore_mem>>
      %dma_start3A_134 = arith.constant 0 : i32
      %dma_start3A_135 = tpu.memref_slice %arg3[%mul3A_2, %dma_start3A_134] : memref<2560x125xi32, #tpu.memory_space<hbm>> -> memref<40x125xi32, #tpu.memory_space<hbm>>
      %dma_start3A_136 = arith.constant 0 : i32
      %dma_start3A_137 = tpu.memref_slice %arg3[%mul3A_2, %dma_start3A_136] : memref<2560x125xi32, #tpu.memory_space<hbm>> -> memref<40x125xi32, #tpu.memory_space<hbm>>
      tpu.enqueue_dma source(%dma_start3A_137 : memref<40x125xi32, #tpu.memory_space<hbm>>) target(%arg15 : memref<40x125xi32, #tpu.memory_space<vmem>>) target_semaphore(%run_scoped3A : memref<!tpu.dma_semaphore, #tpu.memory_space<semaphore_mem>>)
      %dma_wait3A_138 = arith.constant 0 : i32
      %dma_wait3A_139 = tpu.memref_slice %arg3[%mul3A_2, %dma_wait3A_138] : memref<2560x125xi32, #tpu.memory_space<hbm>> -> memref<40x125xi32, #tpu.memory_space<hbm>>
      %dma_wait3A_140 = arith.constant 0 : i32
      %dma_wait3A_141 = tpu.memref_slice %arg3[%mul3A_2, %dma_wait3A_140] : memref<2560x125xi32, #tpu.memory_space<hbm>> -> memref<40x125xi32, #tpu.memory_space<hbm>>
      tpu.wait_dma2 semaphore(%run_scoped3A : memref<!tpu.dma_semaphore, #tpu.memory_space<semaphore_mem>>) src(%dma_wait3A_141 : memref<40x125xi32, #tpu.memory_space<hbm>>) dst(%arg15 : memref<40x125xi32, #tpu.memory_space<vmem>>)
      tpu.yield
    }) : () -> ()
    %mul3A_3 = arith.constant 80 : i32
    %mul3A_4 = arith.muli %add3A, %mul3A_3 : i32
    "tpu.region"() ({
      %run_scoped3A = tpu.sem_alloc : memref<!tpu.dma_semaphore, #tpu.memory_space<semaphore_mem>>
      %dma_start3A_134 = arith.constant 0 : i32
      %dma_start3A_135 = tpu.memref_slice %arg4[%mul3A_4, %dma_start3A_134] : memref<2560x125xi32, #tpu.memory_space<hbm>> -> memref<40x125xi32, #tpu.memory_space<hbm>>
      %dma_start3A_136 = arith.constant 0 : i32
      %dma_start3A_137 = tpu.memref_slice %arg4[%mul3A_4, %dma_start3A_136] : memref<2560x125xi32, #tpu.memory_space<hbm>> -> memref<40x125xi32, #tpu.memory_space<hbm>>
      tpu.enqueue_dma source(%dma_start3A_137 : memref<40x125xi32, #tpu.memory_space<hbm>>) target(%arg7 : memref<40x125xi32, #tpu.memory_space<vmem>>) target_semaphore(%run_scoped3A : memref<!tpu.dma_semaphore, #tpu.memory_space<semaphore_mem>>)
      %dma_wait3A_138 = arith.constant 0 : i32
      %dma_wait3A_139 = tpu.memref_slice %arg4[%mul3A_4, %dma_wait3A_138] : memref<2560x125xi32, #tpu.memory_space<hbm>> -> memref<40x125xi32, #tpu.memory_space<hbm>>
      %dma_wait3A_140 = arith.constant 0 : i32
      %dma_wait3A_141 = tpu.memref_slice %arg4[%mul3A_4, %dma_wait3A_140] : memref<2560x125xi32, #tpu.memory_space<hbm>> -> memref<40x125xi32, #tpu.memory_space<hbm>>
      tpu.wait_dma2 semaphore(%run_scoped3A : memref<!tpu.dma_semaphore, #tpu.memory_space<semaphore_mem>>) src(%dma_wait3A_141 : memref<40x125xi32, #tpu.memory_space<hbm>>) dst(%arg7 : memref<40x125xi32, #tpu.memory_space<vmem>>)
      tpu.yield
    }) : () -> ()
    %mul3A_5 = arith.constant 624 : i32
    %mul3A_6 = arith.muli %arg1, %mul3A_5 : i32
    %mul3A_7 = arith.constant 624 : i32
    %mul3A_8 = arith.muli %arg1, %mul3A_7 : i32
    %dma_start3A = arith.constant 0 : i32
    %dma_start3A_9 = tpu.memref_slice %arg6[%mul3A_8, %dma_start3A] : memref<10000x128xf32, #tpu.memory_space<vmem_shared>> -> memref<624x128xf32, #tpu.memory_space<vmem_shared>>
    %dma_start3A_10 = arith.constant 0 : i32
    %dma_start3A_11 = tpu.memref_slice %arg2[%mul3A_6, %dma_start3A_10] : memref<10000x128xf32, #tpu.memory_space<hbm>> -> memref<624x128xf32, #tpu.memory_space<hbm>>
    tpu.enqueue_dma source(%dma_start3A_11 : memref<624x128xf32, #tpu.memory_space<hbm>>) target(%dma_start3A_9 : memref<624x128xf32, #tpu.memory_space<vmem_shared>>) target_semaphore(%arg12 : memref<!tpu.dma_semaphore, #tpu.memory_space<semaphore_mem>>)
    %eq3A = arith.constant 15 : i32
    %eq3A_12 = arith.cmpi eq, %arg1, %eq3A : i32
    %convert_element_type3A = arith.extui %eq3A_12 : i1 to i32
    %cond3A = arith.constant 0 : i32
    %cond3A_13 = arith.cmpi ne, %convert_element_type3A, %cond3A : i32
    scf.if %cond3A_13 {
      "tpu.region"() ({
        %run_scoped3A = tpu.sem_alloc : memref<!tpu.dma_semaphore, #tpu.memory_space<semaphore_mem>>
        %dma_start3A_134 = arith.constant 9984 : i32
        %dma_start3A_135 = arith.constant 0 : i32
        %dma_start3A_136 = tpu.memref_slice %arg6[%dma_start3A_134, %dma_start3A_135] : memref<10000x128xf32, #tpu.memory_space<vmem_shared>> -> memref<16x128xf32, #tpu.memory_space<vmem_shared>>
        %dma_start3A_137 = arith.constant 9984 : i32
        %dma_start3A_138 = arith.constant 0 : i32
        %dma_start3A_139 = tpu.memref_slice %arg2[%dma_start3A_137, %dma_start3A_138] : memref<10000x128xf32, #tpu.memory_space<hbm>> -> memref<16x128xf32, #tpu.memory_space<hbm>>
        tpu.enqueue_dma source(%dma_start3A_139 : memref<16x128xf32, #tpu.memory_space<hbm>>) target(%dma_start3A_136 : memref<16x128xf32, #tpu.memory_space<vmem_shared>>) target_semaphore(%run_scoped3A : memref<!tpu.dma_semaphore, #tpu.memory_space<semaphore_mem>>)
        %dma_wait3A_140 = arith.constant 9984 : i32
        %dma_wait3A_141 = arith.constant 0 : i32
        %dma_wait3A_142 = tpu.memref_slice %arg6[%dma_wait3A_140, %dma_wait3A_141] : memref<10000x128xf32, #tpu.memory_space<vmem_shared>> -> memref<16x128xf32, #tpu.memory_space<vmem_shared>>
        %dma_wait3A_143 = arith.constant 9984 : i32
        %dma_wait3A_144 = arith.constant 0 : i32
        %dma_wait3A_145 = tpu.memref_slice %arg2[%dma_wait3A_143, %dma_wait3A_144] : memref<10000x128xf32, #tpu.memory_space<hbm>> -> memref<16x128xf32, #tpu.memory_space<hbm>>
        tpu.wait_dma2 semaphore(%run_scoped3A : memref<!tpu.dma_semaphore, #tpu.memory_space<semaphore_mem>>) src(%dma_wait3A_145 : memref<16x128xf32, #tpu.memory_space<hbm>>) dst(%dma_wait3A_142 : memref<16x128xf32, #tpu.memory_space<vmem_shared>>)
        tpu.yield
      }) : () -> ()
    } else {
    }
    %dma_start3A_14 = arith.constant 0 : i32
    %dma_start3A_15 = arith.constant 0 : i32
    %dma_start3A_16 = tpu.memref_slice %arg15[%dma_start3A_14, %dma_start3A_15] : memref<40x125xi32, #tpu.memory_space<vmem>> -> memref<1x125xi32, #tpu.memory_space<vmem>>
    %dma_start3A_17 = tpu.memref_squeeze %dma_start3A_16 : memref<1x125xi32, #tpu.memory_space<vmem>> -> memref<125xi32, #tpu.memory_space<vmem>>
    %dma_start3A_18 = arith.constant 0 : i32
    %dma_start3A_19 = arith.constant 0 : i32
    %dma_start3A_20 = tpu.memref_slice %arg2[%dma_start3A_18, %dma_start3A_19] : memref<10000x128xf32, #tpu.memory_space<hbm>> -> memref<10000x128xf32, #tpu.memory_space<hbm>>
    tpu.enqueue_indirect_dma source(%dma_start3A_20 : memref<10000x128xf32, #tpu.memory_space<hbm>>) target(%arg8 : memref<125x128xf32, #tpu.memory_space<vmem>>) offsets(%dma_start3A_17 : memref<125xi32, #tpu.memory_space<vmem>>) semaphore(%arg10 : memref<!tpu.dma_semaphore, #tpu.memory_space<semaphore_mem>>)
    %dma_start3A_21 = arith.constant 1 : i32
    %dma_start3A_22 = arith.constant 0 : i32
    %dma_start3A_23 = tpu.memref_slice %arg15[%dma_start3A_21, %dma_start3A_22] : memref<40x125xi32, #tpu.memory_space<vmem>> -> memref<1x125xi32, #tpu.memory_space<vmem>>
    %dma_start3A_24 = tpu.memref_squeeze %dma_start3A_23 : memref<1x125xi32, #tpu.memory_space<vmem>> -> memref<125xi32, #tpu.memory_space<vmem>>
    %dma_start3A_25 = arith.constant 0 : i32
    %dma_start3A_26 = arith.constant 0 : i32
    %dma_start3A_27 = tpu.memref_slice %arg2[%dma_start3A_25, %dma_start3A_26] : memref<10000x128xf32, #tpu.memory_space<hbm>> -> memref<10000x128xf32, #tpu.memory_space<hbm>>
    tpu.enqueue_indirect_dma source(%dma_start3A_27 : memref<10000x128xf32, #tpu.memory_space<hbm>>) target(%arg9 : memref<125x128xf32, #tpu.memory_space<vmem>>) offsets(%dma_start3A_24 : memref<125xi32, #tpu.memory_space<vmem>>) semaphore(%arg11 : memref<!tpu.dma_semaphore, #tpu.memory_space<semaphore_mem>>)
    %mul3A_28 = arith.constant 624 : i32
    %mul3A_29 = arith.muli %arg1, %mul3A_28 : i32
    %mul3A_30 = arith.constant 624 : i32
    %mul3A_31 = arith.muli %arg1, %mul3A_30 : i32
    %dma_wait3A = arith.constant 0 : i32
    %dma_wait3A_32 = tpu.memref_slice %arg6[%mul3A_31, %dma_wait3A] : memref<10000x128xf32, #tpu.memory_space<vmem_shared>> -> memref<624x128xf32, #tpu.memory_space<vmem_shared>>
    %dma_wait3A_33 = arith.constant 0 : i32
    %dma_wait3A_34 = tpu.memref_slice %arg2[%mul3A_29, %dma_wait3A_33] : memref<10000x128xf32, #tpu.memory_space<hbm>> -> memref<624x128xf32, #tpu.memory_space<hbm>>
    tpu.wait_dma2 semaphore(%arg12 : memref<!tpu.dma_semaphore, #tpu.memory_space<semaphore_mem>>) src(%dma_wait3A_34 : memref<624x128xf32, #tpu.memory_space<hbm>>) dst(%dma_wait3A_32 : memref<624x128xf32, #tpu.memory_space<vmem_shared>>)
    %barrier3A = arith.constant 0 : index
    tpu.barrier barrier_id(%barrier3A)
    %scan3A = arith.constant 0 : i32
    %scan3A_35 = arith.constant 0 : i32
    %scan3A_36 = arith.constant 20 : i32
    %scan3A_37 = arith.addi %scan3A_35, %scan3A_36 : i32
    %scan3A_38 = arith.constant 1 : i32
    scf.for %scan3A_134 = %scan3A_35 to %scan3A_37 step %scan3A_38  : i32 {
      %mul3A_135 = arith.constant 2 : i32
      %mul3A_136 = arith.muli %mul3A_135, %scan3A_134 : i32
      %add3A_137 = arith.constant 0 : i32
      %add3A_138 = arith.addi %mul3A_136, %add3A_137 : i32
      %ge3A = arith.constant 2 : i32
      %ge3A_139 = arith.cmpi sge, %add3A_138, %ge3A : i32
      %convert_element_type3A_140 = arith.extui %ge3A_139 : i1 to i32
      %cond3A_141 = arith.constant 0 : i32
      %cond3A_142 = arith.cmpi ne, %convert_element_type3A_140, %cond3A_141 : i32
      scf.if %cond3A_142 {
        %sub3A = arith.constant 2 : i32
        %sub3A_162 = arith.subi %add3A_138, %sub3A : i32
        %dma_wait3A_163 = arith.constant 0 : i32
        %dma_wait3A_164 = tpu.memref_slice %arg7[%sub3A_162, %dma_wait3A_163] : memref<40x125xi32, #tpu.memory_space<vmem>> -> memref<1x125xi32, #tpu.memory_space<vmem>>
        %dma_wait3A_165 = tpu.memref_squeeze %dma_wait3A_164 : memref<1x125xi32, #tpu.memory_space<vmem>> -> memref<125xi32, #tpu.memory_space<vmem>>
        %dma_wait3A_166 = arith.constant 0 : i32
        %dma_wait3A_167 = arith.constant 0 : i32
        %dma_wait3A_168 = tpu.memref_slice %arg6[%dma_wait3A_166, %dma_wait3A_167] : memref<10000x128xf32, #tpu.memory_space<vmem_shared>> -> memref<10000x128xf32, #tpu.memory_space<vmem_shared>>
        tpu.wait_indirect_dma semaphore(%arg13 : memref<!tpu.dma_semaphore, #tpu.memory_space<semaphore_mem>>) src(%arg8 : memref<125x128xf32, #tpu.memory_space<vmem>>) dst(%dma_wait3A_168 : memref<10000x128xf32, #tpu.memory_space<vmem_shared>>)
        %dma_start3A_169 = arith.constant 0 : i32
        %dma_start3A_170 = tpu.memref_slice %arg15[%add3A_138, %dma_start3A_169] : memref<40x125xi32, #tpu.memory_space<vmem>> -> memref<1x125xi32, #tpu.memory_space<vmem>>
        %dma_start3A_171 = tpu.memref_squeeze %dma_start3A_170 : memref<1x125xi32, #tpu.memory_space<vmem>> -> memref<125xi32, #tpu.memory_space<vmem>>
        %dma_start3A_172 = arith.constant 0 : i32
        %dma_start3A_173 = arith.constant 0 : i32
        %dma_start3A_174 = tpu.memref_slice %arg2[%dma_start3A_172, %dma_start3A_173] : memref<10000x128xf32, #tpu.memory_space<hbm>> -> memref<10000x128xf32, #tpu.memory_space<hbm>>
        tpu.enqueue_indirect_dma source(%dma_start3A_174 : memref<10000x128xf32, #tpu.memory_space<hbm>>) target(%arg8 : memref<125x128xf32, #tpu.memory_space<vmem>>) offsets(%dma_start3A_171 : memref<125xi32, #tpu.memory_space<vmem>>) semaphore(%arg10 : memref<!tpu.dma_semaphore, #tpu.memory_space<semaphore_mem>>)
      } else {
      }
      %ge3A_143 = arith.constant 1 : i32
      %ge3A_144 = arith.cmpi sge, %add3A_138, %ge3A_143 : i32
      %convert_element_type3A_145 = arith.extui %ge3A_144 : i1 to i32
      %cond3A_146 = arith.constant 0 : i32
      %cond3A_147 = arith.cmpi ne, %convert_element_type3A_145, %cond3A_146 : i32
      scf.if %cond3A_147 {
        %sub3A = arith.constant 1 : i32
        %sub3A_162 = arith.subi %add3A_138, %sub3A : i32
        %dma_wait3A_163 = arith.constant 0 : i32
        %dma_wait3A_164 = tpu.memref_slice %arg15[%sub3A_162, %dma_wait3A_163] : memref<40x125xi32, #tpu.memory_space<vmem>> -> memref<1x125xi32, #tpu.memory_space<vmem>>
        %dma_wait3A_165 = tpu.memref_squeeze %dma_wait3A_164 : memref<1x125xi32, #tpu.memory_space<vmem>> -> memref<125xi32, #tpu.memory_space<vmem>>
        %dma_wait3A_166 = arith.constant 0 : i32
        %dma_wait3A_167 = arith.constant 0 : i32
        %dma_wait3A_168 = tpu.memref_slice %arg2[%dma_wait3A_166, %dma_wait3A_167] : memref<10000x128xf32, #tpu.memory_space<hbm>> -> memref<10000x128xf32, #tpu.memory_space<hbm>>
        tpu.wait_indirect_dma semaphore(%arg11 : memref<!tpu.dma_semaphore, #tpu.memory_space<semaphore_mem>>) src(%dma_wait3A_168 : memref<10000x128xf32, #tpu.memory_space<hbm>>) dst(%arg9 : memref<125x128xf32, #tpu.memory_space<vmem>>)
        %sub3A_169 = arith.constant 1 : i32
        %sub3A_170 = arith.subi %add3A_138, %sub3A_169 : i32
        %dma_start3A_171 = arith.constant 0 : i32
        %dma_start3A_172 = tpu.memref_slice %arg7[%sub3A_170, %dma_start3A_171] : memref<40x125xi32, #tpu.memory_space<vmem>> -> memref<1x125xi32, #tpu.memory_space<vmem>>
        %dma_start3A_173 = tpu.memref_squeeze %dma_start3A_172 : memref<1x125xi32, #tpu.memory_space<vmem>> -> memref<125xi32, #tpu.memory_space<vmem>>
        %dma_start3A_174 = arith.constant 0 : i32
        %dma_start3A_175 = arith.constant 0 : i32
        %dma_start3A_176 = tpu.memref_slice %arg6[%dma_start3A_174, %dma_start3A_175] : memref<10000x128xf32, #tpu.memory_space<vmem_shared>> -> memref<10000x128xf32, #tpu.memory_space<vmem_shared>>
        tpu.enqueue_indirect_dma source(%arg9 : memref<125x128xf32, #tpu.memory_space<vmem>>) target(%dma_start3A_176 : memref<10000x128xf32, #tpu.memory_space<vmem_shared>>) offsets(%dma_start3A_173 : memref<125xi32, #tpu.memory_space<vmem>>) semaphore(%arg14 : memref<!tpu.dma_semaphore, #tpu.memory_space<semaphore_mem>>) {add = true}
      } else {
      }
      %mul3A_148 = arith.constant 2 : i32
      %mul3A_149 = arith.muli %mul3A_148, %scan3A_134 : i32
      %add3A_150 = arith.constant 1 : i32
      %add3A_151 = arith.addi %mul3A_149, %add3A_150 : i32
      %ge3A_152 = arith.constant 2 : i32
      %ge3A_153 = arith.cmpi sge, %add3A_151, %ge3A_152 : i32
      %convert_element_type3A_154 = arith.extui %ge3A_153 : i1 to i32
      %cond3A_155 = arith.constant 0 : i32
      %cond3A_156 = arith.cmpi ne, %convert_element_type3A_154, %cond3A_155 : i32
      scf.if %cond3A_156 {
        %sub3A = arith.constant 2 : i32
        %sub3A_162 = arith.subi %add3A_151, %sub3A : i32
        %dma_wait3A_163 = arith.constant 0 : i32
        %dma_wait3A_164 = tpu.memref_slice %arg7[%sub3A_162, %dma_wait3A_163] : memref<40x125xi32, #tpu.memory_space<vmem>> -> memref<1x125xi32, #tpu.memory_space<vmem>>
        %dma_wait3A_165 = tpu.memref_squeeze %dma_wait3A_164 : memref<1x125xi32, #tpu.memory_space<vmem>> -> memref<125xi32, #tpu.memory_space<vmem>>
        %dma_wait3A_166 = arith.constant 0 : i32
        %dma_wait3A_167 = arith.constant 0 : i32
        %dma_wait3A_168 = tpu.memref_slice %arg6[%dma_wait3A_166, %dma_wait3A_167] : memref<10000x128xf32, #tpu.memory_space<vmem_shared>> -> memref<10000x128xf32, #tpu.memory_space<vmem_shared>>
        tpu.wait_indirect_dma semaphore(%arg14 : memref<!tpu.dma_semaphore, #tpu.memory_space<semaphore_mem>>) src(%arg9 : memref<125x128xf32, #tpu.memory_space<vmem>>) dst(%dma_wait3A_168 : memref<10000x128xf32, #tpu.memory_space<vmem_shared>>)
        %dma_start3A_169 = arith.constant 0 : i32
        %dma_start3A_170 = tpu.memref_slice %arg15[%add3A_151, %dma_start3A_169] : memref<40x125xi32, #tpu.memory_space<vmem>> -> memref<1x125xi32, #tpu.memory_space<vmem>>
        %dma_start3A_171 = tpu.memref_squeeze %dma_start3A_170 : memref<1x125xi32, #tpu.memory_space<vmem>> -> memref<125xi32, #tpu.memory_space<vmem>>
        %dma_start3A_172 = arith.constant 0 : i32
        %dma_start3A_173 = arith.constant 0 : i32
        %dma_start3A_174 = tpu.memref_slice %arg2[%dma_start3A_172, %dma_start3A_173] : memref<10000x128xf32, #tpu.memory_space<hbm>> -> memref<10000x128xf32, #tpu.memory_space<hbm>>
        tpu.enqueue_indirect_dma source(%dma_start3A_174 : memref<10000x128xf32, #tpu.memory_space<hbm>>) target(%arg9 : memref<125x128xf32, #tpu.memory_space<vmem>>) offsets(%dma_start3A_171 : memref<125xi32, #tpu.memory_space<vmem>>) semaphore(%arg11 : memref<!tpu.dma_semaphore, #tpu.memory_space<semaphore_mem>>)
      } else {
      }
      %ge3A_157 = arith.constant 1 : i32
      %ge3A_158 = arith.cmpi sge, %add3A_151, %ge3A_157 : i32
      %convert_element_type3A_159 = arith.extui %ge3A_158 : i1 to i32
      %cond3A_160 = arith.constant 0 : i32
      %cond3A_161 = arith.cmpi ne, %convert_element_type3A_159, %cond3A_160 : i32
      scf.if %cond3A_161 {
        %sub3A = arith.constant 1 : i32
        %sub3A_162 = arith.subi %add3A_151, %sub3A : i32
        %dma_wait3A_163 = arith.constant 0 : i32
        %dma_wait3A_164 = tpu.memref_slice %arg15[%sub3A_162, %dma_wait3A_163] : memref<40x125xi32, #tpu.memory_space<vmem>> -> memref<1x125xi32, #tpu.memory_space<vmem>>
        %dma_wait3A_165 = tpu.memref_squeeze %dma_wait3A_164 : memref<1x125xi32, #tpu.memory_space<vmem>> -> memref<125xi32, #tpu.memory_space<vmem>>
        %dma_wait3A_166 = arith.constant 0 : i32
        %dma_wait3A_167 = arith.constant 0 : i32
        %dma_wait3A_168 = tpu.memref_slice %arg2[%dma_wait3A_166, %dma_wait3A_167] : memref<10000x128xf32, #tpu.memory_space<hbm>> -> memref<10000x128xf32, #tpu.memory_space<hbm>>
        tpu.wait_indirect_dma semaphore(%arg10 : memref<!tpu.dma_semaphore, #tpu.memory_space<semaphore_mem>>) src(%dma_wait3A_168 : memref<10000x128xf32, #tpu.memory_space<hbm>>) dst(%arg8 : memref<125x128xf32, #tpu.memory_space<vmem>>)
        %sub3A_169 = arith.constant 1 : i32
        %sub3A_170 = arith.subi %add3A_151, %sub3A_169 : i32
        %dma_start3A_171 = arith.constant 0 : i32
        %dma_start3A_172 = tpu.memref_slice %arg7[%sub3A_170, %dma_start3A_171] : memref<40x125xi32, #tpu.memory_space<vmem>> -> memref<1x125xi32, #tpu.memory_space<vmem>>
        %dma_start3A_173 = tpu.memref_squeeze %dma_start3A_172 : memref<1x125xi32, #tpu.memory_space<vmem>> -> memref<125xi32, #tpu.memory_space<vmem>>
        %dma_start3A_174 = arith.constant 0 : i32
        %dma_start3A_175 = arith.constant 0 : i32
        %dma_start3A_176 = tpu.memref_slice %arg6[%dma_start3A_174, %dma_start3A_175] : memref<10000x128xf32, #tpu.memory_space<vmem_shared>> -> memref<10000x128xf32, #tpu.memory_space<vmem_shared>>
        tpu.enqueue_indirect_dma source(%arg8 : memref<125x128xf32, #tpu.memory_space<vmem>>) target(%dma_start3A_176 : memref<10000x128xf32, #tpu.memory_space<vmem_shared>>) offsets(%dma_start3A_173 : memref<125xi32, #tpu.memory_space<vmem>>) semaphore(%arg13 : memref<!tpu.dma_semaphore, #tpu.memory_space<semaphore_mem>>) {add = true}
      } else {
      }
    }
    %scan3A_39 = arith.constant 20 : i32
    %dma_wait3A_40 = arith.constant 39 : i32
    %dma_wait3A_41 = arith.constant 0 : i32
    %dma_wait3A_42 = tpu.memref_slice %arg15[%dma_wait3A_40, %dma_wait3A_41] : memref<40x125xi32, #tpu.memory_space<vmem>> -> memref<1x125xi32, #tpu.memory_space<vmem>>
    %dma_wait3A_43 = tpu.memref_squeeze %dma_wait3A_42 : memref<1x125xi32, #tpu.memory_space<vmem>> -> memref<125xi32, #tpu.memory_space<vmem>>
    %dma_wait3A_44 = arith.constant 0 : i32
    %dma_wait3A_45 = arith.constant 0 : i32
    %dma_wait3A_46 = tpu.memref_slice %arg2[%dma_wait3A_44, %dma_wait3A_45] : memref<10000x128xf32, #tpu.memory_space<hbm>> -> memref<10000x128xf32, #tpu.memory_space<hbm>>
    tpu.wait_indirect_dma semaphore(%arg11 : memref<!tpu.dma_semaphore, #tpu.memory_space<semaphore_mem>>) src(%dma_wait3A_46 : memref<10000x128xf32, #tpu.memory_space<hbm>>) dst(%arg9 : memref<125x128xf32, #tpu.memory_space<vmem>>)
    %dma_start3A_47 = arith.constant 39 : i32
    %dma_start3A_48 = arith.constant 0 : i32
    %dma_start3A_49 = tpu.memref_slice %arg7[%dma_start3A_47, %dma_start3A_48] : memref<40x125xi32, #tpu.memory_space<vmem>> -> memref<1x125xi32, #tpu.memory_space<vmem>>
    %dma_start3A_50 = tpu.memref_squeeze %dma_start3A_49 : memref<1x125xi32, #tpu.memory_space<vmem>> -> memref<125xi32, #tpu.memory_space<vmem>>
    %dma_start3A_51 = arith.constant 0 : i32
    %dma_start3A_52 = arith.constant 0 : i32
    %dma_start3A_53 = tpu.memref_slice %arg6[%dma_start3A_51, %dma_start3A_52] : memref<10000x128xf32, #tpu.memory_space<vmem_shared>> -> memref<10000x128xf32, #tpu.memory_space<vmem_shared>>
    tpu.enqueue_indirect_dma source(%arg9 : memref<125x128xf32, #tpu.memory_space<vmem>>) target(%dma_start3A_53 : memref<10000x128xf32, #tpu.memory_space<vmem_shared>>) offsets(%dma_start3A_50 : memref<125xi32, #tpu.memory_space<vmem>>) semaphore(%arg14 : memref<!tpu.dma_semaphore, #tpu.memory_space<semaphore_mem>>) {add = true}
    %dma_wait3A_54 = arith.constant 38 : i32
    %dma_wait3A_55 = arith.constant 0 : i32
    %dma_wait3A_56 = tpu.memref_slice %arg7[%dma_wait3A_54, %dma_wait3A_55] : memref<40x125xi32, #tpu.memory_space<vmem>> -> memref<1x125xi32, #tpu.memory_space<vmem>>
    %dma_wait3A_57 = tpu.memref_squeeze %dma_wait3A_56 : memref<1x125xi32, #tpu.memory_space<vmem>> -> memref<125xi32, #tpu.memory_space<vmem>>
    %dma_wait3A_58 = arith.constant 0 : i32
    %dma_wait3A_59 = arith.constant 0 : i32
    %dma_wait3A_60 = tpu.memref_slice %arg6[%dma_wait3A_58, %dma_wait3A_59] : memref<10000x128xf32, #tpu.memory_space<vmem_shared>> -> memref<10000x128xf32, #tpu.memory_space<vmem_shared>>
    tpu.wait_indirect_dma semaphore(%arg13 : memref<!tpu.dma_semaphore, #tpu.memory_space<semaphore_mem>>) src(%arg8 : memref<125x128xf32, #tpu.memory_space<vmem>>) dst(%dma_wait3A_60 : memref<10000x128xf32, #tpu.memory_space<vmem_shared>>)
    %dma_wait3A_61 = arith.constant 39 : i32
    %dma_wait3A_62 = arith.constant 0 : i32
    %dma_wait3A_63 = tpu.memref_slice %arg7[%dma_wait3A_61, %dma_wait3A_62] : memref<40x125xi32, #tpu.memory_space<vmem>> -> memref<1x125xi32, #tpu.memory_space<vmem>>
    %dma_wait3A_64 = tpu.memref_squeeze %dma_wait3A_63 : memref<1x125xi32, #tpu.memory_space<vmem>> -> memref<125xi32, #tpu.memory_space<vmem>>
    %dma_wait3A_65 = arith.constant 0 : i32
    %dma_wait3A_66 = arith.constant 0 : i32
    %dma_wait3A_67 = tpu.memref_slice %arg6[%dma_wait3A_65, %dma_wait3A_66] : memref<10000x128xf32, #tpu.memory_space<vmem_shared>> -> memref<10000x128xf32, #tpu.memory_space<vmem_shared>>
    tpu.wait_indirect_dma semaphore(%arg14 : memref<!tpu.dma_semaphore, #tpu.memory_space<semaphore_mem>>) src(%arg9 : memref<125x128xf32, #tpu.memory_space<vmem>>) dst(%dma_wait3A_67 : memref<10000x128xf32, #tpu.memory_space<vmem_shared>>)
    %mul3A_68 = arith.constant 80 : i32
    %mul3A_69 = arith.muli %add3A, %mul3A_68 : i32
    %add3A_70 = arith.constant 40 : i32
    %add3A_71 = arith.addi %mul3A_69, %add3A_70 : i32
    "tpu.region"() ({
      %run_scoped3A = tpu.sem_alloc : memref<!tpu.dma_semaphore, #tpu.memory_space<semaphore_mem>>
      %dma_start3A_134 = arith.constant 0 : i32
      %dma_start3A_135 = tpu.memref_slice %arg3[%add3A_71, %dma_start3A_134] : memref<2560x125xi32, #tpu.memory_space<hbm>> -> memref<40x125xi32, #tpu.memory_space<hbm>>
      %dma_start3A_136 = arith.constant 0 : i32
      %dma_start3A_137 = tpu.memref_slice %arg3[%add3A_71, %dma_start3A_136] : memref<2560x125xi32, #tpu.memory_space<hbm>> -> memref<40x125xi32, #tpu.memory_space<hbm>>
      tpu.enqueue_dma source(%dma_start3A_137 : memref<40x125xi32, #tpu.memory_space<hbm>>) target(%arg15 : memref<40x125xi32, #tpu.memory_space<vmem>>) target_semaphore(%run_scoped3A : memref<!tpu.dma_semaphore, #tpu.memory_space<semaphore_mem>>)
      %dma_wait3A_138 = arith.constant 0 : i32
      %dma_wait3A_139 = tpu.memref_slice %arg3[%add3A_71, %dma_wait3A_138] : memref<2560x125xi32, #tpu.memory_space<hbm>> -> memref<40x125xi32, #tpu.memory_space<hbm>>
      %dma_wait3A_140 = arith.constant 0 : i32
      %dma_wait3A_141 = tpu.memref_slice %arg3[%add3A_71, %dma_wait3A_140] : memref<2560x125xi32, #tpu.memory_space<hbm>> -> memref<40x125xi32, #tpu.memory_space<hbm>>
      tpu.wait_dma2 semaphore(%run_scoped3A : memref<!tpu.dma_semaphore, #tpu.memory_space<semaphore_mem>>) src(%dma_wait3A_141 : memref<40x125xi32, #tpu.memory_space<hbm>>) dst(%arg15 : memref<40x125xi32, #tpu.memory_space<vmem>>)
      tpu.yield
    }) : () -> ()
    %mul3A_72 = arith.constant 80 : i32
    %mul3A_73 = arith.muli %add3A, %mul3A_72 : i32
    %add3A_74 = arith.constant 40 : i32
    %add3A_75 = arith.addi %mul3A_73, %add3A_74 : i32
    "tpu.region"() ({
      %run_scoped3A = tpu.sem_alloc : memref<!tpu.dma_semaphore, #tpu.memory_space<semaphore_mem>>
      %dma_start3A_134 = arith.constant 0 : i32
      %dma_start3A_135 = tpu.memref_slice %arg4[%add3A_75, %dma_start3A_134] : memref<2560x125xi32, #tpu.memory_space<hbm>> -> memref<40x125xi32, #tpu.memory_space<hbm>>
      %dma_start3A_136 = arith.constant 0 : i32
      %dma_start3A_137 = tpu.memref_slice %arg4[%add3A_75, %dma_start3A_136] : memref<2560x125xi32, #tpu.memory_space<hbm>> -> memref<40x125xi32, #tpu.memory_space<hbm>>
      tpu.enqueue_dma source(%dma_start3A_137 : memref<40x125xi32, #tpu.memory_space<hbm>>) target(%arg7 : memref<40x125xi32, #tpu.memory_space<vmem>>) target_semaphore(%run_scoped3A : memref<!tpu.dma_semaphore, #tpu.memory_space<semaphore_mem>>)
      %dma_wait3A_138 = arith.constant 0 : i32
      %dma_wait3A_139 = tpu.memref_slice %arg4[%add3A_75, %dma_wait3A_138] : memref<2560x125xi32, #tpu.memory_space<hbm>> -> memref<40x125xi32, #tpu.memory_space<hbm>>
      %dma_wait3A_140 = arith.constant 0 : i32
      %dma_wait3A_141 = tpu.memref_slice %arg4[%add3A_75, %dma_wait3A_140] : memref<2560x125xi32, #tpu.memory_space<hbm>> -> memref<40x125xi32, #tpu.memory_space<hbm>>
      tpu.wait_dma2 semaphore(%run_scoped3A : memref<!tpu.dma_semaphore, #tpu.memory_space<semaphore_mem>>) src(%dma_wait3A_141 : memref<40x125xi32, #tpu.memory_space<hbm>>) dst(%arg7 : memref<40x125xi32, #tpu.memory_space<vmem>>)
      tpu.yield
    }) : () -> ()
    %dma_start3A_76 = arith.constant 0 : i32
    %dma_start3A_77 = arith.constant 0 : i32
    %dma_start3A_78 = tpu.memref_slice %arg15[%dma_start3A_76, %dma_start3A_77] : memref<40x125xi32, #tpu.memory_space<vmem>> -> memref<1x125xi32, #tpu.memory_space<vmem>>
    %dma_start3A_79 = tpu.memref_squeeze %dma_start3A_78 : memref<1x125xi32, #tpu.memory_space<vmem>> -> memref<125xi32, #tpu.memory_space<vmem>>
    %dma_start3A_80 = arith.constant 0 : i32
    %dma_start3A_81 = arith.constant 0 : i32
    %dma_start3A_82 = tpu.memref_slice %arg2[%dma_start3A_80, %dma_start3A_81] : memref<10000x128xf32, #tpu.memory_space<hbm>> -> memref<10000x128xf32, #tpu.memory_space<hbm>>
    tpu.enqueue_indirect_dma source(%dma_start3A_82 : memref<10000x128xf32, #tpu.memory_space<hbm>>) target(%arg8 : memref<125x128xf32, #tpu.memory_space<vmem>>) offsets(%dma_start3A_79 : memref<125xi32, #tpu.memory_space<vmem>>) semaphore(%arg10 : memref<!tpu.dma_semaphore, #tpu.memory_space<semaphore_mem>>)
    %dma_start3A_83 = arith.constant 1 : i32
    %dma_start3A_84 = arith.constant 0 : i32
    %dma_start3A_85 = tpu.memref_slice %arg15[%dma_start3A_83, %dma_start3A_84] : memref<40x125xi32, #tpu.memory_space<vmem>> -> memref<1x125xi32, #tpu.memory_space<vmem>>
    %dma_start3A_86 = tpu.memref_squeeze %dma_start3A_85 : memref<1x125xi32, #tpu.memory_space<vmem>> -> memref<125xi32, #tpu.memory_space<vmem>>
    %dma_start3A_87 = arith.constant 0 : i32
    %dma_start3A_88 = arith.constant 0 : i32
    %dma_start3A_89 = tpu.memref_slice %arg2[%dma_start3A_87, %dma_start3A_88] : memref<10000x128xf32, #tpu.memory_space<hbm>> -> memref<10000x128xf32, #tpu.memory_space<hbm>>
    tpu.enqueue_indirect_dma source(%dma_start3A_89 : memref<10000x128xf32, #tpu.memory_space<hbm>>) target(%arg9 : memref<125x128xf32, #tpu.memory_space<vmem>>) offsets(%dma_start3A_86 : memref<125xi32, #tpu.memory_space<vmem>>) semaphore(%arg11 : memref<!tpu.dma_semaphore, #tpu.memory_space<semaphore_mem>>)
    %scan3A_90 = arith.constant 0 : i32
    %scan3A_91 = arith.constant 0 : i32
    %scan3A_92 = arith.constant 20 : i32
    %scan3A_93 = arith.addi %scan3A_91, %scan3A_92 : i32
    %scan3A_94 = arith.constant 1 : i32
    scf.for %scan3A_134 = %scan3A_91 to %scan3A_93 step %scan3A_94  : i32 {
      %mul3A_135 = arith.constant 2 : i32
      %mul3A_136 = arith.muli %mul3A_135, %scan3A_134 : i32
      %add3A_137 = arith.constant 0 : i32
      %add3A_138 = arith.addi %mul3A_136, %add3A_137 : i32
      %ge3A = arith.constant 2 : i32
      %ge3A_139 = arith.cmpi sge, %add3A_138, %ge3A : i32
      %convert_element_type3A_140 = arith.extui %ge3A_139 : i1 to i32
      %cond3A_141 = arith.constant 0 : i32
      %cond3A_142 = arith.cmpi ne, %convert_element_type3A_140, %cond3A_141 : i32
      scf.if %cond3A_142 {
        %sub3A = arith.constant 2 : i32
        %sub3A_162 = arith.subi %add3A_138, %sub3A : i32
        %dma_wait3A_163 = arith.constant 0 : i32
        %dma_wait3A_164 = tpu.memref_slice %arg7[%sub3A_162, %dma_wait3A_163] : memref<40x125xi32, #tpu.memory_space<vmem>> -> memref<1x125xi32, #tpu.memory_space<vmem>>
        %dma_wait3A_165 = tpu.memref_squeeze %dma_wait3A_164 : memref<1x125xi32, #tpu.memory_space<vmem>> -> memref<125xi32, #tpu.memory_space<vmem>>
        %dma_wait3A_166 = arith.constant 0 : i32
        %dma_wait3A_167 = arith.constant 0 : i32
        %dma_wait3A_168 = tpu.memref_slice %arg6[%dma_wait3A_166, %dma_wait3A_167] : memref<10000x128xf32, #tpu.memory_space<vmem_shared>> -> memref<10000x128xf32, #tpu.memory_space<vmem_shared>>
        tpu.wait_indirect_dma semaphore(%arg13 : memref<!tpu.dma_semaphore, #tpu.memory_space<semaphore_mem>>) src(%arg8 : memref<125x128xf32, #tpu.memory_space<vmem>>) dst(%dma_wait3A_168 : memref<10000x128xf32, #tpu.memory_space<vmem_shared>>)
        %dma_start3A_169 = arith.constant 0 : i32
        %dma_start3A_170 = tpu.memref_slice %arg15[%add3A_138, %dma_start3A_169] : memref<40x125xi32, #tpu.memory_space<vmem>> -> memref<1x125xi32, #tpu.memory_space<vmem>>
        %dma_start3A_171 = tpu.memref_squeeze %dma_start3A_170 : memref<1x125xi32, #tpu.memory_space<vmem>> -> memref<125xi32, #tpu.memory_space<vmem>>
        %dma_start3A_172 = arith.constant 0 : i32
        %dma_start3A_173 = arith.constant 0 : i32
        %dma_start3A_174 = tpu.memref_slice %arg2[%dma_start3A_172, %dma_start3A_173] : memref<10000x128xf32, #tpu.memory_space<hbm>> -> memref<10000x128xf32, #tpu.memory_space<hbm>>
        tpu.enqueue_indirect_dma source(%dma_start3A_174 : memref<10000x128xf32, #tpu.memory_space<hbm>>) target(%arg8 : memref<125x128xf32, #tpu.memory_space<vmem>>) offsets(%dma_start3A_171 : memref<125xi32, #tpu.memory_space<vmem>>) semaphore(%arg10 : memref<!tpu.dma_semaphore, #tpu.memory_space<semaphore_mem>>)
      } else {
      }
      %ge3A_143 = arith.constant 1 : i32
      %ge3A_144 = arith.cmpi sge, %add3A_138, %ge3A_143 : i32
      %convert_element_type3A_145 = arith.extui %ge3A_144 : i1 to i32
      %cond3A_146 = arith.constant 0 : i32
      %cond3A_147 = arith.cmpi ne, %convert_element_type3A_145, %cond3A_146 : i32
      scf.if %cond3A_147 {
        %sub3A = arith.constant 1 : i32
        %sub3A_162 = arith.subi %add3A_138, %sub3A : i32
        %dma_wait3A_163 = arith.constant 0 : i32
        %dma_wait3A_164 = tpu.memref_slice %arg15[%sub3A_162, %dma_wait3A_163] : memref<40x125xi32, #tpu.memory_space<vmem>> -> memref<1x125xi32, #tpu.memory_space<vmem>>
        %dma_wait3A_165 = tpu.memref_squeeze %dma_wait3A_164 : memref<1x125xi32, #tpu.memory_space<vmem>> -> memref<125xi32, #tpu.memory_space<vmem>>
        %dma_wait3A_166 = arith.constant 0 : i32
        %dma_wait3A_167 = arith.constant 0 : i32
        %dma_wait3A_168 = tpu.memref_slice %arg2[%dma_wait3A_166, %dma_wait3A_167] : memref<10000x128xf32, #tpu.memory_space<hbm>> -> memref<10000x128xf32, #tpu.memory_space<hbm>>
        tpu.wait_indirect_dma semaphore(%arg11 : memref<!tpu.dma_semaphore, #tpu.memory_space<semaphore_mem>>) src(%dma_wait3A_168 : memref<10000x128xf32, #tpu.memory_space<hbm>>) dst(%arg9 : memref<125x128xf32, #tpu.memory_space<vmem>>)
        %sub3A_169 = arith.constant 1 : i32
        %sub3A_170 = arith.subi %add3A_138, %sub3A_169 : i32
        %dma_start3A_171 = arith.constant 0 : i32
        %dma_start3A_172 = tpu.memref_slice %arg7[%sub3A_170, %dma_start3A_171] : memref<40x125xi32, #tpu.memory_space<vmem>> -> memref<1x125xi32, #tpu.memory_space<vmem>>
        %dma_start3A_173 = tpu.memref_squeeze %dma_start3A_172 : memref<1x125xi32, #tpu.memory_space<vmem>> -> memref<125xi32, #tpu.memory_space<vmem>>
        %dma_start3A_174 = arith.constant 0 : i32
        %dma_start3A_175 = arith.constant 0 : i32
        %dma_start3A_176 = tpu.memref_slice %arg6[%dma_start3A_174, %dma_start3A_175] : memref<10000x128xf32, #tpu.memory_space<vmem_shared>> -> memref<10000x128xf32, #tpu.memory_space<vmem_shared>>
        tpu.enqueue_indirect_dma source(%arg9 : memref<125x128xf32, #tpu.memory_space<vmem>>) target(%dma_start3A_176 : memref<10000x128xf32, #tpu.memory_space<vmem_shared>>) offsets(%dma_start3A_173 : memref<125xi32, #tpu.memory_space<vmem>>) semaphore(%arg14 : memref<!tpu.dma_semaphore, #tpu.memory_space<semaphore_mem>>) {add = true}
      } else {
      }
      %mul3A_148 = arith.constant 2 : i32
      %mul3A_149 = arith.muli %mul3A_148, %scan3A_134 : i32
      %add3A_150 = arith.constant 1 : i32
      %add3A_151 = arith.addi %mul3A_149, %add3A_150 : i32
      %ge3A_152 = arith.constant 2 : i32
      %ge3A_153 = arith.cmpi sge, %add3A_151, %ge3A_152 : i32
      %convert_element_type3A_154 = arith.extui %ge3A_153 : i1 to i32
      %cond3A_155 = arith.constant 0 : i32
      %cond3A_156 = arith.cmpi ne, %convert_element_type3A_154, %cond3A_155 : i32
      scf.if %cond3A_156 {
        %sub3A = arith.constant 2 : i32
        %sub3A_162 = arith.subi %add3A_151, %sub3A : i32
        %dma_wait3A_163 = arith.constant 0 : i32
        %dma_wait3A_164 = tpu.memref_slice %arg7[%sub3A_162, %dma_wait3A_163] : memref<40x125xi32, #tpu.memory_space<vmem>> -> memref<1x125xi32, #tpu.memory_space<vmem>>
        %dma_wait3A_165 = tpu.memref_squeeze %dma_wait3A_164 : memref<1x125xi32, #tpu.memory_space<vmem>> -> memref<125xi32, #tpu.memory_space<vmem>>
        %dma_wait3A_166 = arith.constant 0 : i32
        %dma_wait3A_167 = arith.constant 0 : i32
        %dma_wait3A_168 = tpu.memref_slice %arg6[%dma_wait3A_166, %dma_wait3A_167] : memref<10000x128xf32, #tpu.memory_space<vmem_shared>> -> memref<10000x128xf32, #tpu.memory_space<vmem_shared>>
        tpu.wait_indirect_dma semaphore(%arg14 : memref<!tpu.dma_semaphore, #tpu.memory_space<semaphore_mem>>) src(%arg9 : memref<125x128xf32, #tpu.memory_space<vmem>>) dst(%dma_wait3A_168 : memref<10000x128xf32, #tpu.memory_space<vmem_shared>>)
        %dma_start3A_169 = arith.constant 0 : i32
        %dma_start3A_170 = tpu.memref_slice %arg15[%add3A_151, %dma_start3A_169] : memref<40x125xi32, #tpu.memory_space<vmem>> -> memref<1x125xi32, #tpu.memory_space<vmem>>
        %dma_start3A_171 = tpu.memref_squeeze %dma_start3A_170 : memref<1x125xi32, #tpu.memory_space<vmem>> -> memref<125xi32, #tpu.memory_space<vmem>>
        %dma_start3A_172 = arith.constant 0 : i32
        %dma_start3A_173 = arith.constant 0 : i32
        %dma_start3A_174 = tpu.memref_slice %arg2[%dma_start3A_172, %dma_start3A_173] : memref<10000x128xf32, #tpu.memory_space<hbm>> -> memref<10000x128xf32, #tpu.memory_space<hbm>>
        tpu.enqueue_indirect_dma source(%dma_start3A_174 : memref<10000x128xf32, #tpu.memory_space<hbm>>) target(%arg9 : memref<125x128xf32, #tpu.memory_space<vmem>>) offsets(%dma_start3A_171 : memref<125xi32, #tpu.memory_space<vmem>>) semaphore(%arg11 : memref<!tpu.dma_semaphore, #tpu.memory_space<semaphore_mem>>)
      } else {
      }
      %ge3A_157 = arith.constant 1 : i32
      %ge3A_158 = arith.cmpi sge, %add3A_151, %ge3A_157 : i32
      %convert_element_type3A_159 = arith.extui %ge3A_158 : i1 to i32
      %cond3A_160 = arith.constant 0 : i32
      %cond3A_161 = arith.cmpi ne, %convert_element_type3A_159, %cond3A_160 : i32
      scf.if %cond3A_161 {
        %sub3A = arith.constant 1 : i32
        %sub3A_162 = arith.subi %add3A_151, %sub3A : i32
        %dma_wait3A_163 = arith.constant 0 : i32
        %dma_wait3A_164 = tpu.memref_slice %arg15[%sub3A_162, %dma_wait3A_163] : memref<40x125xi32, #tpu.memory_space<vmem>> -> memref<1x125xi32, #tpu.memory_space<vmem>>
        %dma_wait3A_165 = tpu.memref_squeeze %dma_wait3A_164 : memref<1x125xi32, #tpu.memory_space<vmem>> -> memref<125xi32, #tpu.memory_space<vmem>>
        %dma_wait3A_166 = arith.constant 0 : i32
        %dma_wait3A_167 = arith.constant 0 : i32
        %dma_wait3A_168 = tpu.memref_slice %arg2[%dma_wait3A_166, %dma_wait3A_167] : memref<10000x128xf32, #tpu.memory_space<hbm>> -> memref<10000x128xf32, #tpu.memory_space<hbm>>
        tpu.wait_indirect_dma semaphore(%arg10 : memref<!tpu.dma_semaphore, #tpu.memory_space<semaphore_mem>>) src(%dma_wait3A_168 : memref<10000x128xf32, #tpu.memory_space<hbm>>) dst(%arg8 : memref<125x128xf32, #tpu.memory_space<vmem>>)
        %sub3A_169 = arith.constant 1 : i32
        %sub3A_170 = arith.subi %add3A_151, %sub3A_169 : i32
        %dma_start3A_171 = arith.constant 0 : i32
        %dma_start3A_172 = tpu.memref_slice %arg7[%sub3A_170, %dma_start3A_171] : memref<40x125xi32, #tpu.memory_space<vmem>> -> memref<1x125xi32, #tpu.memory_space<vmem>>
        %dma_start3A_173 = tpu.memref_squeeze %dma_start3A_172 : memref<1x125xi32, #tpu.memory_space<vmem>> -> memref<125xi32, #tpu.memory_space<vmem>>
        %dma_start3A_174 = arith.constant 0 : i32
        %dma_start3A_175 = arith.constant 0 : i32
        %dma_start3A_176 = tpu.memref_slice %arg6[%dma_start3A_174, %dma_start3A_175] : memref<10000x128xf32, #tpu.memory_space<vmem_shared>> -> memref<10000x128xf32, #tpu.memory_space<vmem_shared>>
        tpu.enqueue_indirect_dma source(%arg8 : memref<125x128xf32, #tpu.memory_space<vmem>>) target(%dma_start3A_176 : memref<10000x128xf32, #tpu.memory_space<vmem_shared>>) offsets(%dma_start3A_173 : memref<125xi32, #tpu.memory_space<vmem>>) semaphore(%arg13 : memref<!tpu.dma_semaphore, #tpu.memory_space<semaphore_mem>>) {add = true}
      } else {
      }
    }
    %scan3A_95 = arith.constant 20 : i32
    %dma_wait3A_96 = arith.constant 39 : i32
    %dma_wait3A_97 = arith.constant 0 : i32
    %dma_wait3A_98 = tpu.memref_slice %arg15[%dma_wait3A_96, %dma_wait3A_97] : memref<40x125xi32, #tpu.memory_space<vmem>> -> memref<1x125xi32, #tpu.memory_space<vmem>>
    %dma_wait3A_99 = tpu.memref_squeeze %dma_wait3A_98 : memref<1x125xi32, #tpu.memory_space<vmem>> -> memref<125xi32, #tpu.memory_space<vmem>>
    %dma_wait3A_100 = arith.constant 0 : i32
    %dma_wait3A_101 = arith.constant 0 : i32
    %dma_wait3A_102 = tpu.memref_slice %arg2[%dma_wait3A_100, %dma_wait3A_101] : memref<10000x128xf32, #tpu.memory_space<hbm>> -> memref<10000x128xf32, #tpu.memory_space<hbm>>
    tpu.wait_indirect_dma semaphore(%arg11 : memref<!tpu.dma_semaphore, #tpu.memory_space<semaphore_mem>>) src(%dma_wait3A_102 : memref<10000x128xf32, #tpu.memory_space<hbm>>) dst(%arg9 : memref<125x128xf32, #tpu.memory_space<vmem>>)
    %dma_start3A_103 = arith.constant 39 : i32
    %dma_start3A_104 = arith.constant 0 : i32
    %dma_start3A_105 = tpu.memref_slice %arg7[%dma_start3A_103, %dma_start3A_104] : memref<40x125xi32, #tpu.memory_space<vmem>> -> memref<1x125xi32, #tpu.memory_space<vmem>>
    %dma_start3A_106 = tpu.memref_squeeze %dma_start3A_105 : memref<1x125xi32, #tpu.memory_space<vmem>> -> memref<125xi32, #tpu.memory_space<vmem>>
    %dma_start3A_107 = arith.constant 0 : i32
    %dma_start3A_108 = arith.constant 0 : i32
    %dma_start3A_109 = tpu.memref_slice %arg6[%dma_start3A_107, %dma_start3A_108] : memref<10000x128xf32, #tpu.memory_space<vmem_shared>> -> memref<10000x128xf32, #tpu.memory_space<vmem_shared>>
    tpu.enqueue_indirect_dma source(%arg9 : memref<125x128xf32, #tpu.memory_space<vmem>>) target(%dma_start3A_109 : memref<10000x128xf32, #tpu.memory_space<vmem_shared>>) offsets(%dma_start3A_106 : memref<125xi32, #tpu.memory_space<vmem>>) semaphore(%arg14 : memref<!tpu.dma_semaphore, #tpu.memory_space<semaphore_mem>>) {add = true}
    %dma_wait3A_110 = arith.constant 38 : i32
    %dma_wait3A_111 = arith.constant 0 : i32
    %dma_wait3A_112 = tpu.memref_slice %arg7[%dma_wait3A_110, %dma_wait3A_111] : memref<40x125xi32, #tpu.memory_space<vmem>> -> memref<1x125xi32, #tpu.memory_space<vmem>>
    %dma_wait3A_113 = tpu.memref_squeeze %dma_wait3A_112 : memref<1x125xi32, #tpu.memory_space<vmem>> -> memref<125xi32, #tpu.memory_space<vmem>>
    %dma_wait3A_114 = arith.constant 0 : i32
    %dma_wait3A_115 = arith.constant 0 : i32
    %dma_wait3A_116 = tpu.memref_slice %arg6[%dma_wait3A_114, %dma_wait3A_115] : memref<10000x128xf32, #tpu.memory_space<vmem_shared>> -> memref<10000x128xf32, #tpu.memory_space<vmem_shared>>
    tpu.wait_indirect_dma semaphore(%arg13 : memref<!tpu.dma_semaphore, #tpu.memory_space<semaphore_mem>>) src(%arg8 : memref<125x128xf32, #tpu.memory_space<vmem>>) dst(%dma_wait3A_116 : memref<10000x128xf32, #tpu.memory_space<vmem_shared>>)
    %dma_wait3A_117 = arith.constant 39 : i32
    %dma_wait3A_118 = arith.constant 0 : i32
    %dma_wait3A_119 = tpu.memref_slice %arg7[%dma_wait3A_117, %dma_wait3A_118] : memref<40x125xi32, #tpu.memory_space<vmem>> -> memref<1x125xi32, #tpu.memory_space<vmem>>
    %dma_wait3A_120 = tpu.memref_squeeze %dma_wait3A_119 : memref<1x125xi32, #tpu.memory_space<vmem>> -> memref<125xi32, #tpu.memory_space<vmem>>
    %dma_wait3A_121 = arith.constant 0 : i32
    %dma_wait3A_122 = arith.constant 0 : i32
    %dma_wait3A_123 = tpu.memref_slice %arg6[%dma_wait3A_121, %dma_wait3A_122] : memref<10000x128xf32, #tpu.memory_space<vmem_shared>> -> memref<10000x128xf32, #tpu.memory_space<vmem_shared>>
    tpu.wait_indirect_dma semaphore(%arg14 : memref<!tpu.dma_semaphore, #tpu.memory_space<semaphore_mem>>) src(%arg9 : memref<125x128xf32, #tpu.memory_space<vmem>>) dst(%dma_wait3A_123 : memref<10000x128xf32, #tpu.memory_space<vmem_shared>>)
    %barrier3A_124 = arith.constant 0 : index
    tpu.barrier barrier_id(%barrier3A_124)
    %mul3A_125 = arith.constant 624 : i32
    %mul3A_126 = arith.muli %arg1, %mul3A_125 : i32
    %mul3A_127 = arith.constant 624 : i32
    %mul3A_128 = arith.muli %arg1, %mul3A_127 : i32
    "tpu.region"() ({
      %run_scoped3A = tpu.sem_alloc : memref<!tpu.dma_semaphore, #tpu.memory_space<semaphore_mem>>
      %dma_start3A_134 = arith.constant 0 : i32
      %dma_start3A_135 = tpu.memref_slice %arg5[%arg0, %mul3A_128, %dma_start3A_134] : memref<2x10000x128xf32, #tpu.memory_space<hbm>> -> memref<1x624x128xf32, #tpu.memory_space<hbm>>
      %dma_start3A_136 = tpu.memref_squeeze %dma_start3A_135 : memref<1x624x128xf32, #tpu.memory_space<hbm>> -> memref<624x128xf32, #tpu.memory_space<hbm>>
      %dma_start3A_137 = arith.constant 0 : i32
      %dma_start3A_138 = tpu.memref_slice %arg6[%mul3A_126, %dma_start3A_137] : memref<10000x128xf32, #tpu.memory_space<vmem_shared>> -> memref<624x128xf32, #tpu.memory_space<vmem_shared>>
      tpu.enqueue_dma source(%dma_start3A_138 : memref<624x128xf32, #tpu.memory_space<vmem_shared>>) target(%dma_start3A_136 : memref<624x128xf32, #tpu.memory_space<hbm>>) target_semaphore(%run_scoped3A : memref<!tpu.dma_semaphore, #tpu.memory_space<semaphore_mem>>)
      %dma_wait3A_139 = arith.constant 0 : i32
      %dma_wait3A_140 = tpu.memref_slice %arg5[%arg0, %mul3A_128, %dma_wait3A_139] : memref<2x10000x128xf32, #tpu.memory_space<hbm>> -> memref<1x624x128xf32, #tpu.memory_space<hbm>>
      %dma_wait3A_141 = tpu.memref_squeeze %dma_wait3A_140 : memref<1x624x128xf32, #tpu.memory_space<hbm>> -> memref<624x128xf32, #tpu.memory_space<hbm>>
      %dma_wait3A_142 = arith.constant 0 : i32
      %dma_wait3A_143 = tpu.memref_slice %arg6[%mul3A_126, %dma_wait3A_142] : memref<10000x128xf32, #tpu.memory_space<vmem_shared>> -> memref<624x128xf32, #tpu.memory_space<vmem_shared>>
      tpu.wait_dma2 semaphore(%run_scoped3A : memref<!tpu.dma_semaphore, #tpu.memory_space<semaphore_mem>>) src(%dma_wait3A_143 : memref<624x128xf32, #tpu.memory_space<vmem_shared>>) dst(%dma_wait3A_141 : memref<624x128xf32, #tpu.memory_space<hbm>>)
      tpu.yield
    }) : () -> ()
    %eq3A_129 = arith.constant 15 : i32
    %eq3A_130 = arith.cmpi eq, %arg1, %eq3A_129 : i32
    %convert_element_type3A_131 = arith.extui %eq3A_130 : i1 to i32
    %cond3A_132 = arith.constant 0 : i32
    %cond3A_133 = arith.cmpi ne, %convert_element_type3A_131, %cond3A_132 : i32
    scf.if %cond3A_133 {
      "tpu.region"() ({
        %run_scoped3A = tpu.sem_alloc : memref<!tpu.dma_semaphore, #tpu.memory_space<semaphore_mem>>
        %dma_start3A_134 = arith.constant 9984 : i32
        %dma_start3A_135 = arith.constant 0 : i32
        %dma_start3A_136 = tpu.memref_slice %arg5[%arg0, %dma_start3A_134, %dma_start3A_135] : memref<2x10000x128xf32, #tpu.memory_space<hbm>> -> memref<1x16x128xf32, #tpu.memory_space<hbm>>
        %dma_start3A_137 = tpu.memref_squeeze %dma_start3A_136 : memref<1x16x128xf32, #tpu.memory_space<hbm>> -> memref<16x128xf32, #tpu.memory_space<hbm>>
        %dma_start3A_138 = arith.constant 9984 : i32
        %dma_start3A_139 = arith.constant 0 : i32
        %dma_start3A_140 = tpu.memref_slice %arg6[%dma_start3A_138, %dma_start3A_139] : memref<10000x128xf32, #tpu.memory_space<vmem_shared>> -> memref<16x128xf32, #tpu.memory_space<vmem_shared>>
        tpu.enqueue_dma source(%dma_start3A_140 : memref<16x128xf32, #tpu.memory_space<vmem_shared>>) target(%dma_start3A_137 : memref<16x128xf32, #tpu.memory_space<hbm>>) target_semaphore(%run_scoped3A : memref<!tpu.dma_semaphore, #tpu.memory_space<semaphore_mem>>)
        %dma_wait3A_141 = arith.constant 9984 : i32
        %dma_wait3A_142 = arith.constant 0 : i32
        %dma_wait3A_143 = tpu.memref_slice %arg5[%arg0, %dma_wait3A_141, %dma_wait3A_142] : memref<2x10000x128xf32, #tpu.memory_space<hbm>> -> memref<1x16x128xf32, #tpu.memory_space<hbm>>
        %dma_wait3A_144 = tpu.memref_squeeze %dma_wait3A_143 : memref<1x16x128xf32, #tpu.memory_space<hbm>> -> memref<16x128xf32, #tpu.memory_space<hbm>>
        %dma_wait3A_145 = arith.constant 9984 : i32
        %dma_wait3A_146 = arith.constant 0 : i32
        %dma_wait3A_147 = tpu.memref_slice %arg6[%dma_wait3A_145, %dma_wait3A_146] : memref<10000x128xf32, #tpu.memory_space<vmem_shared>> -> memref<16x128xf32, #tpu.memory_space<vmem_shared>>
        tpu.wait_dma2 semaphore(%run_scoped3A : memref<!tpu.dma_semaphore, #tpu.memory_space<semaphore_mem>>) src(%dma_wait3A_147 : memref<16x128xf32, #tpu.memory_space<vmem_shared>>) dst(%dma_wait3A_144 : memref<16x128xf32, #tpu.memory_space<hbm>>)
        tpu.yield
      }) : () -> ()
    } else {
    }
    return
  }
}

#map = affine_map<(d0, d1) -> (0, 0)>
#map1 = affine_map<(d0, d1) -> (0)>
module attributes {stable_mosaic.version = 14 : i64} {
  func.func @_sc_deg(%arg0: i32, %arg1: i32, %arg2: memref<2560x125xi32, #tpu.memory_space<hbm>>, %arg3: memref<10240xf32, #tpu.memory_space<hbm>>, %arg4: memref<10240xf32, #tpu.memory_space<hbm>>, %arg5: memref<10240xf32, #tpu.memory_space<vmem_shared>>, %arg6: memref<80x125xi32, #tpu.memory_space<vmem>>, %arg7: memref<128xf32, #tpu.memory_space<vmem>>, %arg8: memref<!tpu.dma_semaphore, #tpu.memory_space<semaphore_mem>>, %arg9: memref<640xf32, #tpu.memory_space<vmem>>) attributes {dimension_semantics = [#tpu.dimension_semantics<core_parallel>, #tpu.dimension_semantics<subcore_parallel>], iteration_bounds = array<i64: 2, 16>, scalar_prefetch = 0 : i64, scratch_operands = 5 : i64, tpu.core_type = #tpu.core_type<sc_vector_subcore>, window_params = [{transform_indices = #map}, {transform_indices = #map1}, {transform_indices = #map1}]} {
    %mul3A = arith.constant 2 : i32
    %mul3A_0 = arith.muli %arg1, %mul3A : i32
    %add3A = arith.addi %mul3A_0, %arg0 : i32
    %broadcast_in_dim3A = arith.constant 1.000000e+00 : f32
    %broadcast_in_dim3A_1 = vector.broadcast %broadcast_in_dim3A : f32 to vector<16xf32>
    %swap3A = arith.constant 0 : index
    %swap3A_2 = tpu.vector_load %arg7[%swap3A] {strides = array<i32>} : memref<128xf32, #tpu.memory_space<vmem>>, vector<16xf32>,
    %swap3A_3 = vector.shape_cast %swap3A_2 : vector<16xf32> to vector<16xf32>
    %swap3A_4 = vector.shape_cast %broadcast_in_dim3A_1 : vector<16xf32> to vector<16xf32>
    tpu.vector_store %arg7[%swap3A], %swap3A_4 {strides = array<i32>} : memref<128xf32, #tpu.memory_space<vmem>>, vector<16xf32>,
    %broadcast_in_dim3A_5 = arith.constant 1.000000e+00 : f32
    %broadcast_in_dim3A_6 = vector.broadcast %broadcast_in_dim3A_5 : f32 to vector<16xf32>
    %swap3A_7 = arith.constant 16 : index
    %swap3A_8 = tpu.vector_load %arg7[%swap3A_7] {strides = array<i32>} : memref<128xf32, #tpu.memory_space<vmem>>, vector<16xf32>,
    %swap3A_9 = vector.shape_cast %swap3A_8 : vector<16xf32> to vector<16xf32>
    %swap3A_10 = vector.shape_cast %broadcast_in_dim3A_6 : vector<16xf32> to vector<16xf32>
    tpu.vector_store %arg7[%swap3A_7], %swap3A_10 {strides = array<i32>} : memref<128xf32, #tpu.memory_space<vmem>>, vector<16xf32>,
    %broadcast_in_dim3A_11 = arith.constant 1.000000e+00 : f32
    %broadcast_in_dim3A_12 = vector.broadcast %broadcast_in_dim3A_11 : f32 to vector<16xf32>
    %swap3A_13 = arith.constant 32 : index
    %swap3A_14 = tpu.vector_load %arg7[%swap3A_13] {strides = array<i32>} : memref<128xf32, #tpu.memory_space<vmem>>, vector<16xf32>,
    %swap3A_15 = vector.shape_cast %swap3A_14 : vector<16xf32> to vector<16xf32>
    %swap3A_16 = vector.shape_cast %broadcast_in_dim3A_12 : vector<16xf32> to vector<16xf32>
    tpu.vector_store %arg7[%swap3A_13], %swap3A_16 {strides = array<i32>} : memref<128xf32, #tpu.memory_space<vmem>>, vector<16xf32>,
    %broadcast_in_dim3A_17 = arith.constant 1.000000e+00 : f32
    %broadcast_in_dim3A_18 = vector.broadcast %broadcast_in_dim3A_17 : f32 to vector<16xf32>
    %swap3A_19 = arith.constant 48 : index
    %swap3A_20 = tpu.vector_load %arg7[%swap3A_19] {strides = array<i32>} : memref<128xf32, #tpu.memory_space<vmem>>, vector<16xf32>,
    %swap3A_21 = vector.shape_cast %swap3A_20 : vector<16xf32> to vector<16xf32>
    %swap3A_22 = vector.shape_cast %broadcast_in_dim3A_18 : vector<16xf32> to vector<16xf32>
    tpu.vector_store %arg7[%swap3A_19], %swap3A_22 {strides = array<i32>} : memref<128xf32, #tpu.memory_space<vmem>>, vector<16xf32>,
    %broadcast_in_dim3A_23 = arith.constant 1.000000e+00 : f32
    %broadcast_in_dim3A_24 = vector.broadcast %broadcast_in_dim3A_23 : f32 to vector<16xf32>
    %swap3A_25 = arith.constant 64 : index
    %swap3A_26 = tpu.vector_load %arg7[%swap3A_25] {strides = array<i32>} : memref<128xf32, #tpu.memory_space<vmem>>, vector<16xf32>,
    %swap3A_27 = vector.shape_cast %swap3A_26 : vector<16xf32> to vector<16xf32>
    %swap3A_28 = vector.shape_cast %broadcast_in_dim3A_24 : vector<16xf32> to vector<16xf32>
    tpu.vector_store %arg7[%swap3A_25], %swap3A_28 {strides = array<i32>} : memref<128xf32, #tpu.memory_space<vmem>>, vector<16xf32>,
    %broadcast_in_dim3A_29 = arith.constant 1.000000e+00 : f32
    %broadcast_in_dim3A_30 = vector.broadcast %broadcast_in_dim3A_29 : f32 to vector<16xf32>
    %swap3A_31 = arith.constant 80 : index
    %swap3A_32 = tpu.vector_load %arg7[%swap3A_31] {strides = array<i32>} : memref<128xf32, #tpu.memory_space<vmem>>, vector<16xf32>,
    %swap3A_33 = vector.shape_cast %swap3A_32 : vector<16xf32> to vector<16xf32>
    %swap3A_34 = vector.shape_cast %broadcast_in_dim3A_30 : vector<16xf32> to vector<16xf32>
    tpu.vector_store %arg7[%swap3A_31], %swap3A_34 {strides = array<i32>} : memref<128xf32, #tpu.memory_space<vmem>>, vector<16xf32>,
    %broadcast_in_dim3A_35 = arith.constant 1.000000e+00 : f32
    %broadcast_in_dim3A_36 = vector.broadcast %broadcast_in_dim3A_35 : f32 to vector<16xf32>
    %swap3A_37 = arith.constant 96 : index
    %swap3A_38 = tpu.vector_load %arg7[%swap3A_37] {strides = array<i32>} : memref<128xf32, #tpu.memory_space<vmem>>, vector<16xf32>,
    %swap3A_39 = vector.shape_cast %swap3A_38 : vector<16xf32> to vector<16xf32>
    %swap3A_40 = vector.shape_cast %broadcast_in_dim3A_36 : vector<16xf32> to vector<16xf32>
    tpu.vector_store %arg7[%swap3A_37], %swap3A_40 {strides = array<i32>} : memref<128xf32, #tpu.memory_space<vmem>>, vector<16xf32>,
    %broadcast_in_dim3A_41 = arith.constant 1.000000e+00 : f32
    %broadcast_in_dim3A_42 = vector.broadcast %broadcast_in_dim3A_41 : f32 to vector<16xf32>
    %swap3A_43 = arith.constant 112 : index
    %swap3A_44 = tpu.vector_load %arg7[%swap3A_43] {strides = array<i32>} : memref<128xf32, #tpu.memory_space<vmem>>, vector<16xf32>,
    %swap3A_45 = vector.shape_cast %swap3A_44 : vector<16xf32> to vector<16xf32>
    %swap3A_46 = vector.shape_cast %broadcast_in_dim3A_42 : vector<16xf32> to vector<16xf32>
    tpu.vector_store %arg7[%swap3A_43], %swap3A_46 {strides = array<i32>} : memref<128xf32, #tpu.memory_space<vmem>>, vector<16xf32>,
    %broadcast_in_dim3A_47 = arith.constant 0.000000e+00 : f32
    %broadcast_in_dim3A_48 = vector.broadcast %broadcast_in_dim3A_47 : f32 to vector<16xf32>
    %swap3A_49 = arith.constant 0 : index
    %swap3A_50 = tpu.vector_load %arg9[%swap3A_49] {strides = array<i32>} : memref<640xf32, #tpu.memory_space<vmem>>, vector<16xf32>,
    %swap3A_51 = vector.shape_cast %swap3A_50 : vector<16xf32> to vector<16xf32>
    %swap3A_52 = vector.shape_cast %broadcast_in_dim3A_48 : vector<16xf32> to vector<16xf32>
    tpu.vector_store %arg9[%swap3A_49], %swap3A_52 {strides = array<i32>} : memref<640xf32, #tpu.memory_space<vmem>>, vector<16xf32>,
    %broadcast_in_dim3A_53 = arith.constant 0.000000e+00 : f32
    %broadcast_in_dim3A_54 = vector.broadcast %broadcast_in_dim3A_53 : f32 to vector<16xf32>
    %swap3A_55 = arith.constant 16 : index
    %swap3A_56 = tpu.vector_load %arg9[%swap3A_55] {strides = array<i32>} : memref<640xf32, #tpu.memory_space<vmem>>, vector<16xf32>,
    %swap3A_57 = vector.shape_cast %swap3A_56 : vector<16xf32> to vector<16xf32>
    %swap3A_58 = vector.shape_cast %broadcast_in_dim3A_54 : vector<16xf32> to vector<16xf32>
    tpu.vector_store %arg9[%swap3A_55], %swap3A_58 {strides = array<i32>} : memref<640xf32, #tpu.memory_space<vmem>>, vector<16xf32>,
    %broadcast_in_dim3A_59 = arith.constant 0.000000e+00 : f32
    %broadcast_in_dim3A_60 = vector.broadcast %broadcast_in_dim3A_59 : f32 to vector<16xf32>
    %swap3A_61 = arith.constant 32 : index
    %swap3A_62 = tpu.vector_load %arg9[%swap3A_61] {strides = array<i32>} : memref<640xf32, #tpu.memory_space<vmem>>, vector<16xf32>,
    %swap3A_63 = vector.shape_cast %swap3A_62 : vector<16xf32> to vector<16xf32>
    %swap3A_64 = vector.shape_cast %broadcast_in_dim3A_60 : vector<16xf32> to vector<16xf32>
    tpu.vector_store %arg9[%swap3A_61], %swap3A_64 {strides = array<i32>} : memref<640xf32, #tpu.memory_space<vmem>>, vector<16xf32>,
    %broadcast_in_dim3A_65 = arith.constant 0.000000e+00 : f32
    %broadcast_in_dim3A_66 = vector.broadcast %broadcast_in_dim3A_65 : f32 to vector<16xf32>
    %swap3A_67 = arith.constant 48 : index
    %swap3A_68 = tpu.vector_load %arg9[%swap3A_67] {strides = array<i32>} : memref<640xf32, #tpu.memory_space<vmem>>, vector<16xf32>,
    %swap3A_69 = vector.shape_cast %swap3A_68 : vector<16xf32> to vector<16xf32>
    %swap3A_70 = vector.shape_cast %broadcast_in_dim3A_66 : vector<16xf32> to vector<16xf32>
    tpu.vector_store %arg9[%swap3A_67], %swap3A_70 {strides = array<i32>} : memref<640xf32, #tpu.memory_space<vmem>>, vector<16xf32>,
    %broadcast_in_dim3A_71 = arith.constant 0.000000e+00 : f32
    %broadcast_in_dim3A_72 = vector.broadcast %broadcast_in_dim3A_71 : f32 to vector<16xf32>
    %swap3A_73 = arith.constant 64 : index
    %swap3A_74 = tpu.vector_load %arg9[%swap3A_73] {strides = array<i32>} : memref<640xf32, #tpu.memory_space<vmem>>, vector<16xf32>,
    %swap3A_75 = vector.shape_cast %swap3A_74 : vector<16xf32> to vector<16xf32>
    %swap3A_76 = vector.shape_cast %broadcast_in_dim3A_72 : vector<16xf32> to vector<16xf32>
    tpu.vector_store %arg9[%swap3A_73], %swap3A_76 {strides = array<i32>} : memref<640xf32, #tpu.memory_space<vmem>>, vector<16xf32>,
    %broadcast_in_dim3A_77 = arith.constant 0.000000e+00 : f32
    %broadcast_in_dim3A_78 = vector.broadcast %broadcast_in_dim3A_77 : f32 to vector<16xf32>
    %swap3A_79 = arith.constant 80 : index
    %swap3A_80 = tpu.vector_load %arg9[%swap3A_79] {strides = array<i32>} : memref<640xf32, #tpu.memory_space<vmem>>, vector<16xf32>,
    %swap3A_81 = vector.shape_cast %swap3A_80 : vector<16xf32> to vector<16xf32>
    %swap3A_82 = vector.shape_cast %broadcast_in_dim3A_78 : vector<16xf32> to vector<16xf32>
    tpu.vector_store %arg9[%swap3A_79], %swap3A_82 {strides = array<i32>} : memref<640xf32, #tpu.memory_space<vmem>>, vector<16xf32>,
    %broadcast_in_dim3A_83 = arith.constant 0.000000e+00 : f32
    %broadcast_in_dim3A_84 = vector.broadcast %broadcast_in_dim3A_83 : f32 to vector<16xf32>
    %swap3A_85 = arith.constant 96 : index
    %swap3A_86 = tpu.vector_load %arg9[%swap3A_85] {strides = array<i32>} : memref<640xf32, #tpu.memory_space<vmem>>, vector<16xf32>,
    %swap3A_87 = vector.shape_cast %swap3A_86 : vector<16xf32> to vector<16xf32>
    %swap3A_88 = vector.shape_cast %broadcast_in_dim3A_84 : vector<16xf32> to vector<16xf32>
    tpu.vector_store %arg9[%swap3A_85], %swap3A_88 {strides = array<i32>} : memref<640xf32, #tpu.memory_space<vmem>>, vector<16xf32>,
    %broadcast_in_dim3A_89 = arith.constant 0.000000e+00 : f32
    %broadcast_in_dim3A_90 = vector.broadcast %broadcast_in_dim3A_89 : f32 to vector<16xf32>
    %swap3A_91 = arith.constant 112 : index
    %swap3A_92 = tpu.vector_load %arg9[%swap3A_91] {strides = array<i32>} : memref<640xf32, #tpu.memory_space<vmem>>, vector<16xf32>,
    %swap3A_93 = vector.shape_cast %swap3A_92 : vector<16xf32> to vector<16xf32>
    %swap3A_94 = vector.shape_cast %broadcast_in_dim3A_90 : vector<16xf32> to vector<16xf32>
    tpu.vector_store %arg9[%swap3A_91], %swap3A_94 {strides = array<i32>} : memref<640xf32, #tpu.memory_space<vmem>>, vector<16xf32>,
    %broadcast_in_dim3A_95 = arith.constant 0.000000e+00 : f32
    %broadcast_in_dim3A_96 = vector.broadcast %broadcast_in_dim3A_95 : f32 to vector<16xf32>
    %swap3A_97 = arith.constant 128 : index
    %swap3A_98 = tpu.vector_load %arg9[%swap3A_97] {strides = array<i32>} : memref<640xf32, #tpu.memory_space<vmem>>, vector<16xf32>,
    %swap3A_99 = vector.shape_cast %swap3A_98 : vector<16xf32> to vector<16xf32>
    %swap3A_100 = vector.shape_cast %broadcast_in_dim3A_96 : vector<16xf32> to vector<16xf32>
    tpu.vector_store %arg9[%swap3A_97], %swap3A_100 {strides = array<i32>} : memref<640xf32, #tpu.memory_space<vmem>>, vector<16xf32>,
    %broadcast_in_dim3A_101 = arith.constant 0.000000e+00 : f32
    %broadcast_in_dim3A_102 = vector.broadcast %broadcast_in_dim3A_101 : f32 to vector<16xf32>
    %swap3A_103 = arith.constant 144 : index
    %swap3A_104 = tpu.vector_load %arg9[%swap3A_103] {strides = array<i32>} : memref<640xf32, #tpu.memory_space<vmem>>, vector<16xf32>,
    %swap3A_105 = vector.shape_cast %swap3A_104 : vector<16xf32> to vector<16xf32>
    %swap3A_106 = vector.shape_cast %broadcast_in_dim3A_102 : vector<16xf32> to vector<16xf32>
    tpu.vector_store %arg9[%swap3A_103], %swap3A_106 {strides = array<i32>} : memref<640xf32, #tpu.memory_space<vmem>>, vector<16xf32>,
    %broadcast_in_dim3A_107 = arith.constant 0.000000e+00 : f32
    %broadcast_in_dim3A_108 = vector.broadcast %broadcast_in_dim3A_107 : f32 to vector<16xf32>
    %swap3A_109 = arith.constant 160 : index
    %swap3A_110 = tpu.vector_load %arg9[%swap3A_109] {strides = array<i32>} : memref<640xf32, #tpu.memory_space<vmem>>, vector<16xf32>,
    %swap3A_111 = vector.shape_cast %swap3A_110 : vector<16xf32> to vector<16xf32>
    %swap3A_112 = vector.shape_cast %broadcast_in_dim3A_108 : vector<16xf32> to vector<16xf32>
    tpu.vector_store %arg9[%swap3A_109], %swap3A_112 {strides = array<i32>} : memref<640xf32, #tpu.memory_space<vmem>>, vector<16xf32>,
    %broadcast_in_dim3A_113 = arith.constant 0.000000e+00 : f32
    %broadcast_in_dim3A_114 = vector.broadcast %broadcast_in_dim3A_113 : f32 to vector<16xf32>
    %swap3A_115 = arith.constant 176 : index
    %swap3A_116 = tpu.vector_load %arg9[%swap3A_115] {strides = array<i32>} : memref<640xf32, #tpu.memory_space<vmem>>, vector<16xf32>,
    %swap3A_117 = vector.shape_cast %swap3A_116 : vector<16xf32> to vector<16xf32>
    %swap3A_118 = vector.shape_cast %broadcast_in_dim3A_114 : vector<16xf32> to vector<16xf32>
    tpu.vector_store %arg9[%swap3A_115], %swap3A_118 {strides = array<i32>} : memref<640xf32, #tpu.memory_space<vmem>>, vector<16xf32>,
    %broadcast_in_dim3A_119 = arith.constant 0.000000e+00 : f32
    %broadcast_in_dim3A_120 = vector.broadcast %broadcast_in_dim3A_119 : f32 to vector<16xf32>
    %swap3A_121 = arith.constant 192 : index
    %swap3A_122 = tpu.vector_load %arg9[%swap3A_121] {strides = array<i32>} : memref<640xf32, #tpu.memory_space<vmem>>, vector<16xf32>,
    %swap3A_123 = vector.shape_cast %swap3A_122 : vector<16xf32> to vector<16xf32>
    %swap3A_124 = vector.shape_cast %broadcast_in_dim3A_120 : vector<16xf32> to vector<16xf32>
    tpu.vector_store %arg9[%swap3A_121], %swap3A_124 {strides = array<i32>} : memref<640xf32, #tpu.memory_space<vmem>>, vector<16xf32>,
    %broadcast_in_dim3A_125 = arith.constant 0.000000e+00 : f32
    %broadcast_in_dim3A_126 = vector.broadcast %broadcast_in_dim3A_125 : f32 to vector<16xf32>
    %swap3A_127 = arith.constant 208 : index
    %swap3A_128 = tpu.vector_load %arg9[%swap3A_127] {strides = array<i32>} : memref<640xf32, #tpu.memory_space<vmem>>, vector<16xf32>,
    %swap3A_129 = vector.shape_cast %swap3A_128 : vector<16xf32> to vector<16xf32>
    %swap3A_130 = vector.shape_cast %broadcast_in_dim3A_126 : vector<16xf32> to vector<16xf32>
    tpu.vector_store %arg9[%swap3A_127], %swap3A_130 {strides = array<i32>} : memref<640xf32, #tpu.memory_space<vmem>>, vector<16xf32>,
    %broadcast_in_dim3A_131 = arith.constant 0.000000e+00 : f32
    %broadcast_in_dim3A_132 = vector.broadcast %broadcast_in_dim3A_131 : f32 to vector<16xf32>
    %swap3A_133 = arith.constant 224 : index
    %swap3A_134 = tpu.vector_load %arg9[%swap3A_133] {strides = array<i32>} : memref<640xf32, #tpu.memory_space<vmem>>, vector<16xf32>,
    %swap3A_135 = vector.shape_cast %swap3A_134 : vector<16xf32> to vector<16xf32>
    %swap3A_136 = vector.shape_cast %broadcast_in_dim3A_132 : vector<16xf32> to vector<16xf32>
    tpu.vector_store %arg9[%swap3A_133], %swap3A_136 {strides = array<i32>} : memref<640xf32, #tpu.memory_space<vmem>>, vector<16xf32>,
    %broadcast_in_dim3A_137 = arith.constant 0.000000e+00 : f32
    %broadcast_in_dim3A_138 = vector.broadcast %broadcast_in_dim3A_137 : f32 to vector<16xf32>
    %swap3A_139 = arith.constant 240 : index
    %swap3A_140 = tpu.vector_load %arg9[%swap3A_139] {strides = array<i32>} : memref<640xf32, #tpu.memory_space<vmem>>, vector<16xf32>,
    %swap3A_141 = vector.shape_cast %swap3A_140 : vector<16xf32> to vector<16xf32>
    %swap3A_142 = vector.shape_cast %broadcast_in_dim3A_138 : vector<16xf32> to vector<16xf32>
    tpu.vector_store %arg9[%swap3A_139], %swap3A_142 {strides = array<i32>} : memref<640xf32, #tpu.memory_space<vmem>>, vector<16xf32>,
    %broadcast_in_dim3A_143 = arith.constant 0.000000e+00 : f32
    %broadcast_in_dim3A_144 = vector.broadcast %broadcast_in_dim3A_143 : f32 to vector<16xf32>
    %swap3A_145 = arith.constant 256 : index
    %swap3A_146 = tpu.vector_load %arg9[%swap3A_145] {strides = array<i32>} : memref<640xf32, #tpu.memory_space<vmem>>, vector<16xf32>,
    %swap3A_147 = vector.shape_cast %swap3A_146 : vector<16xf32> to vector<16xf32>
    %swap3A_148 = vector.shape_cast %broadcast_in_dim3A_144 : vector<16xf32> to vector<16xf32>
    tpu.vector_store %arg9[%swap3A_145], %swap3A_148 {strides = array<i32>} : memref<640xf32, #tpu.memory_space<vmem>>, vector<16xf32>,
    %broadcast_in_dim3A_149 = arith.constant 0.000000e+00 : f32
    %broadcast_in_dim3A_150 = vector.broadcast %broadcast_in_dim3A_149 : f32 to vector<16xf32>
    %swap3A_151 = arith.constant 272 : index
    %swap3A_152 = tpu.vector_load %arg9[%swap3A_151] {strides = array<i32>} : memref<640xf32, #tpu.memory_space<vmem>>, vector<16xf32>,
    %swap3A_153 = vector.shape_cast %swap3A_152 : vector<16xf32> to vector<16xf32>
    %swap3A_154 = vector.shape_cast %broadcast_in_dim3A_150 : vector<16xf32> to vector<16xf32>
    tpu.vector_store %arg9[%swap3A_151], %swap3A_154 {strides = array<i32>} : memref<640xf32, #tpu.memory_space<vmem>>, vector<16xf32>,
    %broadcast_in_dim3A_155 = arith.constant 0.000000e+00 : f32
    %broadcast_in_dim3A_156 = vector.broadcast %broadcast_in_dim3A_155 : f32 to vector<16xf32>
    %swap3A_157 = arith.constant 288 : index
    %swap3A_158 = tpu.vector_load %arg9[%swap3A_157] {strides = array<i32>} : memref<640xf32, #tpu.memory_space<vmem>>, vector<16xf32>,
    %swap3A_159 = vector.shape_cast %swap3A_158 : vector<16xf32> to vector<16xf32>
    %swap3A_160 = vector.shape_cast %broadcast_in_dim3A_156 : vector<16xf32> to vector<16xf32>
    tpu.vector_store %arg9[%swap3A_157], %swap3A_160 {strides = array<i32>} : memref<640xf32, #tpu.memory_space<vmem>>, vector<16xf32>,
    %broadcast_in_dim3A_161 = arith.constant 0.000000e+00 : f32
    %broadcast_in_dim3A_162 = vector.broadcast %broadcast_in_dim3A_161 : f32 to vector<16xf32>
    %swap3A_163 = arith.constant 304 : index
    %swap3A_164 = tpu.vector_load %arg9[%swap3A_163] {strides = array<i32>} : memref<640xf32, #tpu.memory_space<vmem>>, vector<16xf32>,
    %swap3A_165 = vector.shape_cast %swap3A_164 : vector<16xf32> to vector<16xf32>
    %swap3A_166 = vector.shape_cast %broadcast_in_dim3A_162 : vector<16xf32> to vector<16xf32>
    tpu.vector_store %arg9[%swap3A_163], %swap3A_166 {strides = array<i32>} : memref<640xf32, #tpu.memory_space<vmem>>, vector<16xf32>,
    %broadcast_in_dim3A_167 = arith.constant 0.000000e+00 : f32
    %broadcast_in_dim3A_168 = vector.broadcast %broadcast_in_dim3A_167 : f32 to vector<16xf32>
    %swap3A_169 = arith.constant 320 : index
    %swap3A_170 = tpu.vector_load %arg9[%swap3A_169] {strides = array<i32>} : memref<640xf32, #tpu.memory_space<vmem>>, vector<16xf32>,
    %swap3A_171 = vector.shape_cast %swap3A_170 : vector<16xf32> to vector<16xf32>
    %swap3A_172 = vector.shape_cast %broadcast_in_dim3A_168 : vector<16xf32> to vector<16xf32>
    tpu.vector_store %arg9[%swap3A_169], %swap3A_172 {strides = array<i32>} : memref<640xf32, #tpu.memory_space<vmem>>, vector<16xf32>,
    %broadcast_in_dim3A_173 = arith.constant 0.000000e+00 : f32
    %broadcast_in_dim3A_174 = vector.broadcast %broadcast_in_dim3A_173 : f32 to vector<16xf32>
    %swap3A_175 = arith.constant 336 : index
    %swap3A_176 = tpu.vector_load %arg9[%swap3A_175] {strides = array<i32>} : memref<640xf32, #tpu.memory_space<vmem>>, vector<16xf32>,
    %swap3A_177 = vector.shape_cast %swap3A_176 : vector<16xf32> to vector<16xf32>
    %swap3A_178 = vector.shape_cast %broadcast_in_dim3A_174 : vector<16xf32> to vector<16xf32>
    tpu.vector_store %arg9[%swap3A_175], %swap3A_178 {strides = array<i32>} : memref<640xf32, #tpu.memory_space<vmem>>, vector<16xf32>,
    %broadcast_in_dim3A_179 = arith.constant 0.000000e+00 : f32
    %broadcast_in_dim3A_180 = vector.broadcast %broadcast_in_dim3A_179 : f32 to vector<16xf32>
    %swap3A_181 = arith.constant 352 : index
    %swap3A_182 = tpu.vector_load %arg9[%swap3A_181] {strides = array<i32>} : memref<640xf32, #tpu.memory_space<vmem>>, vector<16xf32>,
    %swap3A_183 = vector.shape_cast %swap3A_182 : vector<16xf32> to vector<16xf32>
    %swap3A_184 = vector.shape_cast %broadcast_in_dim3A_180 : vector<16xf32> to vector<16xf32>
    tpu.vector_store %arg9[%swap3A_181], %swap3A_184 {strides = array<i32>} : memref<640xf32, #tpu.memory_space<vmem>>, vector<16xf32>,
    %broadcast_in_dim3A_185 = arith.constant 0.000000e+00 : f32
    %broadcast_in_dim3A_186 = vector.broadcast %broadcast_in_dim3A_185 : f32 to vector<16xf32>
    %swap3A_187 = arith.constant 368 : index
    %swap3A_188 = tpu.vector_load %arg9[%swap3A_187] {strides = array<i32>} : memref<640xf32, #tpu.memory_space<vmem>>, vector<16xf32>,
    %swap3A_189 = vector.shape_cast %swap3A_188 : vector<16xf32> to vector<16xf32>
    %swap3A_190 = vector.shape_cast %broadcast_in_dim3A_186 : vector<16xf32> to vector<16xf32>
    tpu.vector_store %arg9[%swap3A_187], %swap3A_190 {strides = array<i32>} : memref<640xf32, #tpu.memory_space<vmem>>, vector<16xf32>,
    %broadcast_in_dim3A_191 = arith.constant 0.000000e+00 : f32
    %broadcast_in_dim3A_192 = vector.broadcast %broadcast_in_dim3A_191 : f32 to vector<16xf32>
    %swap3A_193 = arith.constant 384 : index
    %swap3A_194 = tpu.vector_load %arg9[%swap3A_193] {strides = array<i32>} : memref<640xf32, #tpu.memory_space<vmem>>, vector<16xf32>,
    %swap3A_195 = vector.shape_cast %swap3A_194 : vector<16xf32> to vector<16xf32>
    %swap3A_196 = vector.shape_cast %broadcast_in_dim3A_192 : vector<16xf32> to vector<16xf32>
    tpu.vector_store %arg9[%swap3A_193], %swap3A_196 {strides = array<i32>} : memref<640xf32, #tpu.memory_space<vmem>>, vector<16xf32>,
    %broadcast_in_dim3A_197 = arith.constant 0.000000e+00 : f32
    %broadcast_in_dim3A_198 = vector.broadcast %broadcast_in_dim3A_197 : f32 to vector<16xf32>
    %swap3A_199 = arith.constant 400 : index
    %swap3A_200 = tpu.vector_load %arg9[%swap3A_199] {strides = array<i32>} : memref<640xf32, #tpu.memory_space<vmem>>, vector<16xf32>,
    %swap3A_201 = vector.shape_cast %swap3A_200 : vector<16xf32> to vector<16xf32>
    %swap3A_202 = vector.shape_cast %broadcast_in_dim3A_198 : vector<16xf32> to vector<16xf32>
    tpu.vector_store %arg9[%swap3A_199], %swap3A_202 {strides = array<i32>} : memref<640xf32, #tpu.memory_space<vmem>>, vector<16xf32>,
    %broadcast_in_dim3A_203 = arith.constant 0.000000e+00 : f32
    %broadcast_in_dim3A_204 = vector.broadcast %broadcast_in_dim3A_203 : f32 to vector<16xf32>
    %swap3A_205 = arith.constant 416 : index
    %swap3A_206 = tpu.vector_load %arg9[%swap3A_205] {strides = array<i32>} : memref<640xf32, #tpu.memory_space<vmem>>, vector<16xf32>,
    %swap3A_207 = vector.shape_cast %swap3A_206 : vector<16xf32> to vector<16xf32>
    %swap3A_208 = vector.shape_cast %broadcast_in_dim3A_204 : vector<16xf32> to vector<16xf32>
    tpu.vector_store %arg9[%swap3A_205], %swap3A_208 {strides = array<i32>} : memref<640xf32, #tpu.memory_space<vmem>>, vector<16xf32>,
    %broadcast_in_dim3A_209 = arith.constant 0.000000e+00 : f32
    %broadcast_in_dim3A_210 = vector.broadcast %broadcast_in_dim3A_209 : f32 to vector<16xf32>
    %swap3A_211 = arith.constant 432 : index
    %swap3A_212 = tpu.vector_load %arg9[%swap3A_211] {strides = array<i32>} : memref<640xf32, #tpu.memory_space<vmem>>, vector<16xf32>,
    %swap3A_213 = vector.shape_cast %swap3A_212 : vector<16xf32> to vector<16xf32>
    %swap3A_214 = vector.shape_cast %broadcast_in_dim3A_210 : vector<16xf32> to vector<16xf32>
    tpu.vector_store %arg9[%swap3A_211], %swap3A_214 {strides = array<i32>} : memref<640xf32, #tpu.memory_space<vmem>>, vector<16xf32>,
    %broadcast_in_dim3A_215 = arith.constant 0.000000e+00 : f32
    %broadcast_in_dim3A_216 = vector.broadcast %broadcast_in_dim3A_215 : f32 to vector<16xf32>
    %swap3A_217 = arith.constant 448 : index
    %swap3A_218 = tpu.vector_load %arg9[%swap3A_217] {strides = array<i32>} : memref<640xf32, #tpu.memory_space<vmem>>, vector<16xf32>,
    %swap3A_219 = vector.shape_cast %swap3A_218 : vector<16xf32> to vector<16xf32>
    %swap3A_220 = vector.shape_cast %broadcast_in_dim3A_216 : vector<16xf32> to vector<16xf32>
    tpu.vector_store %arg9[%swap3A_217], %swap3A_220 {strides = array<i32>} : memref<640xf32, #tpu.memory_space<vmem>>, vector<16xf32>,
    %broadcast_in_dim3A_221 = arith.constant 0.000000e+00 : f32
    %broadcast_in_dim3A_222 = vector.broadcast %broadcast_in_dim3A_221 : f32 to vector<16xf32>
    %swap3A_223 = arith.constant 464 : index
    %swap3A_224 = tpu.vector_load %arg9[%swap3A_223] {strides = array<i32>} : memref<640xf32, #tpu.memory_space<vmem>>, vector<16xf32>,
    %swap3A_225 = vector.shape_cast %swap3A_224 : vector<16xf32> to vector<16xf32>
    %swap3A_226 = vector.shape_cast %broadcast_in_dim3A_222 : vector<16xf32> to vector<16xf32>
    tpu.vector_store %arg9[%swap3A_223], %swap3A_226 {strides = array<i32>} : memref<640xf32, #tpu.memory_space<vmem>>, vector<16xf32>,
    %broadcast_in_dim3A_227 = arith.constant 0.000000e+00 : f32
    %broadcast_in_dim3A_228 = vector.broadcast %broadcast_in_dim3A_227 : f32 to vector<16xf32>
    %swap3A_229 = arith.constant 480 : index
    %swap3A_230 = tpu.vector_load %arg9[%swap3A_229] {strides = array<i32>} : memref<640xf32, #tpu.memory_space<vmem>>, vector<16xf32>,
    %swap3A_231 = vector.shape_cast %swap3A_230 : vector<16xf32> to vector<16xf32>
    %swap3A_232 = vector.shape_cast %broadcast_in_dim3A_228 : vector<16xf32> to vector<16xf32>
    tpu.vector_store %arg9[%swap3A_229], %swap3A_232 {strides = array<i32>} : memref<640xf32, #tpu.memory_space<vmem>>, vector<16xf32>,
    %broadcast_in_dim3A_233 = arith.constant 0.000000e+00 : f32
    %broadcast_in_dim3A_234 = vector.broadcast %broadcast_in_dim3A_233 : f32 to vector<16xf32>
    %swap3A_235 = arith.constant 496 : index
    %swap3A_236 = tpu.vector_load %arg9[%swap3A_235] {strides = array<i32>} : memref<640xf32, #tpu.memory_space<vmem>>, vector<16xf32>,
    %swap3A_237 = vector.shape_cast %swap3A_236 : vector<16xf32> to vector<16xf32>
    %swap3A_238 = vector.shape_cast %broadcast_in_dim3A_234 : vector<16xf32> to vector<16xf32>
    tpu.vector_store %arg9[%swap3A_235], %swap3A_238 {strides = array<i32>} : memref<640xf32, #tpu.memory_space<vmem>>, vector<16xf32>,
    %broadcast_in_dim3A_239 = arith.constant 0.000000e+00 : f32
    %broadcast_in_dim3A_240 = vector.broadcast %broadcast_in_dim3A_239 : f32 to vector<16xf32>
    %swap3A_241 = arith.constant 512 : index
    %swap3A_242 = tpu.vector_load %arg9[%swap3A_241] {strides = array<i32>} : memref<640xf32, #tpu.memory_space<vmem>>, vector<16xf32>,
    %swap3A_243 = vector.shape_cast %swap3A_242 : vector<16xf32> to vector<16xf32>
    %swap3A_244 = vector.shape_cast %broadcast_in_dim3A_240 : vector<16xf32> to vector<16xf32>
    tpu.vector_store %arg9[%swap3A_241], %swap3A_244 {strides = array<i32>} : memref<640xf32, #tpu.memory_space<vmem>>, vector<16xf32>,
    %broadcast_in_dim3A_245 = arith.constant 0.000000e+00 : f32
    %broadcast_in_dim3A_246 = vector.broadcast %broadcast_in_dim3A_245 : f32 to vector<16xf32>
    %swap3A_247 = arith.constant 528 : index
    %swap3A_248 = tpu.vector_load %arg9[%swap3A_247] {strides = array<i32>} : memref<640xf32, #tpu.memory_space<vmem>>, vector<16xf32>,
    %swap3A_249 = vector.shape_cast %swap3A_248 : vector<16xf32> to vector<16xf32>
    %swap3A_250 = vector.shape_cast %broadcast_in_dim3A_246 : vector<16xf32> to vector<16xf32>
    tpu.vector_store %arg9[%swap3A_247], %swap3A_250 {strides = array<i32>} : memref<640xf32, #tpu.memory_space<vmem>>, vector<16xf32>,
    %broadcast_in_dim3A_251 = arith.constant 0.000000e+00 : f32
    %broadcast_in_dim3A_252 = vector.broadcast %broadcast_in_dim3A_251 : f32 to vector<16xf32>
    %swap3A_253 = arith.constant 544 : index
    %swap3A_254 = tpu.vector_load %arg9[%swap3A_253] {strides = array<i32>} : memref<640xf32, #tpu.memory_space<vmem>>, vector<16xf32>,
    %swap3A_255 = vector.shape_cast %swap3A_254 : vector<16xf32> to vector<16xf32>
    %swap3A_256 = vector.shape_cast %broadcast_in_dim3A_252 : vector<16xf32> to vector<16xf32>
    tpu.vector_store %arg9[%swap3A_253], %swap3A_256 {strides = array<i32>} : memref<640xf32, #tpu.memory_space<vmem>>, vector<16xf32>,
    %broadcast_in_dim3A_257 = arith.constant 0.000000e+00 : f32
    %broadcast_in_dim3A_258 = vector.broadcast %broadcast_in_dim3A_257 : f32 to vector<16xf32>
    %swap3A_259 = arith.constant 560 : index
    %swap3A_260 = tpu.vector_load %arg9[%swap3A_259] {strides = array<i32>} : memref<640xf32, #tpu.memory_space<vmem>>, vector<16xf32>,
    %swap3A_261 = vector.shape_cast %swap3A_260 : vector<16xf32> to vector<16xf32>
    %swap3A_262 = vector.shape_cast %broadcast_in_dim3A_258 : vector<16xf32> to vector<16xf32>
    tpu.vector_store %arg9[%swap3A_259], %swap3A_262 {strides = array<i32>} : memref<640xf32, #tpu.memory_space<vmem>>, vector<16xf32>,
    %broadcast_in_dim3A_263 = arith.constant 0.000000e+00 : f32
    %broadcast_in_dim3A_264 = vector.broadcast %broadcast_in_dim3A_263 : f32 to vector<16xf32>
    %swap3A_265 = arith.constant 576 : index
    %swap3A_266 = tpu.vector_load %arg9[%swap3A_265] {strides = array<i32>} : memref<640xf32, #tpu.memory_space<vmem>>, vector<16xf32>,
    %swap3A_267 = vector.shape_cast %swap3A_266 : vector<16xf32> to vector<16xf32>
    %swap3A_268 = vector.shape_cast %broadcast_in_dim3A_264 : vector<16xf32> to vector<16xf32>
    tpu.vector_store %arg9[%swap3A_265], %swap3A_268 {strides = array<i32>} : memref<640xf32, #tpu.memory_space<vmem>>, vector<16xf32>,
    %broadcast_in_dim3A_269 = arith.constant 0.000000e+00 : f32
    %broadcast_in_dim3A_270 = vector.broadcast %broadcast_in_dim3A_269 : f32 to vector<16xf32>
    %swap3A_271 = arith.constant 592 : index
    %swap3A_272 = tpu.vector_load %arg9[%swap3A_271] {strides = array<i32>} : memref<640xf32, #tpu.memory_space<vmem>>, vector<16xf32>,
    %swap3A_273 = vector.shape_cast %swap3A_272 : vector<16xf32> to vector<16xf32>
    %swap3A_274 = vector.shape_cast %broadcast_in_dim3A_270 : vector<16xf32> to vector<16xf32>
    tpu.vector_store %arg9[%swap3A_271], %swap3A_274 {strides = array<i32>} : memref<640xf32, #tpu.memory_space<vmem>>, vector<16xf32>,
    %broadcast_in_dim3A_275 = arith.constant 0.000000e+00 : f32
    %broadcast_in_dim3A_276 = vector.broadcast %broadcast_in_dim3A_275 : f32 to vector<16xf32>
    %swap3A_277 = arith.constant 608 : index
    %swap3A_278 = tpu.vector_load %arg9[%swap3A_277] {strides = array<i32>} : memref<640xf32, #tpu.memory_space<vmem>>, vector<16xf32>,
    %swap3A_279 = vector.shape_cast %swap3A_278 : vector<16xf32> to vector<16xf32>
    %swap3A_280 = vector.shape_cast %broadcast_in_dim3A_276 : vector<16xf32> to vector<16xf32>
    tpu.vector_store %arg9[%swap3A_277], %swap3A_280 {strides = array<i32>} : memref<640xf32, #tpu.memory_space<vmem>>, vector<16xf32>,
    %broadcast_in_dim3A_281 = arith.constant 0.000000e+00 : f32
    %broadcast_in_dim3A_282 = vector.broadcast %broadcast_in_dim3A_281 : f32 to vector<16xf32>
    %swap3A_283 = arith.constant 624 : index
    %swap3A_284 = tpu.vector_load %arg9[%swap3A_283] {strides = array<i32>} : memref<640xf32, #tpu.memory_space<vmem>>, vector<16xf32>,
    %swap3A_285 = vector.shape_cast %swap3A_284 : vector<16xf32> to vector<16xf32>
    %swap3A_286 = vector.shape_cast %broadcast_in_dim3A_282 : vector<16xf32> to vector<16xf32>
    tpu.vector_store %arg9[%swap3A_283], %swap3A_286 {strides = array<i32>} : memref<640xf32, #tpu.memory_space<vmem>>, vector<16xf32>,
    %mul3A_287 = arith.constant 80 : i32
    %mul3A_288 = arith.muli %add3A, %mul3A_287 : i32
    "tpu.region"() ({
      %run_scoped3A = tpu.sem_alloc : memref<!tpu.dma_semaphore, #tpu.memory_space<semaphore_mem>>
      %dma_start3A = arith.constant 0 : i32
      %dma_start3A_310 = tpu.memref_slice %arg2[%mul3A_288, %dma_start3A] : memref<2560x125xi32, #tpu.memory_space<hbm>> -> memref<80x125xi32, #tpu.memory_space<hbm>>
      %dma_start3A_311 = arith.constant 0 : i32
      %dma_start3A_312 = tpu.memref_slice %arg2[%mul3A_288, %dma_start3A_311] : memref<2560x125xi32, #tpu.memory_space<hbm>> -> memref<80x125xi32, #tpu.memory_space<hbm>>
      tpu.enqueue_dma source(%dma_start3A_312 : memref<80x125xi32, #tpu.memory_space<hbm>>) target(%arg6 : memref<80x125xi32, #tpu.memory_space<vmem>>) target_semaphore(%run_scoped3A : memref<!tpu.dma_semaphore, #tpu.memory_space<semaphore_mem>>)
      %dma_wait3A = arith.constant 0 : i32
      %dma_wait3A_313 = tpu.memref_slice %arg2[%mul3A_288, %dma_wait3A] : memref<2560x125xi32, #tpu.memory_space<hbm>> -> memref<80x125xi32, #tpu.memory_space<hbm>>
      %dma_wait3A_314 = arith.constant 0 : i32
      %dma_wait3A_315 = tpu.memref_slice %arg2[%mul3A_288, %dma_wait3A_314] : memref<2560x125xi32, #tpu.memory_space<hbm>> -> memref<80x125xi32, #tpu.memory_space<hbm>>
      tpu.wait_dma2 semaphore(%run_scoped3A : memref<!tpu.dma_semaphore, #tpu.memory_space<semaphore_mem>>) src(%dma_wait3A_315 : memref<80x125xi32, #tpu.memory_space<hbm>>) dst(%arg6 : memref<80x125xi32, #tpu.memory_space<vmem>>)
      tpu.yield
    }) : () -> ()
    %mul3A_289 = arith.constant 640 : i32
    %mul3A_290 = arith.muli %arg1, %mul3A_289 : i32
    "tpu.region"() ({
      %run_scoped3A = tpu.sem_alloc : memref<!tpu.dma_semaphore, #tpu.memory_space<semaphore_mem>>
      %dma_start3A = tpu.memref_slice %arg5[%mul3A_290] : memref<10240xf32, #tpu.memory_space<vmem_shared>> -> memref<640xf32, #tpu.memory_space<vmem_shared>>
      %dma_start3A_310 = tpu.memref_slice %arg5[%mul3A_290] : memref<10240xf32, #tpu.memory_space<vmem_shared>> -> memref<640xf32, #tpu.memory_space<vmem_shared>>
      tpu.enqueue_dma source(%arg9 : memref<640xf32, #tpu.memory_space<vmem>>) target(%dma_start3A_310 : memref<640xf32, #tpu.memory_space<vmem_shared>>) target_semaphore(%run_scoped3A : memref<!tpu.dma_semaphore, #tpu.memory_space<semaphore_mem>>)
      %dma_wait3A = tpu.memref_slice %arg5[%mul3A_290] : memref<10240xf32, #tpu.memory_space<vmem_shared>> -> memref<640xf32, #tpu.memory_space<vmem_shared>>
      %dma_wait3A_311 = tpu.memref_slice %arg5[%mul3A_290] : memref<10240xf32, #tpu.memory_space<vmem_shared>> -> memref<640xf32, #tpu.memory_space<vmem_shared>>
      tpu.wait_dma2 semaphore(%run_scoped3A : memref<!tpu.dma_semaphore, #tpu.memory_space<semaphore_mem>>) src(%arg9 : memref<640xf32, #tpu.memory_space<vmem>>) dst(%dma_wait3A_311 : memref<640xf32, #tpu.memory_space<vmem_shared>>)
      tpu.yield
    }) : () -> ()
    %barrier3A = arith.constant 0 : index
    tpu.barrier barrier_id(%barrier3A)
    %scan3A = arith.constant 0 : i32
    %scan3A_291 = arith.constant 0 : i32
    %scan3A_292 = arith.constant 80 : i32
    %scan3A_293 = arith.addi %scan3A_291, %scan3A_292 : i32
    %scan3A_294 = arith.constant 1 : i32
    scf.for %scan3A_310 = %scan3A_291 to %scan3A_293 step %scan3A_294  : i32 {
      %dma_start3A = arith.constant 0 : i32
      %dma_start3A_311 = tpu.memref_slice %arg7[%dma_start3A] : memref<128xf32, #tpu.memory_space<vmem>> -> memref<125xf32, #tpu.memory_space<vmem>>
      %dma_start3A_312 = arith.constant 0 : i32
      %dma_start3A_313 = tpu.memref_slice %arg6[%scan3A_310, %dma_start3A_312] : memref<80x125xi32, #tpu.memory_space<vmem>> -> memref<1x125xi32, #tpu.memory_space<vmem>>
      %dma_start3A_314 = tpu.memref_squeeze %dma_start3A_313 : memref<1x125xi32, #tpu.memory_space<vmem>> -> memref<125xi32, #tpu.memory_space<vmem>>
      %dma_start3A_315 = arith.constant 0 : i32
      %dma_start3A_316 = tpu.memref_slice %arg5[%dma_start3A_315] : memref<10240xf32, #tpu.memory_space<vmem_shared>> -> memref<10240xf32, #tpu.memory_space<vmem_shared>>
      tpu.enqueue_indirect_dma source(%dma_start3A_311 : memref<125xf32, #tpu.memory_space<vmem>>) target(%dma_start3A_316 : memref<10240xf32, #tpu.memory_space<vmem_shared>>) offsets(%dma_start3A_314 : memref<125xi32, #tpu.memory_space<vmem>>) semaphore(%arg8 : memref<!tpu.dma_semaphore, #tpu.memory_space<semaphore_mem>>) {add = true}
    }
    %scan3A_295 = arith.constant 80 : i32
    %scan3A_296 = arith.constant 0 : i32
    %scan3A_297 = arith.constant 0 : i32
    %scan3A_298 = arith.constant 80 : i32
    %scan3A_299 = arith.addi %scan3A_297, %scan3A_298 : i32
    %scan3A_300 = arith.constant 1 : i32
    scf.for %scan3A_310 = %scan3A_297 to %scan3A_299 step %scan3A_300  : i32 {
      %dma_wait3A = arith.constant 0 : i32
      %dma_wait3A_311 = tpu.memref_slice %arg7[%dma_wait3A] : memref<128xf32, #tpu.memory_space<vmem>> -> memref<125xf32, #tpu.memory_space<vmem>>
      %dma_wait3A_312 = arith.constant 0 : i32
      %dma_wait3A_313 = tpu.memref_slice %arg6[%scan3A_310, %dma_wait3A_312] : memref<80x125xi32, #tpu.memory_space<vmem>> -> memref<1x125xi32, #tpu.memory_space<vmem>>
      %dma_wait3A_314 = tpu.memref_squeeze %dma_wait3A_313 : memref<1x125xi32, #tpu.memory_space<vmem>> -> memref<125xi32, #tpu.memory_space<vmem>>
      %dma_wait3A_315 = arith.constant 0 : i32
      %dma_wait3A_316 = tpu.memref_slice %arg5[%dma_wait3A_315] : memref<10240xf32, #tpu.memory_space<vmem_shared>> -> memref<10240xf32, #tpu.memory_space<vmem_shared>>
      tpu.wait_indirect_dma semaphore(%arg8 : memref<!tpu.dma_semaphore, #tpu.memory_space<semaphore_mem>>) src(%dma_wait3A_311 : memref<125xf32, #tpu.memory_space<vmem>>) dst(%dma_wait3A_316 : memref<10240xf32, #tpu.memory_space<vmem_shared>>)
    }
    %scan3A_301 = arith.constant 80 : i32
    %barrier3A_302 = arith.constant 0 : index
    tpu.barrier barrier_id(%barrier3A_302)
    %eq3A = arith.constant 0 : i32
    %eq3A_303 = arith.cmpi eq, %arg0, %eq3A : i32
    %convert_element_type3A = arith.extui %eq3A_303 : i1 to i32
    %cond3A = arith.constant 0 : i32
    %cond3A_304 = arith.cmpi ne, %convert_element_type3A, %cond3A : i32
    scf.if %cond3A_304 {
      %mul3A_310 = arith.constant 640 : i32
      %mul3A_311 = arith.muli %arg1, %mul3A_310 : i32
      %mul3A_312 = arith.constant 640 : i32
      %mul3A_313 = arith.muli %arg1, %mul3A_312 : i32
      "tpu.region"() ({
        %run_scoped3A = tpu.sem_alloc : memref<!tpu.dma_semaphore, #tpu.memory_space<semaphore_mem>>
        %dma_start3A = tpu.memref_slice %arg3[%mul3A_313] : memref<10240xf32, #tpu.memory_space<hbm>> -> memref<640xf32, #tpu.memory_space<hbm>>
        %dma_start3A_314 = tpu.memref_slice %arg5[%mul3A_311] : memref<10240xf32, #tpu.memory_space<vmem_shared>> -> memref<640xf32, #tpu.memory_space<vmem_shared>>
        tpu.enqueue_dma source(%dma_start3A_314 : memref<640xf32, #tpu.memory_space<vmem_shared>>) target(%dma_start3A : memref<640xf32, #tpu.memory_space<hbm>>) target_semaphore(%run_scoped3A : memref<!tpu.dma_semaphore, #tpu.memory_space<semaphore_mem>>)
        %dma_wait3A = tpu.memref_slice %arg3[%mul3A_313] : memref<10240xf32, #tpu.memory_space<hbm>> -> memref<640xf32, #tpu.memory_space<hbm>>
        %dma_wait3A_315 = tpu.memref_slice %arg5[%mul3A_311] : memref<10240xf32, #tpu.memory_space<vmem_shared>> -> memref<640xf32, #tpu.memory_space<vmem_shared>>
        tpu.wait_dma2 semaphore(%run_scoped3A : memref<!tpu.dma_semaphore, #tpu.memory_space<semaphore_mem>>) src(%dma_wait3A_315 : memref<640xf32, #tpu.memory_space<vmem_shared>>) dst(%dma_wait3A : memref<640xf32, #tpu.memory_space<hbm>>)
        tpu.yield
      }) : () -> ()
    } else {
    }
    %eq3A_305 = arith.constant 1 : i32
    %eq3A_306 = arith.cmpi eq, %arg0, %eq3A_305 : i32
    %convert_element_type3A_307 = arith.extui %eq3A_306 : i1 to i32
    %cond3A_308 = arith.constant 0 : i32
    %cond3A_309 = arith.cmpi ne, %convert_element_type3A_307, %cond3A_308 : i32
    scf.if %cond3A_309 {
      %mul3A_310 = arith.constant 640 : i32
      %mul3A_311 = arith.muli %arg1, %mul3A_310 : i32
      %mul3A_312 = arith.constant 640 : i32
      %mul3A_313 = arith.muli %arg1, %mul3A_312 : i32
      "tpu.region"() ({
        %run_scoped3A = tpu.sem_alloc : memref<!tpu.dma_semaphore, #tpu.memory_space<semaphore_mem>>
        %dma_start3A = tpu.memref_slice %arg4[%mul3A_313] : memref<10240xf32, #tpu.memory_space<hbm>> -> memref<640xf32, #tpu.memory_space<hbm>>
        %dma_start3A_314 = tpu.memref_slice %arg5[%mul3A_311] : memref<10240xf32, #tpu.memory_space<vmem_shared>> -> memref<640xf32, #tpu.memory_space<vmem_shared>>
        tpu.enqueue_dma source(%dma_start3A_314 : memref<640xf32, #tpu.memory_space<vmem_shared>>) target(%dma_start3A : memref<640xf32, #tpu.memory_space<hbm>>) target_semaphore(%run_scoped3A : memref<!tpu.dma_semaphore, #tpu.memory_space<semaphore_mem>>)
        %dma_wait3A = tpu.memref_slice %arg4[%mul3A_313] : memref<10240xf32, #tpu.memory_space<hbm>> -> memref<640xf32, #tpu.memory_space<hbm>>
        %dma_wait3A_315 = tpu.memref_slice %arg5[%mul3A_311] : memref<10240xf32, #tpu.memory_space<vmem_shared>> -> memref<640xf32, #tpu.memory_space<vmem_shared>>
        tpu.wait_dma2 semaphore(%run_scoped3A : memref<!tpu.dma_semaphore, #tpu.memory_space<semaphore_mem>>) src(%dma_wait3A_315 : memref<640xf32, #tpu.memory_space<vmem_shared>>) dst(%dma_wait3A : memref<640xf32, #tpu.memory_space<hbm>>)
        tpu.yield
      }) : () -> ()
    } else {
    }
    return
  }
}

#map = affine_map<(d0, d1) -> (0, 0)>
#map1 = affine_map<(d0, d1) -> (0, 0, 0)>
module attributes {stable_mosaic.version = 14 : i64} {
  func.func @_sc_scatter(%arg0: i32, %arg1: i32, %arg2: memref<10000x128xf32, #tpu.memory_space<hbm>>, %arg3: memref<2560x125xi32, #tpu.memory_space<hbm>>, %arg4: memref<2560x125xi32, #tpu.memory_space<hbm>>, %arg5: memref<2x10000x128xf32, #tpu.memory_space<hbm>>, %arg6: memref<10000x128xf32, #tpu.memory_space<vmem_shared>>, %arg7: memref<40x125xi32, #tpu.memory_space<vmem>>, %arg8: memref<125x128xf32, #tpu.memory_space<vmem>>, %arg9: memref<125x128xf32, #tpu.memory_space<vmem>>, %arg10: memref<!tpu.dma_semaphore, #tpu.memory_space<semaphore_mem>>, %arg11: memref<!tpu.dma_semaphore, #tpu.memory_space<semaphore_mem>>, %arg12: memref<!tpu.dma_semaphore, #tpu.memory_space<semaphore_mem>>, %arg13: memref<!tpu.dma_semaphore, #tpu.memory_space<semaphore_mem>>, %arg14: memref<!tpu.dma_semaphore, #tpu.memory_space<semaphore_mem>>, %arg15: memref<40x125xi32, #tpu.memory_space<vmem>>) attributes {dimension_semantics = [#tpu.dimension_semantics<core_parallel>, #tpu.dimension_semantics<subcore_parallel>], iteration_bounds = array<i64: 2, 16>, scalar_prefetch = 0 : i64, scratch_operands = 10 : i64, tpu.core_type = #tpu.core_type<sc_vector_subcore>, window_params = [{transform_indices = #map}, {transform_indices = #map}, {transform_indices = #map}, {transform_indices = #map1}]} {
    %mul3A = arith.constant 2 : i32
    %mul3A_0 = arith.muli %arg1, %mul3A : i32
    %add3A = arith.addi %mul3A_0, %arg0 : i32
    %mul3A_1 = arith.constant 80 : i32
    %mul3A_2 = arith.muli %add3A, %mul3A_1 : i32
    "tpu.region"() ({
      %run_scoped3A = tpu.sem_alloc : memref<!tpu.dma_semaphore, #tpu.memory_space<semaphore_mem>>
      %dma_start3A_134 = arith.constant 0 : i32
      %dma_start3A_135 = tpu.memref_slice %arg3[%mul3A_2, %dma_start3A_134] : memref<2560x125xi32, #tpu.memory_space<hbm>> -> memref<40x125xi32, #tpu.memory_space<hbm>>
      %dma_start3A_136 = arith.constant 0 : i32
      %dma_start3A_137 = tpu.memref_slice %arg3[%mul3A_2, %dma_start3A_136] : memref<2560x125xi32, #tpu.memory_space<hbm>> -> memref<40x125xi32, #tpu.memory_space<hbm>>
      tpu.enqueue_dma source(%dma_start3A_137 : memref<40x125xi32, #tpu.memory_space<hbm>>) target(%arg15 : memref<40x125xi32, #tpu.memory_space<vmem>>) target_semaphore(%run_scoped3A : memref<!tpu.dma_semaphore, #tpu.memory_space<semaphore_mem>>)
      %dma_wait3A_138 = arith.constant 0 : i32
      %dma_wait3A_139 = tpu.memref_slice %arg3[%mul3A_2, %dma_wait3A_138] : memref<2560x125xi32, #tpu.memory_space<hbm>> -> memref<40x125xi32, #tpu.memory_space<hbm>>
      %dma_wait3A_140 = arith.constant 0 : i32
      %dma_wait3A_141 = tpu.memref_slice %arg3[%mul3A_2, %dma_wait3A_140] : memref<2560x125xi32, #tpu.memory_space<hbm>> -> memref<40x125xi32, #tpu.memory_space<hbm>>
      tpu.wait_dma2 semaphore(%run_scoped3A : memref<!tpu.dma_semaphore, #tpu.memory_space<semaphore_mem>>) src(%dma_wait3A_141 : memref<40x125xi32, #tpu.memory_space<hbm>>) dst(%arg15 : memref<40x125xi32, #tpu.memory_space<vmem>>)
      tpu.yield
    }) : () -> ()
    %mul3A_3 = arith.constant 80 : i32
    %mul3A_4 = arith.muli %add3A, %mul3A_3 : i32
    "tpu.region"() ({
      %run_scoped3A = tpu.sem_alloc : memref<!tpu.dma_semaphore, #tpu.memory_space<semaphore_mem>>
      %dma_start3A_134 = arith.constant 0 : i32
      %dma_start3A_135 = tpu.memref_slice %arg4[%mul3A_4, %dma_start3A_134] : memref<2560x125xi32, #tpu.memory_space<hbm>> -> memref<40x125xi32, #tpu.memory_space<hbm>>
      %dma_start3A_136 = arith.constant 0 : i32
      %dma_start3A_137 = tpu.memref_slice %arg4[%mul3A_4, %dma_start3A_136] : memref<2560x125xi32, #tpu.memory_space<hbm>> -> memref<40x125xi32, #tpu.memory_space<hbm>>
      tpu.enqueue_dma source(%dma_start3A_137 : memref<40x125xi32, #tpu.memory_space<hbm>>) target(%arg7 : memref<40x125xi32, #tpu.memory_space<vmem>>) target_semaphore(%run_scoped3A : memref<!tpu.dma_semaphore, #tpu.memory_space<semaphore_mem>>)
      %dma_wait3A_138 = arith.constant 0 : i32
      %dma_wait3A_139 = tpu.memref_slice %arg4[%mul3A_4, %dma_wait3A_138] : memref<2560x125xi32, #tpu.memory_space<hbm>> -> memref<40x125xi32, #tpu.memory_space<hbm>>
      %dma_wait3A_140 = arith.constant 0 : i32
      %dma_wait3A_141 = tpu.memref_slice %arg4[%mul3A_4, %dma_wait3A_140] : memref<2560x125xi32, #tpu.memory_space<hbm>> -> memref<40x125xi32, #tpu.memory_space<hbm>>
      tpu.wait_dma2 semaphore(%run_scoped3A : memref<!tpu.dma_semaphore, #tpu.memory_space<semaphore_mem>>) src(%dma_wait3A_141 : memref<40x125xi32, #tpu.memory_space<hbm>>) dst(%arg7 : memref<40x125xi32, #tpu.memory_space<vmem>>)
      tpu.yield
    }) : () -> ()
    %mul3A_5 = arith.constant 624 : i32
    %mul3A_6 = arith.muli %arg1, %mul3A_5 : i32
    %mul3A_7 = arith.constant 624 : i32
    %mul3A_8 = arith.muli %arg1, %mul3A_7 : i32
    %dma_start3A = arith.constant 0 : i32
    %dma_start3A_9 = tpu.memref_slice %arg6[%mul3A_8, %dma_start3A] : memref<10000x128xf32, #tpu.memory_space<vmem_shared>> -> memref<624x128xf32, #tpu.memory_space<vmem_shared>>
    %dma_start3A_10 = arith.constant 0 : i32
    %dma_start3A_11 = tpu.memref_slice %arg2[%mul3A_6, %dma_start3A_10] : memref<10000x128xf32, #tpu.memory_space<hbm>> -> memref<624x128xf32, #tpu.memory_space<hbm>>
    tpu.enqueue_dma source(%dma_start3A_11 : memref<624x128xf32, #tpu.memory_space<hbm>>) target(%dma_start3A_9 : memref<624x128xf32, #tpu.memory_space<vmem_shared>>) target_semaphore(%arg12 : memref<!tpu.dma_semaphore, #tpu.memory_space<semaphore_mem>>)
    %eq3A = arith.constant 15 : i32
    %eq3A_12 = arith.cmpi eq, %arg1, %eq3A : i32
    %convert_element_type3A = arith.extui %eq3A_12 : i1 to i32
    %cond3A = arith.constant 0 : i32
    %cond3A_13 = arith.cmpi ne, %convert_element_type3A, %cond3A : i32
    scf.if %cond3A_13 {
      "tpu.region"() ({
        %run_scoped3A = tpu.sem_alloc : memref<!tpu.dma_semaphore, #tpu.memory_space<semaphore_mem>>
        %dma_start3A_134 = arith.constant 9984 : i32
        %dma_start3A_135 = arith.constant 0 : i32
        %dma_start3A_136 = tpu.memref_slice %arg6[%dma_start3A_134, %dma_start3A_135] : memref<10000x128xf32, #tpu.memory_space<vmem_shared>> -> memref<16x128xf32, #tpu.memory_space<vmem_shared>>
        %dma_start3A_137 = arith.constant 9984 : i32
        %dma_start3A_138 = arith.constant 0 : i32
        %dma_start3A_139 = tpu.memref_slice %arg2[%dma_start3A_137, %dma_start3A_138] : memref<10000x128xf32, #tpu.memory_space<hbm>> -> memref<16x128xf32, #tpu.memory_space<hbm>>
        tpu.enqueue_dma source(%dma_start3A_139 : memref<16x128xf32, #tpu.memory_space<hbm>>) target(%dma_start3A_136 : memref<16x128xf32, #tpu.memory_space<vmem_shared>>) target_semaphore(%run_scoped3A : memref<!tpu.dma_semaphore, #tpu.memory_space<semaphore_mem>>)
        %dma_wait3A_140 = arith.constant 9984 : i32
        %dma_wait3A_141 = arith.constant 0 : i32
        %dma_wait3A_142 = tpu.memref_slice %arg6[%dma_wait3A_140, %dma_wait3A_141] : memref<10000x128xf32, #tpu.memory_space<vmem_shared>> -> memref<16x128xf32, #tpu.memory_space<vmem_shared>>
        %dma_wait3A_143 = arith.constant 9984 : i32
        %dma_wait3A_144 = arith.constant 0 : i32
        %dma_wait3A_145 = tpu.memref_slice %arg2[%dma_wait3A_143, %dma_wait3A_144] : memref<10000x128xf32, #tpu.memory_space<hbm>> -> memref<16x128xf32, #tpu.memory_space<hbm>>
        tpu.wait_dma2 semaphore(%run_scoped3A : memref<!tpu.dma_semaphore, #tpu.memory_space<semaphore_mem>>) src(%dma_wait3A_145 : memref<16x128xf32, #tpu.memory_space<hbm>>) dst(%dma_wait3A_142 : memref<16x128xf32, #tpu.memory_space<vmem_shared>>)
        tpu.yield
      }) : () -> ()
    } else {
    }
    %dma_start3A_14 = arith.constant 0 : i32
    %dma_start3A_15 = arith.constant 0 : i32
    %dma_start3A_16 = tpu.memref_slice %arg15[%dma_start3A_14, %dma_start3A_15] : memref<40x125xi32, #tpu.memory_space<vmem>> -> memref<1x125xi32, #tpu.memory_space<vmem>>
    %dma_start3A_17 = tpu.memref_squeeze %dma_start3A_16 : memref<1x125xi32, #tpu.memory_space<vmem>> -> memref<125xi32, #tpu.memory_space<vmem>>
    %dma_start3A_18 = arith.constant 0 : i32
    %dma_start3A_19 = arith.constant 0 : i32
    %dma_start3A_20 = tpu.memref_slice %arg2[%dma_start3A_18, %dma_start3A_19] : memref<10000x128xf32, #tpu.memory_space<hbm>> -> memref<10000x128xf32, #tpu.memory_space<hbm>>
    tpu.enqueue_indirect_dma source(%dma_start3A_20 : memref<10000x128xf32, #tpu.memory_space<hbm>>) target(%arg8 : memref<125x128xf32, #tpu.memory_space<vmem>>) offsets(%dma_start3A_17 : memref<125xi32, #tpu.memory_space<vmem>>) semaphore(%arg10 : memref<!tpu.dma_semaphore, #tpu.memory_space<semaphore_mem>>)
    %dma_start3A_21 = arith.constant 1 : i32
    %dma_start3A_22 = arith.constant 0 : i32
    %dma_start3A_23 = tpu.memref_slice %arg15[%dma_start3A_21, %dma_start3A_22] : memref<40x125xi32, #tpu.memory_space<vmem>> -> memref<1x125xi32, #tpu.memory_space<vmem>>
    %dma_start3A_24 = tpu.memref_squeeze %dma_start3A_23 : memref<1x125xi32, #tpu.memory_space<vmem>> -> memref<125xi32, #tpu.memory_space<vmem>>
    %dma_start3A_25 = arith.constant 0 : i32
    %dma_start3A_26 = arith.constant 0 : i32
    %dma_start3A_27 = tpu.memref_slice %arg2[%dma_start3A_25, %dma_start3A_26] : memref<10000x128xf32, #tpu.memory_space<hbm>> -> memref<10000x128xf32, #tpu.memory_space<hbm>>
    tpu.enqueue_indirect_dma source(%dma_start3A_27 : memref<10000x128xf32, #tpu.memory_space<hbm>>) target(%arg9 : memref<125x128xf32, #tpu.memory_space<vmem>>) offsets(%dma_start3A_24 : memref<125xi32, #tpu.memory_space<vmem>>) semaphore(%arg11 : memref<!tpu.dma_semaphore, #tpu.memory_space<semaphore_mem>>)
    %mul3A_28 = arith.constant 624 : i32
    %mul3A_29 = arith.muli %arg1, %mul3A_28 : i32
    %mul3A_30 = arith.constant 624 : i32
    %mul3A_31 = arith.muli %arg1, %mul3A_30 : i32
    %dma_wait3A = arith.constant 0 : i32
    %dma_wait3A_32 = tpu.memref_slice %arg6[%mul3A_31, %dma_wait3A] : memref<10000x128xf32, #tpu.memory_space<vmem_shared>> -> memref<624x128xf32, #tpu.memory_space<vmem_shared>>
    %dma_wait3A_33 = arith.constant 0 : i32
    %dma_wait3A_34 = tpu.memref_slice %arg2[%mul3A_29, %dma_wait3A_33] : memref<10000x128xf32, #tpu.memory_space<hbm>> -> memref<624x128xf32, #tpu.memory_space<hbm>>
    tpu.wait_dma2 semaphore(%arg12 : memref<!tpu.dma_semaphore, #tpu.memory_space<semaphore_mem>>) src(%dma_wait3A_34 : memref<624x128xf32, #tpu.memory_space<hbm>>) dst(%dma_wait3A_32 : memref<624x128xf32, #tpu.memory_space<vmem_shared>>)
    %barrier3A = arith.constant 0 : index
    tpu.barrier barrier_id(%barrier3A)
    %scan3A = arith.constant 0 : i32
    %scan3A_35 = arith.constant 0 : i32
    %scan3A_36 = arith.constant 20 : i32
    %scan3A_37 = arith.addi %scan3A_35, %scan3A_36 : i32
    %scan3A_38 = arith.constant 1 : i32
    scf.for %scan3A_134 = %scan3A_35 to %scan3A_37 step %scan3A_38  : i32 {
      %mul3A_135 = arith.constant 2 : i32
      %mul3A_136 = arith.muli %mul3A_135, %scan3A_134 : i32
      %add3A_137 = arith.constant 0 : i32
      %add3A_138 = arith.addi %mul3A_136, %add3A_137 : i32
      %ge3A = arith.constant 2 : i32
      %ge3A_139 = arith.cmpi sge, %add3A_138, %ge3A : i32
      %convert_element_type3A_140 = arith.extui %ge3A_139 : i1 to i32
      %cond3A_141 = arith.constant 0 : i32
      %cond3A_142 = arith.cmpi ne, %convert_element_type3A_140, %cond3A_141 : i32
      scf.if %cond3A_142 {
        %sub3A = arith.constant 2 : i32
        %sub3A_162 = arith.subi %add3A_138, %sub3A : i32
        %dma_wait3A_163 = arith.constant 0 : i32
        %dma_wait3A_164 = tpu.memref_slice %arg7[%sub3A_162, %dma_wait3A_163] : memref<40x125xi32, #tpu.memory_space<vmem>> -> memref<1x125xi32, #tpu.memory_space<vmem>>
        %dma_wait3A_165 = tpu.memref_squeeze %dma_wait3A_164 : memref<1x125xi32, #tpu.memory_space<vmem>> -> memref<125xi32, #tpu.memory_space<vmem>>
        %dma_wait3A_166 = arith.constant 0 : i32
        %dma_wait3A_167 = arith.constant 0 : i32
        %dma_wait3A_168 = tpu.memref_slice %arg6[%dma_wait3A_166, %dma_wait3A_167] : memref<10000x128xf32, #tpu.memory_space<vmem_shared>> -> memref<10000x128xf32, #tpu.memory_space<vmem_shared>>
        tpu.wait_indirect_dma semaphore(%arg13 : memref<!tpu.dma_semaphore, #tpu.memory_space<semaphore_mem>>) src(%arg8 : memref<125x128xf32, #tpu.memory_space<vmem>>) dst(%dma_wait3A_168 : memref<10000x128xf32, #tpu.memory_space<vmem_shared>>)
        %dma_start3A_169 = arith.constant 0 : i32
        %dma_start3A_170 = tpu.memref_slice %arg15[%add3A_138, %dma_start3A_169] : memref<40x125xi32, #tpu.memory_space<vmem>> -> memref<1x125xi32, #tpu.memory_space<vmem>>
        %dma_start3A_171 = tpu.memref_squeeze %dma_start3A_170 : memref<1x125xi32, #tpu.memory_space<vmem>> -> memref<125xi32, #tpu.memory_space<vmem>>
        %dma_start3A_172 = arith.constant 0 : i32
        %dma_start3A_173 = arith.constant 0 : i32
        %dma_start3A_174 = tpu.memref_slice %arg2[%dma_start3A_172, %dma_start3A_173] : memref<10000x128xf32, #tpu.memory_space<hbm>> -> memref<10000x128xf32, #tpu.memory_space<hbm>>
        tpu.enqueue_indirect_dma source(%dma_start3A_174 : memref<10000x128xf32, #tpu.memory_space<hbm>>) target(%arg8 : memref<125x128xf32, #tpu.memory_space<vmem>>) offsets(%dma_start3A_171 : memref<125xi32, #tpu.memory_space<vmem>>) semaphore(%arg10 : memref<!tpu.dma_semaphore, #tpu.memory_space<semaphore_mem>>)
      } else {
      }
      %ge3A_143 = arith.constant 1 : i32
      %ge3A_144 = arith.cmpi sge, %add3A_138, %ge3A_143 : i32
      %convert_element_type3A_145 = arith.extui %ge3A_144 : i1 to i32
      %cond3A_146 = arith.constant 0 : i32
      %cond3A_147 = arith.cmpi ne, %convert_element_type3A_145, %cond3A_146 : i32
      scf.if %cond3A_147 {
        %sub3A = arith.constant 1 : i32
        %sub3A_162 = arith.subi %add3A_138, %sub3A : i32
        %dma_wait3A_163 = arith.constant 0 : i32
        %dma_wait3A_164 = tpu.memref_slice %arg15[%sub3A_162, %dma_wait3A_163] : memref<40x125xi32, #tpu.memory_space<vmem>> -> memref<1x125xi32, #tpu.memory_space<vmem>>
        %dma_wait3A_165 = tpu.memref_squeeze %dma_wait3A_164 : memref<1x125xi32, #tpu.memory_space<vmem>> -> memref<125xi32, #tpu.memory_space<vmem>>
        %dma_wait3A_166 = arith.constant 0 : i32
        %dma_wait3A_167 = arith.constant 0 : i32
        %dma_wait3A_168 = tpu.memref_slice %arg2[%dma_wait3A_166, %dma_wait3A_167] : memref<10000x128xf32, #tpu.memory_space<hbm>> -> memref<10000x128xf32, #tpu.memory_space<hbm>>
        tpu.wait_indirect_dma semaphore(%arg11 : memref<!tpu.dma_semaphore, #tpu.memory_space<semaphore_mem>>) src(%dma_wait3A_168 : memref<10000x128xf32, #tpu.memory_space<hbm>>) dst(%arg9 : memref<125x128xf32, #tpu.memory_space<vmem>>)
        %sub3A_169 = arith.constant 1 : i32
        %sub3A_170 = arith.subi %add3A_138, %sub3A_169 : i32
        %dma_start3A_171 = arith.constant 0 : i32
        %dma_start3A_172 = tpu.memref_slice %arg7[%sub3A_170, %dma_start3A_171] : memref<40x125xi32, #tpu.memory_space<vmem>> -> memref<1x125xi32, #tpu.memory_space<vmem>>
        %dma_start3A_173 = tpu.memref_squeeze %dma_start3A_172 : memref<1x125xi32, #tpu.memory_space<vmem>> -> memref<125xi32, #tpu.memory_space<vmem>>
        %dma_start3A_174 = arith.constant 0 : i32
        %dma_start3A_175 = arith.constant 0 : i32
        %dma_start3A_176 = tpu.memref_slice %arg6[%dma_start3A_174, %dma_start3A_175] : memref<10000x128xf32, #tpu.memory_space<vmem_shared>> -> memref<10000x128xf32, #tpu.memory_space<vmem_shared>>
        tpu.enqueue_indirect_dma source(%arg9 : memref<125x128xf32, #tpu.memory_space<vmem>>) target(%dma_start3A_176 : memref<10000x128xf32, #tpu.memory_space<vmem_shared>>) offsets(%dma_start3A_173 : memref<125xi32, #tpu.memory_space<vmem>>) semaphore(%arg14 : memref<!tpu.dma_semaphore, #tpu.memory_space<semaphore_mem>>) {add = true}
      } else {
      }
      %mul3A_148 = arith.constant 2 : i32
      %mul3A_149 = arith.muli %mul3A_148, %scan3A_134 : i32
      %add3A_150 = arith.constant 1 : i32
      %add3A_151 = arith.addi %mul3A_149, %add3A_150 : i32
      %ge3A_152 = arith.constant 2 : i32
      %ge3A_153 = arith.cmpi sge, %add3A_151, %ge3A_152 : i32
      %convert_element_type3A_154 = arith.extui %ge3A_153 : i1 to i32
      %cond3A_155 = arith.constant 0 : i32
      %cond3A_156 = arith.cmpi ne, %convert_element_type3A_154, %cond3A_155 : i32
      scf.if %cond3A_156 {
        %sub3A = arith.constant 2 : i32
        %sub3A_162 = arith.subi %add3A_151, %sub3A : i32
        %dma_wait3A_163 = arith.constant 0 : i32
        %dma_wait3A_164 = tpu.memref_slice %arg7[%sub3A_162, %dma_wait3A_163] : memref<40x125xi32, #tpu.memory_space<vmem>> -> memref<1x125xi32, #tpu.memory_space<vmem>>
        %dma_wait3A_165 = tpu.memref_squeeze %dma_wait3A_164 : memref<1x125xi32, #tpu.memory_space<vmem>> -> memref<125xi32, #tpu.memory_space<vmem>>
        %dma_wait3A_166 = arith.constant 0 : i32
        %dma_wait3A_167 = arith.constant 0 : i32
        %dma_wait3A_168 = tpu.memref_slice %arg6[%dma_wait3A_166, %dma_wait3A_167] : memref<10000x128xf32, #tpu.memory_space<vmem_shared>> -> memref<10000x128xf32, #tpu.memory_space<vmem_shared>>
        tpu.wait_indirect_dma semaphore(%arg14 : memref<!tpu.dma_semaphore, #tpu.memory_space<semaphore_mem>>) src(%arg9 : memref<125x128xf32, #tpu.memory_space<vmem>>) dst(%dma_wait3A_168 : memref<10000x128xf32, #tpu.memory_space<vmem_shared>>)
        %dma_start3A_169 = arith.constant 0 : i32
        %dma_start3A_170 = tpu.memref_slice %arg15[%add3A_151, %dma_start3A_169] : memref<40x125xi32, #tpu.memory_space<vmem>> -> memref<1x125xi32, #tpu.memory_space<vmem>>
        %dma_start3A_171 = tpu.memref_squeeze %dma_start3A_170 : memref<1x125xi32, #tpu.memory_space<vmem>> -> memref<125xi32, #tpu.memory_space<vmem>>
        %dma_start3A_172 = arith.constant 0 : i32
        %dma_start3A_173 = arith.constant 0 : i32
        %dma_start3A_174 = tpu.memref_slice %arg2[%dma_start3A_172, %dma_start3A_173] : memref<10000x128xf32, #tpu.memory_space<hbm>> -> memref<10000x128xf32, #tpu.memory_space<hbm>>
        tpu.enqueue_indirect_dma source(%dma_start3A_174 : memref<10000x128xf32, #tpu.memory_space<hbm>>) target(%arg9 : memref<125x128xf32, #tpu.memory_space<vmem>>) offsets(%dma_start3A_171 : memref<125xi32, #tpu.memory_space<vmem>>) semaphore(%arg11 : memref<!tpu.dma_semaphore, #tpu.memory_space<semaphore_mem>>)
      } else {
      }
      %ge3A_157 = arith.constant 1 : i32
      %ge3A_158 = arith.cmpi sge, %add3A_151, %ge3A_157 : i32
      %convert_element_type3A_159 = arith.extui %ge3A_158 : i1 to i32
      %cond3A_160 = arith.constant 0 : i32
      %cond3A_161 = arith.cmpi ne, %convert_element_type3A_159, %cond3A_160 : i32
      scf.if %cond3A_161 {
        %sub3A = arith.constant 1 : i32
        %sub3A_162 = arith.subi %add3A_151, %sub3A : i32
        %dma_wait3A_163 = arith.constant 0 : i32
        %dma_wait3A_164 = tpu.memref_slice %arg15[%sub3A_162, %dma_wait3A_163] : memref<40x125xi32, #tpu.memory_space<vmem>> -> memref<1x125xi32, #tpu.memory_space<vmem>>
        %dma_wait3A_165 = tpu.memref_squeeze %dma_wait3A_164 : memref<1x125xi32, #tpu.memory_space<vmem>> -> memref<125xi32, #tpu.memory_space<vmem>>
        %dma_wait3A_166 = arith.constant 0 : i32
        %dma_wait3A_167 = arith.constant 0 : i32
        %dma_wait3A_168 = tpu.memref_slice %arg2[%dma_wait3A_166, %dma_wait3A_167] : memref<10000x128xf32, #tpu.memory_space<hbm>> -> memref<10000x128xf32, #tpu.memory_space<hbm>>
        tpu.wait_indirect_dma semaphore(%arg10 : memref<!tpu.dma_semaphore, #tpu.memory_space<semaphore_mem>>) src(%dma_wait3A_168 : memref<10000x128xf32, #tpu.memory_space<hbm>>) dst(%arg8 : memref<125x128xf32, #tpu.memory_space<vmem>>)
        %sub3A_169 = arith.constant 1 : i32
        %sub3A_170 = arith.subi %add3A_151, %sub3A_169 : i32
        %dma_start3A_171 = arith.constant 0 : i32
        %dma_start3A_172 = tpu.memref_slice %arg7[%sub3A_170, %dma_start3A_171] : memref<40x125xi32, #tpu.memory_space<vmem>> -> memref<1x125xi32, #tpu.memory_space<vmem>>
        %dma_start3A_173 = tpu.memref_squeeze %dma_start3A_172 : memref<1x125xi32, #tpu.memory_space<vmem>> -> memref<125xi32, #tpu.memory_space<vmem>>
        %dma_start3A_174 = arith.constant 0 : i32
        %dma_start3A_175 = arith.constant 0 : i32
        %dma_start3A_176 = tpu.memref_slice %arg6[%dma_start3A_174, %dma_start3A_175] : memref<10000x128xf32, #tpu.memory_space<vmem_shared>> -> memref<10000x128xf32, #tpu.memory_space<vmem_shared>>
        tpu.enqueue_indirect_dma source(%arg8 : memref<125x128xf32, #tpu.memory_space<vmem>>) target(%dma_start3A_176 : memref<10000x128xf32, #tpu.memory_space<vmem_shared>>) offsets(%dma_start3A_173 : memref<125xi32, #tpu.memory_space<vmem>>) semaphore(%arg13 : memref<!tpu.dma_semaphore, #tpu.memory_space<semaphore_mem>>) {add = true}
      } else {
      }
    }
    %scan3A_39 = arith.constant 20 : i32
    %dma_wait3A_40 = arith.constant 39 : i32
    %dma_wait3A_41 = arith.constant 0 : i32
    %dma_wait3A_42 = tpu.memref_slice %arg15[%dma_wait3A_40, %dma_wait3A_41] : memref<40x125xi32, #tpu.memory_space<vmem>> -> memref<1x125xi32, #tpu.memory_space<vmem>>
    %dma_wait3A_43 = tpu.memref_squeeze %dma_wait3A_42 : memref<1x125xi32, #tpu.memory_space<vmem>> -> memref<125xi32, #tpu.memory_space<vmem>>
    %dma_wait3A_44 = arith.constant 0 : i32
    %dma_wait3A_45 = arith.constant 0 : i32
    %dma_wait3A_46 = tpu.memref_slice %arg2[%dma_wait3A_44, %dma_wait3A_45] : memref<10000x128xf32, #tpu.memory_space<hbm>> -> memref<10000x128xf32, #tpu.memory_space<hbm>>
    tpu.wait_indirect_dma semaphore(%arg11 : memref<!tpu.dma_semaphore, #tpu.memory_space<semaphore_mem>>) src(%dma_wait3A_46 : memref<10000x128xf32, #tpu.memory_space<hbm>>) dst(%arg9 : memref<125x128xf32, #tpu.memory_space<vmem>>)
    %dma_start3A_47 = arith.constant 39 : i32
    %dma_start3A_48 = arith.constant 0 : i32
    %dma_start3A_49 = tpu.memref_slice %arg7[%dma_start3A_47, %dma_start3A_48] : memref<40x125xi32, #tpu.memory_space<vmem>> -> memref<1x125xi32, #tpu.memory_space<vmem>>
    %dma_start3A_50 = tpu.memref_squeeze %dma_start3A_49 : memref<1x125xi32, #tpu.memory_space<vmem>> -> memref<125xi32, #tpu.memory_space<vmem>>
    %dma_start3A_51 = arith.constant 0 : i32
    %dma_start3A_52 = arith.constant 0 : i32
    %dma_start3A_53 = tpu.memref_slice %arg6[%dma_start3A_51, %dma_start3A_52] : memref<10000x128xf32, #tpu.memory_space<vmem_shared>> -> memref<10000x128xf32, #tpu.memory_space<vmem_shared>>
    tpu.enqueue_indirect_dma source(%arg9 : memref<125x128xf32, #tpu.memory_space<vmem>>) target(%dma_start3A_53 : memref<10000x128xf32, #tpu.memory_space<vmem_shared>>) offsets(%dma_start3A_50 : memref<125xi32, #tpu.memory_space<vmem>>) semaphore(%arg14 : memref<!tpu.dma_semaphore, #tpu.memory_space<semaphore_mem>>) {add = true}
    %dma_wait3A_54 = arith.constant 38 : i32
    %dma_wait3A_55 = arith.constant 0 : i32
    %dma_wait3A_56 = tpu.memref_slice %arg7[%dma_wait3A_54, %dma_wait3A_55] : memref<40x125xi32, #tpu.memory_space<vmem>> -> memref<1x125xi32, #tpu.memory_space<vmem>>
    %dma_wait3A_57 = tpu.memref_squeeze %dma_wait3A_56 : memref<1x125xi32, #tpu.memory_space<vmem>> -> memref<125xi32, #tpu.memory_space<vmem>>
    %dma_wait3A_58 = arith.constant 0 : i32
    %dma_wait3A_59 = arith.constant 0 : i32
    %dma_wait3A_60 = tpu.memref_slice %arg6[%dma_wait3A_58, %dma_wait3A_59] : memref<10000x128xf32, #tpu.memory_space<vmem_shared>> -> memref<10000x128xf32, #tpu.memory_space<vmem_shared>>
    tpu.wait_indirect_dma semaphore(%arg13 : memref<!tpu.dma_semaphore, #tpu.memory_space<semaphore_mem>>) src(%arg8 : memref<125x128xf32, #tpu.memory_space<vmem>>) dst(%dma_wait3A_60 : memref<10000x128xf32, #tpu.memory_space<vmem_shared>>)
    %dma_wait3A_61 = arith.constant 39 : i32
    %dma_wait3A_62 = arith.constant 0 : i32
    %dma_wait3A_63 = tpu.memref_slice %arg7[%dma_wait3A_61, %dma_wait3A_62] : memref<40x125xi32, #tpu.memory_space<vmem>> -> memref<1x125xi32, #tpu.memory_space<vmem>>
    %dma_wait3A_64 = tpu.memref_squeeze %dma_wait3A_63 : memref<1x125xi32, #tpu.memory_space<vmem>> -> memref<125xi32, #tpu.memory_space<vmem>>
    %dma_wait3A_65 = arith.constant 0 : i32
    %dma_wait3A_66 = arith.constant 0 : i32
    %dma_wait3A_67 = tpu.memref_slice %arg6[%dma_wait3A_65, %dma_wait3A_66] : memref<10000x128xf32, #tpu.memory_space<vmem_shared>> -> memref<10000x128xf32, #tpu.memory_space<vmem_shared>>
    tpu.wait_indirect_dma semaphore(%arg14 : memref<!tpu.dma_semaphore, #tpu.memory_space<semaphore_mem>>) src(%arg9 : memref<125x128xf32, #tpu.memory_space<vmem>>) dst(%dma_wait3A_67 : memref<10000x128xf32, #tpu.memory_space<vmem_shared>>)
    %mul3A_68 = arith.constant 80 : i32
    %mul3A_69 = arith.muli %add3A, %mul3A_68 : i32
    %add3A_70 = arith.constant 40 : i32
    %add3A_71 = arith.addi %mul3A_69, %add3A_70 : i32
    "tpu.region"() ({
      %run_scoped3A = tpu.sem_alloc : memref<!tpu.dma_semaphore, #tpu.memory_space<semaphore_mem>>
      %dma_start3A_134 = arith.constant 0 : i32
      %dma_start3A_135 = tpu.memref_slice %arg3[%add3A_71, %dma_start3A_134] : memref<2560x125xi32, #tpu.memory_space<hbm>> -> memref<40x125xi32, #tpu.memory_space<hbm>>
      %dma_start3A_136 = arith.constant 0 : i32
      %dma_start3A_137 = tpu.memref_slice %arg3[%add3A_71, %dma_start3A_136] : memref<2560x125xi32, #tpu.memory_space<hbm>> -> memref<40x125xi32, #tpu.memory_space<hbm>>
      tpu.enqueue_dma source(%dma_start3A_137 : memref<40x125xi32, #tpu.memory_space<hbm>>) target(%arg15 : memref<40x125xi32, #tpu.memory_space<vmem>>) target_semaphore(%run_scoped3A : memref<!tpu.dma_semaphore, #tpu.memory_space<semaphore_mem>>)
      %dma_wait3A_138 = arith.constant 0 : i32
      %dma_wait3A_139 = tpu.memref_slice %arg3[%add3A_71, %dma_wait3A_138] : memref<2560x125xi32, #tpu.memory_space<hbm>> -> memref<40x125xi32, #tpu.memory_space<hbm>>
      %dma_wait3A_140 = arith.constant 0 : i32
      %dma_wait3A_141 = tpu.memref_slice %arg3[%add3A_71, %dma_wait3A_140] : memref<2560x125xi32, #tpu.memory_space<hbm>> -> memref<40x125xi32, #tpu.memory_space<hbm>>
      tpu.wait_dma2 semaphore(%run_scoped3A : memref<!tpu.dma_semaphore, #tpu.memory_space<semaphore_mem>>) src(%dma_wait3A_141 : memref<40x125xi32, #tpu.memory_space<hbm>>) dst(%arg15 : memref<40x125xi32, #tpu.memory_space<vmem>>)
      tpu.yield
    }) : () -> ()
    %mul3A_72 = arith.constant 80 : i32
    %mul3A_73 = arith.muli %add3A, %mul3A_72 : i32
    %add3A_74 = arith.constant 40 : i32
    %add3A_75 = arith.addi %mul3A_73, %add3A_74 : i32
    "tpu.region"() ({
      %run_scoped3A = tpu.sem_alloc : memref<!tpu.dma_semaphore, #tpu.memory_space<semaphore_mem>>
      %dma_start3A_134 = arith.constant 0 : i32
      %dma_start3A_135 = tpu.memref_slice %arg4[%add3A_75, %dma_start3A_134] : memref<2560x125xi32, #tpu.memory_space<hbm>> -> memref<40x125xi32, #tpu.memory_space<hbm>>
      %dma_start3A_136 = arith.constant 0 : i32
      %dma_start3A_137 = tpu.memref_slice %arg4[%add3A_75, %dma_start3A_136] : memref<2560x125xi32, #tpu.memory_space<hbm>> -> memref<40x125xi32, #tpu.memory_space<hbm>>
      tpu.enqueue_dma source(%dma_start3A_137 : memref<40x125xi32, #tpu.memory_space<hbm>>) target(%arg7 : memref<40x125xi32, #tpu.memory_space<vmem>>) target_semaphore(%run_scoped3A : memref<!tpu.dma_semaphore, #tpu.memory_space<semaphore_mem>>)
      %dma_wait3A_138 = arith.constant 0 : i32
      %dma_wait3A_139 = tpu.memref_slice %arg4[%add3A_75, %dma_wait3A_138] : memref<2560x125xi32, #tpu.memory_space<hbm>> -> memref<40x125xi32, #tpu.memory_space<hbm>>
      %dma_wait3A_140 = arith.constant 0 : i32
      %dma_wait3A_141 = tpu.memref_slice %arg4[%add3A_75, %dma_wait3A_140] : memref<2560x125xi32, #tpu.memory_space<hbm>> -> memref<40x125xi32, #tpu.memory_space<hbm>>
      tpu.wait_dma2 semaphore(%run_scoped3A : memref<!tpu.dma_semaphore, #tpu.memory_space<semaphore_mem>>) src(%dma_wait3A_141 : memref<40x125xi32, #tpu.memory_space<hbm>>) dst(%arg7 : memref<40x125xi32, #tpu.memory_space<vmem>>)
      tpu.yield
    }) : () -> ()
    %dma_start3A_76 = arith.constant 0 : i32
    %dma_start3A_77 = arith.constant 0 : i32
    %dma_start3A_78 = tpu.memref_slice %arg15[%dma_start3A_76, %dma_start3A_77] : memref<40x125xi32, #tpu.memory_space<vmem>> -> memref<1x125xi32, #tpu.memory_space<vmem>>
    %dma_start3A_79 = tpu.memref_squeeze %dma_start3A_78 : memref<1x125xi32, #tpu.memory_space<vmem>> -> memref<125xi32, #tpu.memory_space<vmem>>
    %dma_start3A_80 = arith.constant 0 : i32
    %dma_start3A_81 = arith.constant 0 : i32
    %dma_start3A_82 = tpu.memref_slice %arg2[%dma_start3A_80, %dma_start3A_81] : memref<10000x128xf32, #tpu.memory_space<hbm>> -> memref<10000x128xf32, #tpu.memory_space<hbm>>
    tpu.enqueue_indirect_dma source(%dma_start3A_82 : memref<10000x128xf32, #tpu.memory_space<hbm>>) target(%arg8 : memref<125x128xf32, #tpu.memory_space<vmem>>) offsets(%dma_start3A_79 : memref<125xi32, #tpu.memory_space<vmem>>) semaphore(%arg10 : memref<!tpu.dma_semaphore, #tpu.memory_space<semaphore_mem>>)
    %dma_start3A_83 = arith.constant 1 : i32
    %dma_start3A_84 = arith.constant 0 : i32
    %dma_start3A_85 = tpu.memref_slice %arg15[%dma_start3A_83, %dma_start3A_84] : memref<40x125xi32, #tpu.memory_space<vmem>> -> memref<1x125xi32, #tpu.memory_space<vmem>>
    %dma_start3A_86 = tpu.memref_squeeze %dma_start3A_85 : memref<1x125xi32, #tpu.memory_space<vmem>> -> memref<125xi32, #tpu.memory_space<vmem>>
    %dma_start3A_87 = arith.constant 0 : i32
    %dma_start3A_88 = arith.constant 0 : i32
    %dma_start3A_89 = tpu.memref_slice %arg2[%dma_start3A_87, %dma_start3A_88] : memref<10000x128xf32, #tpu.memory_space<hbm>> -> memref<10000x128xf32, #tpu.memory_space<hbm>>
    tpu.enqueue_indirect_dma source(%dma_start3A_89 : memref<10000x128xf32, #tpu.memory_space<hbm>>) target(%arg9 : memref<125x128xf32, #tpu.memory_space<vmem>>) offsets(%dma_start3A_86 : memref<125xi32, #tpu.memory_space<vmem>>) semaphore(%arg11 : memref<!tpu.dma_semaphore, #tpu.memory_space<semaphore_mem>>)
    %scan3A_90 = arith.constant 0 : i32
    %scan3A_91 = arith.constant 0 : i32
    %scan3A_92 = arith.constant 20 : i32
    %scan3A_93 = arith.addi %scan3A_91, %scan3A_92 : i32
    %scan3A_94 = arith.constant 1 : i32
    scf.for %scan3A_134 = %scan3A_91 to %scan3A_93 step %scan3A_94  : i32 {
      %mul3A_135 = arith.constant 2 : i32
      %mul3A_136 = arith.muli %mul3A_135, %scan3A_134 : i32
      %add3A_137 = arith.constant 0 : i32
      %add3A_138 = arith.addi %mul3A_136, %add3A_137 : i32
      %ge3A = arith.constant 2 : i32
      %ge3A_139 = arith.cmpi sge, %add3A_138, %ge3A : i32
      %convert_element_type3A_140 = arith.extui %ge3A_139 : i1 to i32
      %cond3A_141 = arith.constant 0 : i32
      %cond3A_142 = arith.cmpi ne, %convert_element_type3A_140, %cond3A_141 : i32
      scf.if %cond3A_142 {
        %sub3A = arith.constant 2 : i32
        %sub3A_162 = arith.subi %add3A_138, %sub3A : i32
        %dma_wait3A_163 = arith.constant 0 : i32
        %dma_wait3A_164 = tpu.memref_slice %arg7[%sub3A_162, %dma_wait3A_163] : memref<40x125xi32, #tpu.memory_space<vmem>> -> memref<1x125xi32, #tpu.memory_space<vmem>>
        %dma_wait3A_165 = tpu.memref_squeeze %dma_wait3A_164 : memref<1x125xi32, #tpu.memory_space<vmem>> -> memref<125xi32, #tpu.memory_space<vmem>>
        %dma_wait3A_166 = arith.constant 0 : i32
        %dma_wait3A_167 = arith.constant 0 : i32
        %dma_wait3A_168 = tpu.memref_slice %arg6[%dma_wait3A_166, %dma_wait3A_167] : memref<10000x128xf32, #tpu.memory_space<vmem_shared>> -> memref<10000x128xf32, #tpu.memory_space<vmem_shared>>
        tpu.wait_indirect_dma semaphore(%arg13 : memref<!tpu.dma_semaphore, #tpu.memory_space<semaphore_mem>>) src(%arg8 : memref<125x128xf32, #tpu.memory_space<vmem>>) dst(%dma_wait3A_168 : memref<10000x128xf32, #tpu.memory_space<vmem_shared>>)
        %dma_start3A_169 = arith.constant 0 : i32
        %dma_start3A_170 = tpu.memref_slice %arg15[%add3A_138, %dma_start3A_169] : memref<40x125xi32, #tpu.memory_space<vmem>> -> memref<1x125xi32, #tpu.memory_space<vmem>>
        %dma_start3A_171 = tpu.memref_squeeze %dma_start3A_170 : memref<1x125xi32, #tpu.memory_space<vmem>> -> memref<125xi32, #tpu.memory_space<vmem>>
        %dma_start3A_172 = arith.constant 0 : i32
        %dma_start3A_173 = arith.constant 0 : i32
        %dma_start3A_174 = tpu.memref_slice %arg2[%dma_start3A_172, %dma_start3A_173] : memref<10000x128xf32, #tpu.memory_space<hbm>> -> memref<10000x128xf32, #tpu.memory_space<hbm>>
        tpu.enqueue_indirect_dma source(%dma_start3A_174 : memref<10000x128xf32, #tpu.memory_space<hbm>>) target(%arg8 : memref<125x128xf32, #tpu.memory_space<vmem>>) offsets(%dma_start3A_171 : memref<125xi32, #tpu.memory_space<vmem>>) semaphore(%arg10 : memref<!tpu.dma_semaphore, #tpu.memory_space<semaphore_mem>>)
      } else {
      }
      %ge3A_143 = arith.constant 1 : i32
      %ge3A_144 = arith.cmpi sge, %add3A_138, %ge3A_143 : i32
      %convert_element_type3A_145 = arith.extui %ge3A_144 : i1 to i32
      %cond3A_146 = arith.constant 0 : i32
      %cond3A_147 = arith.cmpi ne, %convert_element_type3A_145, %cond3A_146 : i32
      scf.if %cond3A_147 {
        %sub3A = arith.constant 1 : i32
        %sub3A_162 = arith.subi %add3A_138, %sub3A : i32
        %dma_wait3A_163 = arith.constant 0 : i32
        %dma_wait3A_164 = tpu.memref_slice %arg15[%sub3A_162, %dma_wait3A_163] : memref<40x125xi32, #tpu.memory_space<vmem>> -> memref<1x125xi32, #tpu.memory_space<vmem>>
        %dma_wait3A_165 = tpu.memref_squeeze %dma_wait3A_164 : memref<1x125xi32, #tpu.memory_space<vmem>> -> memref<125xi32, #tpu.memory_space<vmem>>
        %dma_wait3A_166 = arith.constant 0 : i32
        %dma_wait3A_167 = arith.constant 0 : i32
        %dma_wait3A_168 = tpu.memref_slice %arg2[%dma_wait3A_166, %dma_wait3A_167] : memref<10000x128xf32, #tpu.memory_space<hbm>> -> memref<10000x128xf32, #tpu.memory_space<hbm>>
        tpu.wait_indirect_dma semaphore(%arg11 : memref<!tpu.dma_semaphore, #tpu.memory_space<semaphore_mem>>) src(%dma_wait3A_168 : memref<10000x128xf32, #tpu.memory_space<hbm>>) dst(%arg9 : memref<125x128xf32, #tpu.memory_space<vmem>>)
        %sub3A_169 = arith.constant 1 : i32
        %sub3A_170 = arith.subi %add3A_138, %sub3A_169 : i32
        %dma_start3A_171 = arith.constant 0 : i32
        %dma_start3A_172 = tpu.memref_slice %arg7[%sub3A_170, %dma_start3A_171] : memref<40x125xi32, #tpu.memory_space<vmem>> -> memref<1x125xi32, #tpu.memory_space<vmem>>
        %dma_start3A_173 = tpu.memref_squeeze %dma_start3A_172 : memref<1x125xi32, #tpu.memory_space<vmem>> -> memref<125xi32, #tpu.memory_space<vmem>>
        %dma_start3A_174 = arith.constant 0 : i32
        %dma_start3A_175 = arith.constant 0 : i32
        %dma_start3A_176 = tpu.memref_slice %arg6[%dma_start3A_174, %dma_start3A_175] : memref<10000x128xf32, #tpu.memory_space<vmem_shared>> -> memref<10000x128xf32, #tpu.memory_space<vmem_shared>>
        tpu.enqueue_indirect_dma source(%arg9 : memref<125x128xf32, #tpu.memory_space<vmem>>) target(%dma_start3A_176 : memref<10000x128xf32, #tpu.memory_space<vmem_shared>>) offsets(%dma_start3A_173 : memref<125xi32, #tpu.memory_space<vmem>>) semaphore(%arg14 : memref<!tpu.dma_semaphore, #tpu.memory_space<semaphore_mem>>) {add = true}
      } else {
      }
      %mul3A_148 = arith.constant 2 : i32
      %mul3A_149 = arith.muli %mul3A_148, %scan3A_134 : i32
      %add3A_150 = arith.constant 1 : i32
      %add3A_151 = arith.addi %mul3A_149, %add3A_150 : i32
      %ge3A_152 = arith.constant 2 : i32
      %ge3A_153 = arith.cmpi sge, %add3A_151, %ge3A_152 : i32
      %convert_element_type3A_154 = arith.extui %ge3A_153 : i1 to i32
      %cond3A_155 = arith.constant 0 : i32
      %cond3A_156 = arith.cmpi ne, %convert_element_type3A_154, %cond3A_155 : i32
      scf.if %cond3A_156 {
        %sub3A = arith.constant 2 : i32
        %sub3A_162 = arith.subi %add3A_151, %sub3A : i32
        %dma_wait3A_163 = arith.constant 0 : i32
        %dma_wait3A_164 = tpu.memref_slice %arg7[%sub3A_162, %dma_wait3A_163] : memref<40x125xi32, #tpu.memory_space<vmem>> -> memref<1x125xi32, #tpu.memory_space<vmem>>
        %dma_wait3A_165 = tpu.memref_squeeze %dma_wait3A_164 : memref<1x125xi32, #tpu.memory_space<vmem>> -> memref<125xi32, #tpu.memory_space<vmem>>
        %dma_wait3A_166 = arith.constant 0 : i32
        %dma_wait3A_167 = arith.constant 0 : i32
        %dma_wait3A_168 = tpu.memref_slice %arg6[%dma_wait3A_166, %dma_wait3A_167] : memref<10000x128xf32, #tpu.memory_space<vmem_shared>> -> memref<10000x128xf32, #tpu.memory_space<vmem_shared>>
        tpu.wait_indirect_dma semaphore(%arg14 : memref<!tpu.dma_semaphore, #tpu.memory_space<semaphore_mem>>) src(%arg9 : memref<125x128xf32, #tpu.memory_space<vmem>>) dst(%dma_wait3A_168 : memref<10000x128xf32, #tpu.memory_space<vmem_shared>>)
        %dma_start3A_169 = arith.constant 0 : i32
        %dma_start3A_170 = tpu.memref_slice %arg15[%add3A_151, %dma_start3A_169] : memref<40x125xi32, #tpu.memory_space<vmem>> -> memref<1x125xi32, #tpu.memory_space<vmem>>
        %dma_start3A_171 = tpu.memref_squeeze %dma_start3A_170 : memref<1x125xi32, #tpu.memory_space<vmem>> -> memref<125xi32, #tpu.memory_space<vmem>>
        %dma_start3A_172 = arith.constant 0 : i32
        %dma_start3A_173 = arith.constant 0 : i32
        %dma_start3A_174 = tpu.memref_slice %arg2[%dma_start3A_172, %dma_start3A_173] : memref<10000x128xf32, #tpu.memory_space<hbm>> -> memref<10000x128xf32, #tpu.memory_space<hbm>>
        tpu.enqueue_indirect_dma source(%dma_start3A_174 : memref<10000x128xf32, #tpu.memory_space<hbm>>) target(%arg9 : memref<125x128xf32, #tpu.memory_space<vmem>>) offsets(%dma_start3A_171 : memref<125xi32, #tpu.memory_space<vmem>>) semaphore(%arg11 : memref<!tpu.dma_semaphore, #tpu.memory_space<semaphore_mem>>)
      } else {
      }
      %ge3A_157 = arith.constant 1 : i32
      %ge3A_158 = arith.cmpi sge, %add3A_151, %ge3A_157 : i32
      %convert_element_type3A_159 = arith.extui %ge3A_158 : i1 to i32
      %cond3A_160 = arith.constant 0 : i32
      %cond3A_161 = arith.cmpi ne, %convert_element_type3A_159, %cond3A_160 : i32
      scf.if %cond3A_161 {
        %sub3A = arith.constant 1 : i32
        %sub3A_162 = arith.subi %add3A_151, %sub3A : i32
        %dma_wait3A_163 = arith.constant 0 : i32
        %dma_wait3A_164 = tpu.memref_slice %arg15[%sub3A_162, %dma_wait3A_163] : memref<40x125xi32, #tpu.memory_space<vmem>> -> memref<1x125xi32, #tpu.memory_space<vmem>>
        %dma_wait3A_165 = tpu.memref_squeeze %dma_wait3A_164 : memref<1x125xi32, #tpu.memory_space<vmem>> -> memref<125xi32, #tpu.memory_space<vmem>>
        %dma_wait3A_166 = arith.constant 0 : i32
        %dma_wait3A_167 = arith.constant 0 : i32
        %dma_wait3A_168 = tpu.memref_slice %arg2[%dma_wait3A_166, %dma_wait3A_167] : memref<10000x128xf32, #tpu.memory_space<hbm>> -> memref<10000x128xf32, #tpu.memory_space<hbm>>
        tpu.wait_indirect_dma semaphore(%arg10 : memref<!tpu.dma_semaphore, #tpu.memory_space<semaphore_mem>>) src(%dma_wait3A_168 : memref<10000x128xf32, #tpu.memory_space<hbm>>) dst(%arg8 : memref<125x128xf32, #tpu.memory_space<vmem>>)
        %sub3A_169 = arith.constant 1 : i32
        %sub3A_170 = arith.subi %add3A_151, %sub3A_169 : i32
        %dma_start3A_171 = arith.constant 0 : i32
        %dma_start3A_172 = tpu.memref_slice %arg7[%sub3A_170, %dma_start3A_171] : memref<40x125xi32, #tpu.memory_space<vmem>> -> memref<1x125xi32, #tpu.memory_space<vmem>>
        %dma_start3A_173 = tpu.memref_squeeze %dma_start3A_172 : memref<1x125xi32, #tpu.memory_space<vmem>> -> memref<125xi32, #tpu.memory_space<vmem>>
        %dma_start3A_174 = arith.constant 0 : i32
        %dma_start3A_175 = arith.constant 0 : i32
        %dma_start3A_176 = tpu.memref_slice %arg6[%dma_start3A_174, %dma_start3A_175] : memref<10000x128xf32, #tpu.memory_space<vmem_shared>> -> memref<10000x128xf32, #tpu.memory_space<vmem_shared>>
        tpu.enqueue_indirect_dma source(%arg8 : memref<125x128xf32, #tpu.memory_space<vmem>>) target(%dma_start3A_176 : memref<10000x128xf32, #tpu.memory_space<vmem_shared>>) offsets(%dma_start3A_173 : memref<125xi32, #tpu.memory_space<vmem>>) semaphore(%arg13 : memref<!tpu.dma_semaphore, #tpu.memory_space<semaphore_mem>>) {add = true}
      } else {
      }
    }
    %scan3A_95 = arith.constant 20 : i32
    %dma_wait3A_96 = arith.constant 39 : i32
    %dma_wait3A_97 = arith.constant 0 : i32
    %dma_wait3A_98 = tpu.memref_slice %arg15[%dma_wait3A_96, %dma_wait3A_97] : memref<40x125xi32, #tpu.memory_space<vmem>> -> memref<1x125xi32, #tpu.memory_space<vmem>>
    %dma_wait3A_99 = tpu.memref_squeeze %dma_wait3A_98 : memref<1x125xi32, #tpu.memory_space<vmem>> -> memref<125xi32, #tpu.memory_space<vmem>>
    %dma_wait3A_100 = arith.constant 0 : i32
    %dma_wait3A_101 = arith.constant 0 : i32
    %dma_wait3A_102 = tpu.memref_slice %arg2[%dma_wait3A_100, %dma_wait3A_101] : memref<10000x128xf32, #tpu.memory_space<hbm>> -> memref<10000x128xf32, #tpu.memory_space<hbm>>
    tpu.wait_indirect_dma semaphore(%arg11 : memref<!tpu.dma_semaphore, #tpu.memory_space<semaphore_mem>>) src(%dma_wait3A_102 : memref<10000x128xf32, #tpu.memory_space<hbm>>) dst(%arg9 : memref<125x128xf32, #tpu.memory_space<vmem>>)
    %dma_start3A_103 = arith.constant 39 : i32
    %dma_start3A_104 = arith.constant 0 : i32
    %dma_start3A_105 = tpu.memref_slice %arg7[%dma_start3A_103, %dma_start3A_104] : memref<40x125xi32, #tpu.memory_space<vmem>> -> memref<1x125xi32, #tpu.memory_space<vmem>>
    %dma_start3A_106 = tpu.memref_squeeze %dma_start3A_105 : memref<1x125xi32, #tpu.memory_space<vmem>> -> memref<125xi32, #tpu.memory_space<vmem>>
    %dma_start3A_107 = arith.constant 0 : i32
    %dma_start3A_108 = arith.constant 0 : i32
    %dma_start3A_109 = tpu.memref_slice %arg6[%dma_start3A_107, %dma_start3A_108] : memref<10000x128xf32, #tpu.memory_space<vmem_shared>> -> memref<10000x128xf32, #tpu.memory_space<vmem_shared>>
    tpu.enqueue_indirect_dma source(%arg9 : memref<125x128xf32, #tpu.memory_space<vmem>>) target(%dma_start3A_109 : memref<10000x128xf32, #tpu.memory_space<vmem_shared>>) offsets(%dma_start3A_106 : memref<125xi32, #tpu.memory_space<vmem>>) semaphore(%arg14 : memref<!tpu.dma_semaphore, #tpu.memory_space<semaphore_mem>>) {add = true}
    %dma_wait3A_110 = arith.constant 38 : i32
    %dma_wait3A_111 = arith.constant 0 : i32
    %dma_wait3A_112 = tpu.memref_slice %arg7[%dma_wait3A_110, %dma_wait3A_111] : memref<40x125xi32, #tpu.memory_space<vmem>> -> memref<1x125xi32, #tpu.memory_space<vmem>>
    %dma_wait3A_113 = tpu.memref_squeeze %dma_wait3A_112 : memref<1x125xi32, #tpu.memory_space<vmem>> -> memref<125xi32, #tpu.memory_space<vmem>>
    %dma_wait3A_114 = arith.constant 0 : i32
    %dma_wait3A_115 = arith.constant 0 : i32
    %dma_wait3A_116 = tpu.memref_slice %arg6[%dma_wait3A_114, %dma_wait3A_115] : memref<10000x128xf32, #tpu.memory_space<vmem_shared>> -> memref<10000x128xf32, #tpu.memory_space<vmem_shared>>
    tpu.wait_indirect_dma semaphore(%arg13 : memref<!tpu.dma_semaphore, #tpu.memory_space<semaphore_mem>>) src(%arg8 : memref<125x128xf32, #tpu.memory_space<vmem>>) dst(%dma_wait3A_116 : memref<10000x128xf32, #tpu.memory_space<vmem_shared>>)
    %dma_wait3A_117 = arith.constant 39 : i32
    %dma_wait3A_118 = arith.constant 0 : i32
    %dma_wait3A_119 = tpu.memref_slice %arg7[%dma_wait3A_117, %dma_wait3A_118] : memref<40x125xi32, #tpu.memory_space<vmem>> -> memref<1x125xi32, #tpu.memory_space<vmem>>
    %dma_wait3A_120 = tpu.memref_squeeze %dma_wait3A_119 : memref<1x125xi32, #tpu.memory_space<vmem>> -> memref<125xi32, #tpu.memory_space<vmem>>
    %dma_wait3A_121 = arith.constant 0 : i32
    %dma_wait3A_122 = arith.constant 0 : i32
    %dma_wait3A_123 = tpu.memref_slice %arg6[%dma_wait3A_121, %dma_wait3A_122] : memref<10000x128xf32, #tpu.memory_space<vmem_shared>> -> memref<10000x128xf32, #tpu.memory_space<vmem_shared>>
    tpu.wait_indirect_dma semaphore(%arg14 : memref<!tpu.dma_semaphore, #tpu.memory_space<semaphore_mem>>) src(%arg9 : memref<125x128xf32, #tpu.memory_space<vmem>>) dst(%dma_wait3A_123 : memref<10000x128xf32, #tpu.memory_space<vmem_shared>>)
    %barrier3A_124 = arith.constant 0 : index
    tpu.barrier barrier_id(%barrier3A_124)
    %mul3A_125 = arith.constant 624 : i32
    %mul3A_126 = arith.muli %arg1, %mul3A_125 : i32
    %mul3A_127 = arith.constant 624 : i32
    %mul3A_128 = arith.muli %arg1, %mul3A_127 : i32
    "tpu.region"() ({
      %run_scoped3A = tpu.sem_alloc : memref<!tpu.dma_semaphore, #tpu.memory_space<semaphore_mem>>
      %dma_start3A_134 = arith.constant 0 : i32
      %dma_start3A_135 = tpu.memref_slice %arg5[%arg0, %mul3A_128, %dma_start3A_134] : memref<2x10000x128xf32, #tpu.memory_space<hbm>> -> memref<1x624x128xf32, #tpu.memory_space<hbm>>
      %dma_start3A_136 = tpu.memref_squeeze %dma_start3A_135 : memref<1x624x128xf32, #tpu.memory_space<hbm>> -> memref<624x128xf32, #tpu.memory_space<hbm>>
      %dma_start3A_137 = arith.constant 0 : i32
      %dma_start3A_138 = tpu.memref_slice %arg6[%mul3A_126, %dma_start3A_137] : memref<10000x128xf32, #tpu.memory_space<vmem_shared>> -> memref<624x128xf32, #tpu.memory_space<vmem_shared>>
      tpu.enqueue_dma source(%dma_start3A_138 : memref<624x128xf32, #tpu.memory_space<vmem_shared>>) target(%dma_start3A_136 : memref<624x128xf32, #tpu.memory_space<hbm>>) target_semaphore(%run_scoped3A : memref<!tpu.dma_semaphore, #tpu.memory_space<semaphore_mem>>)
      %dma_wait3A_139 = arith.constant 0 : i32
      %dma_wait3A_140 = tpu.memref_slice %arg5[%arg0, %mul3A_128, %dma_wait3A_139] : memref<2x10000x128xf32, #tpu.memory_space<hbm>> -> memref<1x624x128xf32, #tpu.memory_space<hbm>>
      %dma_wait3A_141 = tpu.memref_squeeze %dma_wait3A_140 : memref<1x624x128xf32, #tpu.memory_space<hbm>> -> memref<624x128xf32, #tpu.memory_space<hbm>>
      %dma_wait3A_142 = arith.constant 0 : i32
      %dma_wait3A_143 = tpu.memref_slice %arg6[%mul3A_126, %dma_wait3A_142] : memref<10000x128xf32, #tpu.memory_space<vmem_shared>> -> memref<624x128xf32, #tpu.memory_space<vmem_shared>>
      tpu.wait_dma2 semaphore(%run_scoped3A : memref<!tpu.dma_semaphore, #tpu.memory_space<semaphore_mem>>) src(%dma_wait3A_143 : memref<624x128xf32, #tpu.memory_space<vmem_shared>>) dst(%dma_wait3A_141 : memref<624x128xf32, #tpu.memory_space<hbm>>)
      tpu.yield
    }) : () -> ()
    %eq3A_129 = arith.constant 15 : i32
    %eq3A_130 = arith.cmpi eq, %arg1, %eq3A_129 : i32
    %convert_element_type3A_131 = arith.extui %eq3A_130 : i1 to i32
    %cond3A_132 = arith.constant 0 : i32
    %cond3A_133 = arith.cmpi ne, %convert_element_type3A_131, %cond3A_132 : i32
    scf.if %cond3A_133 {
      "tpu.region"() ({
        %run_scoped3A = tpu.sem_alloc : memref<!tpu.dma_semaphore, #tpu.memory_space<semaphore_mem>>
        %dma_start3A_134 = arith.constant 9984 : i32
        %dma_start3A_135 = arith.constant 0 : i32
        %dma_start3A_136 = tpu.memref_slice %arg5[%arg0, %dma_start3A_134, %dma_start3A_135] : memref<2x10000x128xf32, #tpu.memory_space<hbm>> -> memref<1x16x128xf32, #tpu.memory_space<hbm>>
        %dma_start3A_137 = tpu.memref_squeeze %dma_start3A_136 : memref<1x16x128xf32, #tpu.memory_space<hbm>> -> memref<16x128xf32, #tpu.memory_space<hbm>>
        %dma_start3A_138 = arith.constant 9984 : i32
        %dma_start3A_139 = arith.constant 0 : i32
        %dma_start3A_140 = tpu.memref_slice %arg6[%dma_start3A_138, %dma_start3A_139] : memref<10000x128xf32, #tpu.memory_space<vmem_shared>> -> memref<16x128xf32, #tpu.memory_space<vmem_shared>>
        tpu.enqueue_dma source(%dma_start3A_140 : memref<16x128xf32, #tpu.memory_space<vmem_shared>>) target(%dma_start3A_137 : memref<16x128xf32, #tpu.memory_space<hbm>>) target_semaphore(%run_scoped3A : memref<!tpu.dma_semaphore, #tpu.memory_space<semaphore_mem>>)
        %dma_wait3A_141 = arith.constant 9984 : i32
        %dma_wait3A_142 = arith.constant 0 : i32
        %dma_wait3A_143 = tpu.memref_slice %arg5[%arg0, %dma_wait3A_141, %dma_wait3A_142] : memref<2x10000x128xf32, #tpu.memory_space<hbm>> -> memref<1x16x128xf32, #tpu.memory_space<hbm>>
        %dma_wait3A_144 = tpu.memref_squeeze %dma_wait3A_143 : memref<1x16x128xf32, #tpu.memory_space<hbm>> -> memref<16x128xf32, #tpu.memory_space<hbm>>
        %dma_wait3A_145 = arith.constant 9984 : i32
        %dma_wait3A_146 = arith.constant 0 : i32
        %dma_wait3A_147 = tpu.memref_slice %arg6[%dma_wait3A_145, %dma_wait3A_146] : memref<10000x128xf32, #tpu.memory_space<vmem_shared>> -> memref<16x128xf32, #tpu.memory_space<vmem_shared>>
        tpu.wait_dma2 semaphore(%run_scoped3A : memref<!tpu.dma_semaphore, #tpu.memory_space<semaphore_mem>>) src(%dma_wait3A_147 : memref<16x128xf32, #tpu.memory_space<vmem_shared>>) dst(%dma_wait3A_144 : memref<16x128xf32, #tpu.memory_space<hbm>>)
        tpu.yield
      }) : () -> ()
    } else {
    }
    return
  }
}

module attributes {stable_mosaic.version = 14 : i64} {
  func.func @_tc_pre_body(%arg0: i32, %arg1: memref<1000x1xf32, #tpu.memory_space<vmem>>, %arg2: memref<1000x1xf32, #tpu.memory_space<vmem>>, %arg3: memref<1000x128xf32, #tpu.memory_space<vmem>>, %arg4: memref<128x128xf32, #tpu.memory_space<vmem>>, %arg5: memref<1000x128xf32, #tpu.memory_space<vmem>>, %arg6: memref<1000x1xf32, #tpu.memory_space<vmem>>) attributes {dimension_semantics = [#tpu.dimension_semantics<arbitrary>], iteration_bounds = array<i64: 10>, scalar_prefetch = 0 : i64, scratch_operands = 0 : i64, tpu.core_type = #tpu.core_type<tc>, window_params = [{transform_indices = @transform_0, window_bounds = array<i64: 1000, 1>}, {transform_indices = @transform_1, window_bounds = array<i64: 1000, 1>}, {transform_indices = @transform_2, window_bounds = array<i64: 1000, 128>}, {pipeline_mode = #tpu.pipeline_mode<synchronous>, transform_indices = @transform_3, window_bounds = array<i64: 128, 128>}, {transform_indices = @transform_4, window_bounds = array<i64: 1000, 128>}, {transform_indices = @transform_5, window_bounds = array<i64: 1000, 1>}]} {
    %get3A = arith.constant 0 : index
    %get3A_0 = arith.constant 0 : index
    %get3A_1 = vector.load %arg1[%get3A, %get3A_0] : memref<1000x1xf32, #tpu.memory_space<vmem>>, vector<1000x1xf32>
    %get3A_2 = arith.constant 0 : index
    %get3A_3 = arith.constant 0 : index
    %get3A_4 = vector.load %arg2[%get3A_2, %get3A_3] : memref<1000x1xf32, #tpu.memory_space<vmem>>, vector<1000x1xf32>
    %add3A = arith.addf %get3A_1, %get3A_4 : vector<1000x1xf32>
    %add3A_5 = arith.constant 1.000000e+00 : f32
    %add3A_6 = vector.broadcast %add3A_5 : f32 to vector<1000x1xf32>
    %add3A_7 = arith.addf %add3A, %add3A_6 : vector<1000x1xf32>
    %rsqrt3A = math.rsqrt %add3A_7 : vector<1000x1xf32>
    %get3A_8 = arith.constant 0 : index
    %get3A_9 = arith.constant 0 : index
    %get3A_10 = vector.load %arg3[%get3A_8, %get3A_9] : memref<1000x128xf32, #tpu.memory_space<vmem>>, vector<1000x128xf32>
    %get3A_11 = arith.constant 0 : index
    %get3A_12 = arith.constant 0 : index
    %get3A_13 = vector.load %arg4[%get3A_11, %get3A_12] : memref<128x128xf32, #tpu.memory_space<vmem>>, vector<128x128xf32>
    %dot_general3A = arith.constant dense<0.000000e+00> : vector<1000x128xf32>
    %dot_general3A_14 = tpu.matmul %get3A_10, %get3A_13, %dot_general3A {dimension_numbers = #tpu.dot_dimension_numbers<[1], [0], [0], [1], [0, 0, 1, 1], [], []>, transpose_lhs_hint = false} : vector<1000x128xf32>, vector<128x128xf32>, vector<1000x128xf32> -> vector<1000x128xf32>
    %mul3A = vector.broadcast %rsqrt3A : vector<1000x1xf32> to vector<1000x128xf32>
    %mul3A_15 = arith.mulf %dot_general3A_14, %mul3A : vector<1000x128xf32>
    %swap3A = arith.constant 0 : index
    %swap3A_16 = arith.constant 0 : index
    %swap3A_17 = vector.load %arg5[%swap3A, %swap3A_16] : memref<1000x128xf32, #tpu.memory_space<vmem>>, vector<1000x128xf32>
    tpu.vector_store %arg5[%swap3A, %swap3A_16], %mul3A_15 {strides = array<i32>} : memref<1000x128xf32, #tpu.memory_space<vmem>>, vector<1000x128xf32>,
    %swap3A_18 = arith.constant 0 : index
    %swap3A_19 = arith.constant 0 : index
    %swap3A_20 = vector.load %arg6[%swap3A_18, %swap3A_19] : memref<1000x1xf32, #tpu.memory_space<vmem>>, vector<1000x1xf32>
    tpu.vector_store %arg6[%swap3A_18, %swap3A_19], %rsqrt3A {strides = array<i32>} : memref<1000x1xf32, #tpu.memory_space<vmem>>, vector<1000x1xf32>,
    return
  }
  func.func @transform_0(%arg0: i32) -> (i32, i32) {
    %c0_i32 = arith.constant 0 : i32
    %c0_i32_0 = arith.constant 0 : i32
    return %arg0, %c0_i32 : i32, i32
  }
  func.func @transform_1(%arg0: i32) -> (i32, i32) {
    %c0_i32 = arith.constant 0 : i32
    %c0_i32_0 = arith.constant 0 : i32
    return %arg0, %c0_i32 : i32, i32
  }
  func.func @transform_2(%arg0: i32) -> (i32, i32) {
    %c0_i32 = arith.constant 0 : i32
    %c0_i32_0 = arith.constant 0 : i32
    return %arg0, %c0_i32 : i32, i32
  }
  func.func @transform_3(%arg0: i32) -> (i32, i32) {
    %c0_i32 = arith.constant 0 : i32
    %c0_i32_0 = arith.constant 0 : i32
    %c0_i32_1 = arith.constant 0 : i32
    return %c0_i32, %c0_i32_0 : i32, i32
  }
  func.func @transform_4(%arg0: i32) -> (i32, i32) {
    %c0_i32 = arith.constant 0 : i32
    %c0_i32_0 = arith.constant 0 : i32
    return %arg0, %c0_i32 : i32, i32
  }
  func.func @transform_5(%arg0: i32) -> (i32, i32) {
    %c0_i32 = arith.constant 0 : i32
    %c0_i32_0 = arith.constant 0 : i32
    return %arg0, %c0_i32 : i32, i32
  }
}

module attributes {stable_mosaic.version = 14 : i64} {
  func.func @_tc_mid_body(%arg0: i32, %arg1: memref<2x1000x128xf32, #tpu.memory_space<vmem>>, %arg2: memref<1000x128xf32, #tpu.memory_space<vmem>>, %arg3: memref<1000x1xf32, #tpu.memory_space<vmem>>, %arg4: memref<1x128xf32, #tpu.memory_space<vmem>>, %arg5: memref<128x128xf32, #tpu.memory_space<vmem>>, %arg6: memref<1000x128xf32, #tpu.memory_space<vmem>>) attributes {dimension_semantics = [#tpu.dimension_semantics<arbitrary>], iteration_bounds = array<i64: 10>, scalar_prefetch = 0 : i64, scratch_operands = 0 : i64, tpu.core_type = #tpu.core_type<tc>, window_params = [{transform_indices = @transform_0, window_bounds = array<i64: 2, 1000, 128>}, {transform_indices = @transform_1, window_bounds = array<i64: 1000, 128>}, {transform_indices = @transform_2, window_bounds = array<i64: 1000, 1>}, {pipeline_mode = #tpu.pipeline_mode<synchronous>, transform_indices = @transform_3, window_bounds = array<i64: 1, 128>}, {pipeline_mode = #tpu.pipeline_mode<synchronous>, transform_indices = @transform_4, window_bounds = array<i64: 128, 128>}, {transform_indices = @transform_5, window_bounds = array<i64: 1000, 128>}]} {
    %get3A = arith.constant 0 : index
    %get3A_0 = arith.constant 0 : index
    %get3A_1 = arith.constant 0 : index
    %get3A_2 = vector.load %arg1[%get3A, %get3A_0, %get3A_1] : memref<2x1000x128xf32, #tpu.memory_space<vmem>>, vector<1x1000x128xf32>
    %get3A_3 = vector.shape_cast %get3A_2 : vector<1x1000x128xf32> to vector<1000x128xf32>
    %get3A_4 = arith.constant 1 : index
    %get3A_5 = arith.constant 0 : index
    %get3A_6 = arith.constant 0 : index
    %get3A_7 = vector.load %arg1[%get3A_4, %get3A_5, %get3A_6] : memref<2x1000x128xf32, #tpu.memory_space<vmem>>, vector<1x1000x128xf32>
    %get3A_8 = vector.shape_cast %get3A_7 : vector<1x1000x128xf32> to vector<1000x128xf32>
    %add3A = arith.addf %get3A_3, %get3A_8 : vector<1000x128xf32>
    %get3A_9 = arith.constant 0 : index
    %get3A_10 = arith.constant 0 : index
    %get3A_11 = vector.load %arg2[%get3A_9, %get3A_10] : memref<1000x128xf32, #tpu.memory_space<vmem>>, vector<1000x128xf32>
    %sub3A = arith.subf %add3A, %get3A_11 : vector<1000x128xf32>
    %get3A_12 = arith.constant 0 : index
    %get3A_13 = arith.constant 0 : index
    %get3A_14 = vector.load %arg3[%get3A_12, %get3A_13] : memref<1000x1xf32, #tpu.memory_space<vmem>>, vector<1000x1xf32>
    %mul3A = vector.broadcast %get3A_14 : vector<1000x1xf32> to vector<1000x128xf32>
    %mul3A_15 = arith.mulf %sub3A, %mul3A : vector<1000x128xf32>
    %get3A_16 = arith.constant 0 : index
    %get3A_17 = arith.constant 0 : index
    %get3A_18 = vector.load %arg4[%get3A_16, %get3A_17] : memref<1x128xf32, #tpu.memory_space<vmem>>, vector<1x128xf32>
    %add3A_19 = vector.broadcast %get3A_18 : vector<1x128xf32> to vector<1000x128xf32>
    %add3A_20 = arith.addf %mul3A_15, %add3A_19 : vector<1000x128xf32>
    %ge3A = arith.constant 0.000000e+00 : f32
    %ge3A_21 = vector.broadcast %ge3A : f32 to vector<1000x128xf32>
    %ge3A_22 = arith.cmpf oge, %add3A_20, %ge3A_21 : vector<1000x128xf32>
    %mul3A_23 = arith.constant 0.00999999977 : f32
    %mul3A_24 = vector.broadcast %mul3A_23 : f32 to vector<1000x128xf32>
    %mul3A_25 = arith.mulf %mul3A_24, %add3A_20 : vector<1000x128xf32>
    %select_n3A = arith.select %ge3A_22, %add3A_20, %mul3A_25 : vector<1000x128xi1>, vector<1000x128xf32>
    %get3A_26 = arith.constant 0 : index
    %get3A_27 = arith.constant 0 : index
    %get3A_28 = vector.load %arg5[%get3A_26, %get3A_27] : memref<128x128xf32, #tpu.memory_space<vmem>>, vector<128x128xf32>
    %dot_general3A = arith.constant dense<0.000000e+00> : vector<1000x128xf32>
    %dot_general3A_29 = tpu.matmul %select_n3A, %get3A_28, %dot_general3A {dimension_numbers = #tpu.dot_dimension_numbers<[1], [0], [0], [1], [0, 0, 1, 1], [], []>, transpose_lhs_hint = false} : vector<1000x128xf32>, vector<128x128xf32>, vector<1000x128xf32> -> vector<1000x128xf32>
    %get3A_30 = arith.constant 0 : index
    %get3A_31 = arith.constant 0 : index
    %get3A_32 = vector.load %arg3[%get3A_30, %get3A_31] : memref<1000x1xf32, #tpu.memory_space<vmem>>, vector<1000x1xf32>
    %mul3A_33 = vector.broadcast %get3A_32 : vector<1000x1xf32> to vector<1000x128xf32>
    %mul3A_34 = arith.mulf %dot_general3A_29, %mul3A_33 : vector<1000x128xf32>
    %swap3A = arith.constant 0 : index
    %swap3A_35 = arith.constant 0 : index
    %swap3A_36 = vector.load %arg6[%swap3A, %swap3A_35] : memref<1000x128xf32, #tpu.memory_space<vmem>>, vector<1000x128xf32>
    tpu.vector_store %arg6[%swap3A, %swap3A_35], %mul3A_34 {strides = array<i32>} : memref<1000x128xf32, #tpu.memory_space<vmem>>, vector<1000x128xf32>,
    return
  }
  func.func @transform_0(%arg0: i32) -> (i32, i32, i32) {
    %c0_i32 = arith.constant 0 : i32
    %c0_i32_0 = arith.constant 0 : i32
    %c0_i32_1 = arith.constant 0 : i32
    return %c0_i32, %arg0, %c0_i32_0 : i32, i32, i32
  }
  func.func @transform_1(%arg0: i32) -> (i32, i32) {
    %c0_i32 = arith.constant 0 : i32
    %c0_i32_0 = arith.constant 0 : i32
    return %arg0, %c0_i32 : i32, i32
  }
  func.func @transform_2(%arg0: i32) -> (i32, i32) {
    %c0_i32 = arith.constant 0 : i32
    %c0_i32_0 = arith.constant 0 : i32
    return %arg0, %c0_i32 : i32, i32
  }
  func.func @transform_3(%arg0: i32) -> (i32, i32) {
    %c0_i32 = arith.constant 0 : i32
    %c0_i32_0 = arith.constant 0 : i32
    %c0_i32_1 = arith.constant 0 : i32
    return %c0_i32, %c0_i32_0 : i32, i32
  }
  func.func @transform_4(%arg0: i32) -> (i32, i32) {
    %c0_i32 = arith.constant 0 : i32
    %c0_i32_0 = arith.constant 0 : i32
    %c0_i32_1 = arith.constant 0 : i32
    return %c0_i32, %c0_i32_0 : i32, i32
  }
  func.func @transform_5(%arg0: i32) -> (i32, i32) {
    %c0_i32 = arith.constant 0 : i32
    %c0_i32_0 = arith.constant 0 : i32
    return %arg0, %c0_i32 : i32, i32
  }
}

module attributes {stable_mosaic.version = 14 : i64} {
  func.func @_tc_post_body(%arg0: i32, %arg1: memref<2x1000x128xf32, #tpu.memory_space<vmem>>, %arg2: memref<1000x128xf32, #tpu.memory_space<vmem>>, %arg3: memref<1000x1xf32, #tpu.memory_space<vmem>>, %arg4: memref<1x128xf32, #tpu.memory_space<vmem>>, %arg5: memref<1000x1xi32, #tpu.memory_space<vmem>>, %arg6: memref<128x64xf32, #tpu.memory_space<vmem>>, %arg7: memref<1x64xf32, #tpu.memory_space<vmem>>, %arg8: memref<64x64xf32, #tpu.memory_space<vmem>>, %arg9: memref<1x64xf32, #tpu.memory_space<vmem>>, %arg10: memref<64x10xf32, #tpu.memory_space<vmem>>, %arg11: memref<1x10xf32, #tpu.memory_space<vmem>>, %arg12: memref<64x10xf32, #tpu.memory_space<vmem>>, %arg13: memref<64x128xf32, #tpu.memory_space<vmem>>, %arg14: memref<64x128xf32, #tpu.memory_space<vmem>>) attributes {dimension_semantics = [#tpu.dimension_semantics<arbitrary>], iteration_bounds = array<i64: 10>, scalar_prefetch = 0 : i64, scratch_operands = 2 : i64, tpu.core_type = #tpu.core_type<tc>, window_params = [{transform_indices = @transform_0, window_bounds = array<i64: 2, 1000, 128>}, {transform_indices = @transform_1, window_bounds = array<i64: 1000, 128>}, {transform_indices = @transform_2, window_bounds = array<i64: 1000, 1>}, {pipeline_mode = #tpu.pipeline_mode<synchronous>, transform_indices = @transform_3, window_bounds = array<i64: 1, 128>}, {transform_indices = @transform_4, window_bounds = array<i64: 1000, 1>}, {pipeline_mode = #tpu.pipeline_mode<synchronous>, transform_indices = @transform_5, window_bounds = array<i64: 128, 64>}, {pipeline_mode = #tpu.pipeline_mode<synchronous>, transform_indices = @transform_6, window_bounds = array<i64: 1, 64>}, {pipeline_mode = #tpu.pipeline_mode<synchronous>, transform_indices = @transform_7, window_bounds = array<i64: 64, 64>}, {pipeline_mode = #tpu.pipeline_mode<synchronous>, transform_indices = @transform_8, window_bounds = array<i64: 1, 64>}, {pipeline_mode = #tpu.pipeline_mode<synchronous>, transform_indices = @transform_9, window_bounds = array<i64: 64, 10>}, {pipeline_mode = #tpu.pipeline_mode<synchronous>, transform_indices = @transform_10, window_bounds = array<i64: 1, 10>}, {pipeline_mode = #tpu.pipeline_mode<synchronous>, transform_indices = @transform_11, window_bounds = array<i64: 64, 10>}]} {
    %get3A = arith.constant 0 : index
    %get3A_0 = arith.constant 0 : index
    %get3A_1 = arith.constant 0 : index
    %get3A_2 = vector.load %arg1[%get3A, %get3A_0, %get3A_1] : memref<2x1000x128xf32, #tpu.memory_space<vmem>>, vector<1x1000x128xf32>
    %get3A_3 = vector.shape_cast %get3A_2 : vector<1x1000x128xf32> to vector<1000x128xf32>
    %get3A_4 = arith.constant 1 : index
    %get3A_5 = arith.constant 0 : index
    %get3A_6 = arith.constant 0 : index
    %get3A_7 = vector.load %arg1[%get3A_4, %get3A_5, %get3A_6] : memref<2x1000x128xf32, #tpu.memory_space<vmem>>, vector<1x1000x128xf32>
    %get3A_8 = vector.shape_cast %get3A_7 : vector<1x1000x128xf32> to vector<1000x128xf32>
    %add3A = arith.addf %get3A_3, %get3A_8 : vector<1000x128xf32>
    %get3A_9 = arith.constant 0 : index
    %get3A_10 = arith.constant 0 : index
    %get3A_11 = vector.load %arg2[%get3A_9, %get3A_10] : memref<1000x128xf32, #tpu.memory_space<vmem>>, vector<1000x128xf32>
    %sub3A = arith.subf %add3A, %get3A_11 : vector<1000x128xf32>
    %get3A_12 = arith.constant 0 : index
    %get3A_13 = arith.constant 0 : index
    %get3A_14 = vector.load %arg3[%get3A_12, %get3A_13] : memref<1000x1xf32, #tpu.memory_space<vmem>>, vector<1000x1xf32>
    %mul3A = vector.broadcast %get3A_14 : vector<1000x1xf32> to vector<1000x128xf32>
    %mul3A_15 = arith.mulf %sub3A, %mul3A : vector<1000x128xf32>
    %get3A_16 = arith.constant 0 : index
    %get3A_17 = arith.constant 0 : index
    %get3A_18 = vector.load %arg4[%get3A_16, %get3A_17] : memref<1x128xf32, #tpu.memory_space<vmem>>, vector<1x128xf32>
    %add3A_19 = vector.broadcast %get3A_18 : vector<1x128xf32> to vector<1000x128xf32>
    %add3A_20 = arith.addf %mul3A_15, %add3A_19 : vector<1000x128xf32>
    %ge3A = arith.constant 0.000000e+00 : f32
    %ge3A_21 = vector.broadcast %ge3A : f32 to vector<1000x128xf32>
    %ge3A_22 = arith.cmpf oge, %add3A_20, %ge3A_21 : vector<1000x128xf32>
    %mul3A_23 = arith.constant 0.00999999977 : f32
    %mul3A_24 = vector.broadcast %mul3A_23 : f32 to vector<1000x128xf32>
    %mul3A_25 = arith.mulf %mul3A_24, %add3A_20 : vector<1000x128xf32>
    %select_n3A = arith.select %ge3A_22, %add3A_20, %mul3A_25 : vector<1000x128xi1>, vector<1000x128xf32>
    %iota3A = tpu.iota {dimensions = array<i32: 1>} : vector<1x64xi32>
    %get3A_26 = arith.constant 0 : index
    %get3A_27 = arith.constant 0 : index
    %get3A_28 = vector.load %arg5[%get3A_26, %get3A_27] : memref<1000x1xi32, #tpu.memory_space<vmem>>, vector<1000x1xi32>
    %eq3A = vector.broadcast %get3A_28 : vector<1000x1xi32> to vector<1000x64xi32>
    %eq3A_29 = vector.broadcast %iota3A : vector<1x64xi32> to vector<1000x64xi32>
    %eq3A_30 = arith.cmpi eq, %eq3A, %eq3A_29 : vector<1000x64xi32>
    %convert_element_type3A = arith.extui %eq3A_30 : vector<1000x64xi1> to vector<1000x64xi32>
    %convert_element_type3A_31 = arith.sitofp %convert_element_type3A : vector<1000x64xi32> to vector<1000x64xf32>
    %dot_general3A = arith.constant dense<0.000000e+00> : vector<64x128xf32>
    %dot_general3A_32 = tpu.matmul %convert_element_type3A_31, %select_n3A, %dot_general3A {dimension_numbers = #tpu.dot_dimension_numbers<[0], [0], [1], [1], [0, 1, 1, 1], [], []>, transpose_lhs_hint = false} : vector<1000x64xf32>, vector<1000x128xf32>, vector<64x128xf32> -> vector<64x128xf32>
    %broadcast_in_dim3A = arith.constant 1.000000e+00 : f32
    %broadcast_in_dim3A_33 = vector.broadcast %broadcast_in_dim3A : f32 to vector<1000x128xf32>
    %dot_general3A_34 = arith.constant dense<0.000000e+00> : vector<64x128xf32>
    %dot_general3A_35 = tpu.matmul %convert_element_type3A_31, %broadcast_in_dim3A_33, %dot_general3A_34 {dimension_numbers = #tpu.dot_dimension_numbers<[0], [0], [1], [1], [0, 1, 1, 1], [], []>, transpose_lhs_hint = false} : vector<1000x64xf32>, vector<1000x128xf32>, vector<64x128xf32> -> vector<64x128xf32>
    %eq3A_36 = arith.constant 0 : i32
    %eq3A_37 = arith.cmpi eq, %arg0, %eq3A_36 : i32
    %convert_element_type3A_38 = arith.extui %eq3A_37 : i1 to i32
    %cond3A = arith.constant 0 : i32
    %cond3A_39 = arith.cmpi ne, %convert_element_type3A_38, %cond3A : i32
    scf.if %cond3A_39 {
      %swap3A = arith.constant 0 : index
      %swap3A_49 = arith.constant 0 : index
      %swap3A_50 = vector.load %arg13[%swap3A, %swap3A_49] : memref<64x128xf32, #tpu.memory_space<vmem>>, vector<64x128xf32>
      tpu.vector_store %arg13[%swap3A, %swap3A_49], %dot_general3A_32 {strides = array<i32>} : memref<64x128xf32, #tpu.memory_space<vmem>>, vector<64x128xf32>,
      %swap3A_51 = arith.constant 0 : index
      %swap3A_52 = arith.constant 0 : index
      %swap3A_53 = vector.load %arg14[%swap3A_51, %swap3A_52] : memref<64x128xf32, #tpu.memory_space<vmem>>, vector<64x128xf32>
      tpu.vector_store %arg14[%swap3A_51, %swap3A_52], %dot_general3A_35 {strides = array<i32>} : memref<64x128xf32, #tpu.memory_space<vmem>>, vector<64x128xf32>,
    } else {
    }
    %gt3A = arith.constant 0 : i32
    %gt3A_40 = arith.cmpi sgt, %arg0, %gt3A : i32
    %convert_element_type3A_41 = arith.extui %gt3A_40 : i1 to i32
    %cond3A_42 = arith.constant 0 : i32
    %cond3A_43 = arith.cmpi ne, %convert_element_type3A_41, %cond3A_42 : i32
    scf.if %cond3A_43 {
      %get3A_49 = arith.constant 0 : index
      %get3A_50 = arith.constant 0 : index
      %get3A_51 = vector.load %arg13[%get3A_49, %get3A_50] : memref<64x128xf32, #tpu.memory_space<vmem>>, vector<64x128xf32>
      %add3A_52 = arith.addf %get3A_51, %dot_general3A_32 : vector<64x128xf32>
      %swap3A = arith.constant 0 : index
      %swap3A_53 = arith.constant 0 : index
      %swap3A_54 = vector.load %arg13[%swap3A, %swap3A_53] : memref<64x128xf32, #tpu.memory_space<vmem>>, vector<64x128xf32>
      tpu.vector_store %arg13[%swap3A, %swap3A_53], %add3A_52 {strides = array<i32>} : memref<64x128xf32, #tpu.memory_space<vmem>>, vector<64x128xf32>,
      %get3A_55 = arith.constant 0 : index
      %get3A_56 = arith.constant 0 : index
      %get3A_57 = vector.load %arg14[%get3A_55, %get3A_56] : memref<64x128xf32, #tpu.memory_space<vmem>>, vector<64x128xf32>
      %add3A_58 = arith.addf %get3A_57, %dot_general3A_35 : vector<64x128xf32>
      %swap3A_59 = arith.constant 0 : index
      %swap3A_60 = arith.constant 0 : index
      %swap3A_61 = vector.load %arg14[%swap3A_59, %swap3A_60] : memref<64x128xf32, #tpu.memory_space<vmem>>, vector<64x128xf32>
      tpu.vector_store %arg14[%swap3A_59, %swap3A_60], %add3A_58 {strides = array<i32>} : memref<64x128xf32, #tpu.memory_space<vmem>>, vector<64x128xf32>,
    } else {
    }
    %eq3A_44 = arith.constant 9 : i32
    %eq3A_45 = arith.cmpi eq, %arg0, %eq3A_44 : i32
    %convert_element_type3A_46 = arith.extui %eq3A_45 : i1 to i32
    %cond3A_47 = arith.constant 0 : i32
    %cond3A_48 = arith.cmpi ne, %convert_element_type3A_46, %cond3A_47 : i32
    scf.if %cond3A_48 {
      %get3A_49 = arith.constant 0 : index
      %get3A_50 = arith.constant 0 : index
      %get3A_51 = vector.load %arg13[%get3A_49, %get3A_50] : memref<64x128xf32, #tpu.memory_space<vmem>>, vector<64x128xf32>
      %get3A_52 = arith.constant 0 : index
      %get3A_53 = arith.constant 0 : index
      %get3A_54 = vector.load %arg14[%get3A_52, %get3A_53] : memref<64x128xf32, #tpu.memory_space<vmem>>, vector<64x128xf32>
      %max3A = arith.constant 1.000000e+00 : f32
      %max3A_55 = vector.broadcast %max3A : f32 to vector<64x128xf32>
      %max3A_56 = arith.maximumf %get3A_54, %max3A_55 : vector<64x128xf32>
      %div3A = arith.divf %get3A_51, %max3A_56 : vector<64x128xf32>
      %get3A_57 = arith.constant 0 : index
      %get3A_58 = arith.constant 0 : index
      %get3A_59 = vector.load %arg6[%get3A_57, %get3A_58] : memref<128x64xf32, #tpu.memory_space<vmem>>, vector<128x64xf32>
      %dot_general3A_60 = arith.constant dense<0.000000e+00> : vector<64x64xf32>
      %dot_general3A_61 = tpu.matmul %div3A, %get3A_59, %dot_general3A_60 {dimension_numbers = #tpu.dot_dimension_numbers<[1], [0], [0], [1], [0, 0, 1, 1], [], []>, transpose_lhs_hint = false} : vector<64x128xf32>, vector<128x64xf32>, vector<64x64xf32> -> vector<64x64xf32>
      %get3A_62 = arith.constant 0 : index
      %get3A_63 = arith.constant 0 : index
      %get3A_64 = vector.load %arg7[%get3A_62, %get3A_63] : memref<1x64xf32, #tpu.memory_space<vmem>>, vector<1x64xf32>
      %add3A_65 = vector.broadcast %get3A_64 : vector<1x64xf32> to vector<64x64xf32>
      %add3A_66 = arith.addf %dot_general3A_61, %add3A_65 : vector<64x64xf32>
      %ge3A_67 = arith.constant 0.000000e+00 : f32
      %ge3A_68 = vector.broadcast %ge3A_67 : f32 to vector<64x64xf32>
      %ge3A_69 = arith.cmpf oge, %add3A_66, %ge3A_68 : vector<64x64xf32>
      %mul3A_70 = arith.constant 0.00999999977 : f32
      %mul3A_71 = vector.broadcast %mul3A_70 : f32 to vector<64x64xf32>
      %mul3A_72 = arith.mulf %mul3A_71, %add3A_66 : vector<64x64xf32>
      %select_n3A_73 = arith.select %ge3A_69, %add3A_66, %mul3A_72 : vector<64x64xi1>, vector<64x64xf32>
      %get3A_74 = arith.constant 0 : index
      %get3A_75 = arith.constant 0 : index
      %get3A_76 = vector.load %arg8[%get3A_74, %get3A_75] : memref<64x64xf32, #tpu.memory_space<vmem>>, vector<64x64xf32>
      %dot_general3A_77 = arith.constant dense<0.000000e+00> : vector<64x64xf32>
      %dot_general3A_78 = tpu.matmul %select_n3A_73, %get3A_76, %dot_general3A_77 {dimension_numbers = #tpu.dot_dimension_numbers<[1], [0], [0], [1], [0, 0, 1, 1], [], []>, transpose_lhs_hint = false} : vector<64x64xf32>, vector<64x64xf32>, vector<64x64xf32> -> vector<64x64xf32>
      %get3A_79 = arith.constant 0 : index
      %get3A_80 = arith.constant 0 : index
      %get3A_81 = vector.load %arg9[%get3A_79, %get3A_80] : memref<1x64xf32, #tpu.memory_space<vmem>>, vector<1x64xf32>
      %add3A_82 = vector.broadcast %get3A_81 : vector<1x64xf32> to vector<64x64xf32>
      %add3A_83 = arith.addf %dot_general3A_78, %add3A_82 : vector<64x64xf32>
      %ge3A_84 = arith.constant 0.000000e+00 : f32
      %ge3A_85 = vector.broadcast %ge3A_84 : f32 to vector<64x64xf32>
      %ge3A_86 = arith.cmpf oge, %add3A_83, %ge3A_85 : vector<64x64xf32>
      %mul3A_87 = arith.constant 0.00999999977 : f32
      %mul3A_88 = vector.broadcast %mul3A_87 : f32 to vector<64x64xf32>
      %mul3A_89 = arith.mulf %mul3A_88, %add3A_83 : vector<64x64xf32>
      %select_n3A_90 = arith.select %ge3A_86, %add3A_83, %mul3A_89 : vector<64x64xi1>, vector<64x64xf32>
      %get3A_91 = arith.constant 0 : index
      %get3A_92 = arith.constant 0 : index
      %get3A_93 = vector.load %arg10[%get3A_91, %get3A_92] : memref<64x10xf32, #tpu.memory_space<vmem>>, vector<64x10xf32>
      %dot_general3A_94 = arith.constant dense<0.000000e+00> : vector<64x10xf32>
      %dot_general3A_95 = tpu.matmul %select_n3A_90, %get3A_93, %dot_general3A_94 {dimension_numbers = #tpu.dot_dimension_numbers<[1], [0], [0], [1], [0, 0, 1, 1], [], []>, transpose_lhs_hint = false} : vector<64x64xf32>, vector<64x10xf32>, vector<64x10xf32> -> vector<64x10xf32>
      %get3A_96 = arith.constant 0 : index
      %get3A_97 = arith.constant 0 : index
      %get3A_98 = vector.load %arg11[%get3A_96, %get3A_97] : memref<1x10xf32, #tpu.memory_space<vmem>>, vector<1x10xf32>
      %add3A_99 = vector.broadcast %get3A_98 : vector<1x10xf32> to vector<64x10xf32>
      %add3A_100 = arith.addf %dot_general3A_95, %add3A_99 : vector<64x10xf32>
      %swap3A = arith.constant 0 : index
      %swap3A_101 = arith.constant 0 : index
      %swap3A_102 = vector.load %arg12[%swap3A, %swap3A_101] : memref<64x10xf32, #tpu.memory_space<vmem>>, vector<64x10xf32>
      tpu.vector_store %arg12[%swap3A, %swap3A_101], %add3A_100 {strides = array<i32>} : memref<64x10xf32, #tpu.memory_space<vmem>>, vector<64x10xf32>,
    } else {
    }
    return
  }
  func.func @transform_0(%arg0: i32) -> (i32, i32, i32) {
    %c0_i32 = arith.constant 0 : i32
    %c0_i32_0 = arith.constant 0 : i32
    %c0_i32_1 = arith.constant 0 : i32
    return %c0_i32, %arg0, %c0_i32_0 : i32, i32, i32
  }
  func.func @transform_1(%arg0: i32) -> (i32, i32) {
    %c0_i32 = arith.constant 0 : i32
    %c0_i32_0 = arith.constant 0 : i32
    return %arg0, %c0_i32 : i32, i32
  }
  func.func @transform_2(%arg0: i32) -> (i32, i32) {
    %c0_i32 = arith.constant 0 : i32
    %c0_i32_0 = arith.constant 0 : i32
    return %arg0, %c0_i32 : i32, i32
  }
  func.func @transform_3(%arg0: i32) -> (i32, i32) {
    %c0_i32 = arith.constant 0 : i32
    %c0_i32_0 = arith.constant 0 : i32
    %c0_i32_1 = arith.constant 0 : i32
    return %c0_i32, %c0_i32_0 : i32, i32
  }
  func.func @transform_4(%arg0: i32) -> (i32, i32) {
    %c0_i32 = arith.constant 0 : i32
    %c0_i32_0 = arith.constant 0 : i32
    return %arg0, %c0_i32 : i32, i32
  }
  func.func @transform_5(%arg0: i32) -> (i32, i32) {
    %c0_i32 = arith.constant 0 : i32
    %c0_i32_0 = arith.constant 0 : i32
    %c0_i32_1 = arith.constant 0 : i32
    return %c0_i32, %c0_i32_0 : i32, i32
  }
  func.func @transform_6(%arg0: i32) -> (i32, i32) {
    %c0_i32 = arith.constant 0 : i32
    %c0_i32_0 = arith.constant 0 : i32
    %c0_i32_1 = arith.constant 0 : i32
    return %c0_i32, %c0_i32_0 : i32, i32
  }
  func.func @transform_7(%arg0: i32) -> (i32, i32) {
    %c0_i32 = arith.constant 0 : i32
    %c0_i32_0 = arith.constant 0 : i32
    %c0_i32_1 = arith.constant 0 : i32
    return %c0_i32, %c0_i32_0 : i32, i32
  }
  func.func @transform_8(%arg0: i32) -> (i32, i32) {
    %c0_i32 = arith.constant 0 : i32
    %c0_i32_0 = arith.constant 0 : i32
    %c0_i32_1 = arith.constant 0 : i32
    return %c0_i32, %c0_i32_0 : i32, i32
  }
  func.func @transform_9(%arg0: i32) -> (i32, i32) {
    %c0_i32 = arith.constant 0 : i32
    %c0_i32_0 = arith.constant 0 : i32
    %c0_i32_1 = arith.constant 0 : i32
    return %c0_i32, %c0_i32_0 : i32, i32
  }
  func.func @transform_10(%arg0: i32) -> (i32, i32) {
    %c0_i32 = arith.constant 0 : i32
    %c0_i32_0 = arith.constant 0 : i32
    %c0_i32_1 = arith.constant 0 : i32
    return %c0_i32, %c0_i32_0 : i32, i32
  }
  func.func @transform_11(%arg0: i32) -> (i32, i32) {
    %c0_i32 = arith.constant 0 : i32
    %c0_i32_0 = arith.constant 0 : i32
    %c0_i32_1 = arith.constant 0 : i32
    return %c0_i32, %c0_i32_0 : i32, i32
  }
}

</mosaic_0001>

<sc_bundles>
// kernel: kernel.11.cloned.1.call-start
scs
__scs_entry_jumppad:
0x0: {  	(pc) =	sbr.rel $0x88, $3  }
0x1: {  	(tag) =	ssettag $0x0;
	lr =	simm.s32 $0x1  }
0x2: {  	[smem:$0x3F94] =	sst lr;
	_ =	strace $0xD0000000  }
0x3: {  	_ = 	snop  }
0x4: {  	_ = 	snop  }
0x5: {  	_ = 	snop  }
0x6: {  	_ = 	snop  }
0x7: {  	_ = 	snop  }
__scs_overlays_trampoline_lowered:
0x8: {  	[smem:$0x3FA3] =	sst s0  }
0x9: {  	[smem:$0x3FA4] =	sst s1  }
0xa: {  	[smem:$0x3FA5] =	sst s2  }
0xb: {  	[smem:$0x3FA6] =	sst s3  }
0xc: {  	[smem:$0x3FA7] =	sst s4  }
0xd: {  	[smem:$0x3FA8] =	sst s5  }
0xe: {  	[smem:$0x3FA9] =	sst s6  }
0xf: {  	[smem:$0x3FAA] =	sst s7  }
0x10: {  	[smem:$0x3FAB] =	sst s8  }
0x11: {  	[smem:$0x3FAC] =	sst s9;
	s0 =	simm.s32 @!p0 $0x0  }
0x12: {  	s1 =	sld [smem:$0x3F92];
	s0 =	simm.s32 @p0 $0x1  }
0x13: {  	[smem:$0x3FAD] =	sst s0;
	s0 =	simm.s32 @!p1 $0x0  }
0x14: {  	s2 =	sld [smem:$0x3F91];
	s0 =	simm.s32 @p1 $0x1  }
0x15: {  	[smem:$0x3FAE] =	sst s0;
	s0 =	simm.s32 @!p2 $0x0  }
0x16: {  	s3 =	sld [smem:$0x3FDB];
	s0 =	simm.s32 @p2 $0x1  }
0x17: {  	s4 =	simm.s32 $0x1BF5;
	[smem:$0x3FB0] =	sst s0  }
0x18: {  	s0 =	sld [smem:$0x3F93];
	_ =	swait.ge [sflag:s4], $0x0  }
0x19: {  	s7 =	sld [smem:$0x3F94]  }
0x1a: {  	s8 =	sadd.s32 $0xFFFFE003, lr  }
0x1b: {  	s9 =	sadd.s32 $0xFFFFFEF7, lr;
	s5 =	simm.s32 $0xFFFFFFFF;
	p2 =	slt.u32 s8, $0xFFFFF086  }
0x1c: {  	p1 =	slt.u32 s9, $0xF7A;
	s5 =	simm.s32 @!p2 $0x0  }
0x1d: {  	s5 =	simm.s32 @p1 $0x1;
	p0 =	seq.s32 s7, s2  }
0x1e: {  	s7 =	smul.u32 @!p0 $0xF7A, s2;
	p2 =	seq.s32 @!p0 s5, $0x0  }
0x1f: {  	s9 =	smul.u32 $0xF7A, s1;
	s8 =	simm.s32 @!p0 $0x1BF5;
	p2 =	por !p2, p0  }
0x20: {  	[sflag:s8] =	ssyncset.s32 @!p0 $0xFFFFF086;
	s6 =	sadd.s32 @!p0 s3, s7;
	s7 =	simm.s32 @!p0 $0x108  }
0x21: {  	s3 =	sadd.s32 s3, s9;
	s6 =	sadd.s32 @!p0 $0x88, s6;
	s7 =	simm.s32 @p2 $0x1082  }
0x22: {  	[simem:s7], [sflag:s8] =	dma.local @!p0 [hbm:s6], $0xF7A  }
0x23: {  	s9 =	sor.u32 $0xD0000000, s2;
	s6 =	simm.s32 $0x108;
	_ =	swait.ge @!p0 [sflag:s8], $0x0  }
0x24: {  	s3 =	sadd.s32 $0x88, s3;
	s6 =	simm.s32 @!p1 $0x1082;
	[sflag:s4] =	ssyncset.s32 $0xFFFFF086  }
0x25: {  	[simem:s6], [sflag:s4] =	dma.local [hbm:s3], $0xF7A  }
0x26: {  	[smem:$0x3F94] =	sst s1;
	(tag) =	ssettag s2;
	_ =	strace s9  }
0x27: {  	s1 =	sld [smem:$0x3FA4]  }
0x28: {  	s2 =	sld [smem:$0x3FA5]  }
0x29: {  	s4 =	sld [smem:$0x3FA7]  }
0x2a: {  	p0 =	seq.s32 s5, $0x0;
	s5 =	sld [smem:$0x3FA8]  }
0x2b: {  	s6 =	sld [smem:$0x3FA9]  }
0x2c: {  	s7 =	sld [smem:$0x3FAA]  }
0x2d: {  	s3 =	simm.s32 $0x108;
	s8 =	sld [smem:$0x3FAB]  }
0x2e: {  	s3 =	simm.s32 @!p0 $0x1082;
	s9 =	sld [smem:$0x3FAC]  }
0x2f: {  	lr =	sadd.s32 s0, s3;
	s0 =	sld [smem:$0x3FA3]  }
0x30: {  	s3 =	sld [smem:$0x3FA6]  }
0x31: {  	[smem:$0x3FAF] =	sst s10  }
0x32: {  	s10 =	sld [smem:$0x3FAD];
	_ =	sdelay $0x3  }
0x33: {  	p0 =	seq.s32 s10, $0x1;
	s10 =	sld [smem:$0x3FAF];
	_ =	sdelay $0x3  }
0x34: {  	[smem:$0x3FAF] =	sst s10  }
0x35: {  	s10 =	sld [smem:$0x3FAE];
	_ =	sdelay $0x3  }
0x36: {  	p1 =	seq.s32 s10, $0x1;
	s10 =	sld [smem:$0x3FAF];
	_ =	sdelay $0x3  }
0x37: {  	[smem:$0x3FAF] =	sst s10  }
0x38: {  	s10 =	sld [smem:$0x3FB0]  }
0x39: {  	_ = 	snop;
	(pc) =	sbr.ind lr, $3  }
0x3a: {  	_ = 	snop  }
0x3b: {  	_ = 	snop  }
0x3c: {  	p2 =	seq.s32 s10, $0x1;
	s10 =	sld [smem:$0x3FAF]  }
0x3d: {  	_ =	shalt  }
0x3e: {  	_ =	shalt  }
0x3f: {  	_ =	shalt  }
0x40: {  	_ =	shalt  }
0x41: {  	_ =	shalt  }
0x42: {  	_ =	shalt  }
0x43: {  	_ =	shalt  }
0x44: {  	_ =	shalt  }
0x45: {  	_ =	shalt  }
0x46: {  	_ =	shalt  }
0x47: {  	_ =	shalt  }
0x48: {  	_ =	shalt  }
0x49: {  	_ =	shalt  }
0x4a: {  	_ =	shalt  }
0x4b: {  	_ =	shalt  }
0x4c: {  	_ =	shalt  }
0x4d: {  	_ =	shalt  }
0x4e: {  	_ =	shalt  }
0x4f: {  	_ =	shalt  }
0x50: {  	_ =	shalt  }
0x51: {  	_ =	shalt  }
0x52: {  	_ =	shalt  }
0x53: {  	_ =	shalt  }
0x54: {  	_ =	shalt  }
0x55: {  	_ =	shalt  }
0x56: {  	_ =	shalt  }
0x57: {  	_ =	shalt  }
0x58: {  	_ =	shalt  }
0x59: {  	_ =	shalt  }
0x5a: {  	_ =	shalt  }
0x5b: {  	_ =	shalt  }
0x5c: {  	_ =	shalt  }
0x5d: {  	_ =	shalt  }
0x5e: {  	_ =	shalt  }
0x5f: {  	_ =	shalt  }
0x60: {  	_ =	shalt  }
0x61: {  	_ =	shalt  }
0x62: {  	_ =	shalt  }
0x63: {  	_ =	shalt  }
0x64: {  	_ =	shalt  }
0x65: {  	_ =	shalt  }
0x66: {  	_ =	shalt  }
0x67: {  	_ =	shalt  }
0x68: {  	_ =	shalt  }
0x69: {  	_ =	shalt  }
0x6a: {  	_ =	shalt  }
0x6b: {  	_ =	shalt  }
0x6c: {  	_ =	shalt  }
0x6d: {  	_ =	shalt  }
0x6e: {  	_ =	shalt  }
0x6f: {  	_ =	shalt  }
0x70: {  	_ =	shalt  }
0x71: {  	_ =	shalt  }
0x72: {  	_ =	shalt  }
0x73: {  	_ =	shalt  }
0x74: {  	_ =	shalt  }
0x75: {  	_ =	shalt  }
0x76: {  	_ =	shalt  }
0x77: {  	_ =	shalt  }
0x78: {  	_ =	shalt  }
0x79: {  	_ =	shalt  }
0x7a: {  	_ =	shalt  }
0x7b: {  	_ =	shalt  }
0x7c: {  	_ =	shalt  }
0x7d: {  	_ =	shalt  }
0x7e: {  	_ =	shalt  }
0x7f: {  	_ =	shalt  }
0x80: {  	_ =	shalt  }
0x81: {  	_ =	shalt  }
0x82: {  	_ =	shalt  }
0x83: {  	_ =	shalt  }
0x84: {  	_ =	shalt  }
0x85: {  	_ =	shalt  }
0x86: {  	_ =	shalt  }
0x87: {  	_ =	shalt  }
.Lfunc_end0:
.L_simem_size_0:
called_computation.1_lowered:
.L_overlay_start_0:
0x88: {  	s2 =	sld [smem:$0x3FD9]  }
0x89: {  	s3 =	sld [smem:$0x3FFE];
	_ =	sdelay $0x1  }
0x8a: {  	s1 =	srdreg.scid  }
0x8b: {  	s0 =	sand.u32 $0x1, s1  }
0x8c: {  	s16 =	sshll.u32 s0, $0xA;
	s2 =	sadd.s32 s3, s2  }
0x8d: {  	s2 =	sadd.s32 s2, s16  }
0x8e: {  	[smem:$0x3FBB] =	sst s2  }
0x8f: {  	_ = 	snop  }
0x90: {  	(tm) =	ssettm $0x1  }
0x91: {  	s17 =	sld [smem:$0x3FFB];
	_ =	sdelay $0x3  }
0x92: {  	_ =	strace s17  }
0x93: {  	s2 =	sld [smem:$0x3FFC];
	_ =	sdelay $0x3  }
0x94: {  	_ =	strace s2  }
0x95: {  	s2 =	sld [smem:$0x3FFD];
	_ =	sdelay $0x3  }
0x96: {  	_ =	strace s2  }
0x97: {  	_ =	strace $0x8FFFFFFF  }
0x98: {  	s18 =	sld [smem:$0x3FDB];
	_ =	sdelay $0x1  }
0x99: {  	s19 =	simm.s32 $_scs_section_size  }
0x9a: {  	s4 =	simm.s32 $_size__tile_overlayer_lowered;
	s5 =	simm.s32 $_tile_overlayer_lowered  }
0x9b: {  	s22 =	simm.s32 $0x1BFF;
	s21 =	sshll.u32 s5, $0x1;
	s2 =	sadd.s32 s19, s18  }
0x9c: {  	s6 =	simm.s32 $0x0;
	s20 =	sshll.u32 s4, $0x1;
	s4 =	sadd.s32 s21, s2  }
0x9d: {  	[timem:s6], [sflag:s22] =	dma.local [hbm:s4], s20  }
0x9e: {  	_ =	swait.ge [sflag:s22], s20  }
0x9f: {  	s3 =	ssub.s32 $0x0, s20;
	[sflag:s22] =	ssyncset.done $0x0  }
0xa0: {  	[sflag:s22] =	ssyncadd.s32 s3;
	_ =	sdelay $0x1  }
0xa1: {  	s23 =	simm.s32 $0x1B8B  }
0xa2: {  	_ =	swait.ge [sflag:s23], $0x1  }
0xa3: {  	[sflag:s23] =	ssyncset.done $0x0  }
0xa4: {  	s25 =	simm.s32 $0x1B8E;
	s24 =	sld [smem:$0x3FFE];
	[sflag:s23] =	ssyncadd.s32 $0xFFFFFFFF  }
0xa5: {  	s26 =	simm.s32 $execute0_lowered;
	[smem:$0x3FD2] =	sst s25  }
0xa6: {  	s4 =	sshll.u32 s26, $0x1;
	_ =	strace $0x80000049;
	[dreg:$0x1] =	wrdreg $0xFFFFFFFF  }
0xa7: {  	s28 =	simm.s32 $_size_execute0_lowered;
	s2 =	sadd.s32 s2, s4;
	[dreg:$0x0] =	wrdreg $0x0  }
0xa8: {  	s4 =	sshll.u32 s28, $0x1;
	[dreg:$0x2] =	wrdreg s2  }
0xa9: {  	[dreg:$0x3] =	wrdreg s4  }
0xaa: {  	[dreg:$0x4] =	wrdreg $0xC0  }
0xab: {  	_ =	task [dreg:s6], $0x5FFFF  }
0xac: {  	[dreg:$0x1] =	wrdreg $0xFFFFFFFF  }
0xad: {  	[dreg:$0x0] =	wrdreg $0x60  }
0xae: {  	[dreg:$0x2] =	wrdreg s24  }
0xaf: {  	[dreg:$0x3] =	wrdreg $0x0  }
0xb0: {  	[dreg:$0x4] =	wrdreg $0x9  }
0xb1: {  	_ =	task.clear_ibuf [dreg:s6], $0x5FFFF;
	_ =	strace $0x90000049  }
0xb2: {  	s29 =	simm.s32 $0x9;
	_ =	strace $0x8000004B  }
0xb3: {  	_ =	swait.ge [sflag:s29], $0x1  }
0xb4: {  	[sflag:s29] =	ssyncadd.s32 $0xFFFFFFFF  }
0xb5: {  	_ =	strace $0x9000004B  }
0xb6: {  	_ =	sfence  }
0xb7: {  	s30 =	sld [smem:$0x0];
	_ =	sdelay $0x2  }
0xb8: {  	s31 =	sshll.u32 s1, $0xD;
	s1 =	sshrl.u32 s1, $0x2  }
0xb9: {  	s3 =	sand.u32 $0x4000, s31;
	s1 =	sadd.s32 s1, s30  }
0xba: {  	s0 =	sor.u32 s3, s0;
	s1 =	sshll.u32 s1, $0x11  }
0xbb: {  	s0 =	sor.u32 s1, s0  }
0xbc: {  	s0 =	sadd.s32 $0x8F2B, s0  }
0xbd: {  	[sflag:s0] =	ssyncadd.remote.s32 $0x1  }
0xbe: {  	_ =	sfence.sel $0xFFFF  }
0xbf: {  	[dreg:$0x0] =	wrdreg $0xFFFFFFFF;
	(pc) =	sbr.abs _section_cstart, $3  }
0xc0: {  	[dreg:$0x1] =	wrdreg $0xFFFFFFFF  }
0xc1: {  	_ =	task.clear_ibuf [dreg:s6], $0x2FFFF;
	_ =	strace $0x9FFFFFFF  }
0xc2: {  	(tm) =	ssettm $0x7FFFFFFF  }
0xc3: {  	_ =	shalt  }
tec
execute0_lowered:
.L_overlay_start_1:
0x0: {  	(tag) =	ssettag $0x1  }
0x1: {  	s0 =	rddreg [dreg:$0x0]  }
0x2: {  	s2 =	rddreg [dreg:$0x1]  }
0x3: {  	s3 =	simm.s32 $0x0;
	s1 =	srdreg.scid;
	s19 =	stileid.u32  }
0x4: {  	s16 =	simm.s32 $0x1CC80;
	s17 =	simm.s32 $0x6;
	s18 =	simm.s32 $0x13880  }
0x5: {  	s28 =	simm.s32 $0x4;
	s29 =	simm.s32 $0x2;
	s30 =	simm.s32 $0x5  }
0x6: {  	s31 =	simm.s32 $0x14C00;
	[smem:$0x7FF] =	sst s3;
	s1 =	sand.u32 $0x1, s1  }
0x7: {  	s4 =	sshll.u32 s19, $0x1;
	s6 =	sadd.s32 $0xDC00, s0;
	s9 =	smul.u32 $0x4E000, s19  }
0x8: {  	s12 =	sadd.s32 $0x3000, s0;
	s13 =	sadd.s32 $0x3EE00, s0;
	s11 =	smul.u32 $0x13800, s19  }
0x9: {  	p0 =	sne.s32 s19, $0xF;
	s19 =	sshll.u32 s19, $0x6;
	_ =	strace $0x8000004A  }
0xa: {  	s5 =	sor.u32 s1, s4;
	s8 =	ssub.s32 $0x2, s1;
	s1 =	smul.u32 $0x138800, s1  }
0xb: {  	s4 =	sadd.s32 $0x17C00, s0;
	s20 =	sor.u32 $0x1C03, s19;
	s7 =	smul.u32 $0x500, s5  }
0xc: {  	s10 =	sshrl.u32 s8, $0x1;
	s22 =	sshrl.u32 s9, $0x2;
	s23 =	sshrl.u32 s11, $0x3  }
0xd: {  	s5 =	smul.u32 $0x2800, s5;
	s9 =	sadd.s32 $0x138000, s2;
	s15 =	ssub.s32 s8, s10  }
0xe: {  	s24 =	sadd.s32 s4, s23;
	s10 =	sadd.s32 $0x3EC00, s0;
	s26 =	sadd.s32 s11, s1  }
0xf: {  	s1 =	sshrl.u32 s1, $0x3;
	s23 =	simm.s32 $0x1CD00;
	s21 =	sadd.s32 s6, s7  }
0x10: {  	s7 =	sadd.s32 s12, s7;
	[dreg:$0x6] =	wrdreg s24;
	s25 =	sshrl.u32 s5, $0x3  }
0x11: {  	s5 =	sshrl.u32 s26, $0x3;
	s1 =	sadd.s32 s13, s1;
	s15 =	smax.u32 s15, $0x1  }
0x12: {  	s24 =	simm.s32 $0x18C80;
	s26 =	simm.s32 $0x1;
	[dreg:$0x3] =	wrdreg s21  }
0x13: {  	[dreg:$0x4] =	wrdreg s7;
	s7 =	sadd.s32 s22, s2;
	s0 =	sadd.s32 $0x280, s25  }
0x14: {  	s13 =	sadd.s32 s13, s5;
	s14 =	sadd.s32 $0x27000, s1;
	s21 =	simm.s32 $0x7D  }
0x15: {  	s22 =	simm.s32 $0x14C80;
	s25 =	simm.s32 $0x3;
	[dreg:$0x5] =	wrdreg s7  }
0x16: {  	s11 =	sadd.s32 s6, s0;
	s12 =	sadd.s32 s12, s0;
	s0 =	simm.s32 $0x0  }
.LBB2_1:
0x17: {  	s1 =	rddreg [dreg:$0x3]  }
0x18: {  	[tilespmem:s16], [sflag:$0x6] =	stream.linear.gather [hbm4b:s1+s3], $0x1400, $0x38;
	[tilespmem:$0x1E080] =	vst v63  }
0x19: {  	_ =	swait.ge [sflag:s17], $0x1400  }
0x1a: {  	[sflag:s17] =	ssyncset.done $0x0  }
0x1b: {  	s5 =	rddreg [dreg:$0x4];
	[sflag:s17] =	ssyncadd.s32 $0xFFFFEC00  }
0x1c: {  	[tilespmem:s18], [sflag:$0x6] =	stream.linear.gather [hbm4b:s5+s3], $0x1400, $0x38;
	[tilespmem:$0x1E080] =	vst v63  }
0x1d: {  	_ =	swait.ge [sflag:s17], $0x1400  }
0x1e: {  	s6 =	rddreg [dreg:$0x5]  }
0x1f: {  	s1 =	sshrl.u32 @!p0 s9, $0x3;
	[sflag:s17] =	ssyncset.done $0x0;
	s7 =	rddreg [dreg:$0x6]  }
0x20: {  	[sflag:s17] =	ssyncadd.s32 $0xFFFFEC00;
	s5 =	sshrl.u32 s6, $0x3;
	s6 =	simm.s32 @!p0 $0x1FC6  }
0x21: {  	[spmem:s5], [sflag:s20] =	dma.local [hbm:s7], $0x2700  }
0x22: {  	[spmem:s1], [sflag:s6] =	dma.local @!p0 [hbm:s10], $0x100  }
0x23: {  	s6 =	simm.s32 @!p0 $0x6  }
0x24: {  	_ =	swait.ge @!p0 [sflag:s6], $0x100  }
0x25: {  	[sflag:s6] =	ssyncset.done @!p0 $0x0  }
0x26: {  	[sflag:s6] =	ssyncadd.s32 @!p0 $0xFFFFFF00  }
0x27: {  	[tilespmem:s22], [sflag:$0x1] =	stream.indirect.gather [hbm4b:s4+s21], $0x80, s16, s21, $0xb8;
	[tilespmem:$0x1E080] =	vst v63  }
0x28: {  	_ = 	snop  }
0x29: {  	[tilespmem:s24], [sflag:$0x2] =	stream.indirect.gather [hbm4b:s4+s21], $0x80, s23, s21, $0xb8;
	[tilespmem:$0x1E080] =	vst v63  }
0x2a: {  	_ =	swait.ge [sflag:s25], $0x2700  }
0x2b: {  	[sflag:s25] =	ssyncset.done $0x0  }
0x2c: {  	[sflag:s25] =	ssyncadd.s32 $0xFFFFD900  }
0x2d: {  	[bflag:$0x0] =	sbarrier.arrive $0xFFFF  }
0x2e: {  	_ =	swait.ge [sflag:s26], $0x3E80  }
0x2f: {  	[sflag:s26] =	ssyncset.done $0x0  }
0x30: {  	[sflag:s26] =	ssyncadd.s32 $0xFFFFC180  }
0x31: {  	[spmem:s2] =	stream.indirect.scatter.add.f32 [tilespmem:s22], [sflag:$0x4], $0x80, s18, s21, $0xb8;
	[tilespmem:$0x1E080] =	vst v63  }
0x32: {  	_ =	swait.ge [sflag:s28], $0x3E80  }
0x33: {  	[sflag:s28] =	ssyncset.done $0x0  }
0x34: {  	s8 =	simm.s32 $0x1CD80;
	[sflag:s28] =	ssyncadd.s32 $0xFFFFC180  }
0x35: {  	[tilespmem:s22], [sflag:$0x1] =	stream.indirect.gather [hbm4b:s4+s21], $0x80, s8, s21, $0xb8;
	[tilespmem:$0x1E080] =	vst v63  }
0x36: {  	_ =	swait.ge [sflag:s29], $0x3E80  }
0x37: {  	[sflag:s29] =	ssyncset.done $0x0  }
0x38: {  	s7 =	simm.s32 $0x13900;
	[sflag:s29] =	ssyncadd.s32 $0xFFFFC180  }
0x39: {  	[spmem:s2] =	stream.indirect.scatter.add.f32 [tilespmem:s24], [sflag:$0x5], $0x80, s7, s21, $0xb8;
	[tilespmem:$0x1E080] =	vst v63  }
0x3a: {  	_ =	swait.ge [sflag:s30], $0x3E80  }
0x3b: {  	[sflag:s30] =	ssyncset.done $0x0  }
0x3c: {  	s8 =	simm.s32 $0x1CE00;
	[sflag:s30] =	ssyncadd.s32 $0xFFFFC180  }
0x3d: {  	[tilespmem:s24], [sflag:$0x2] =	stream.indirect.gather [hbm4b:s4+s21], $0x80, s8, s21, $0xb8;
	[tilespmem:$0x1E080] =	vst v63  }
0x3e: {  	_ =	swait.ge [sflag:s26], $0x3E80  }
0x3f: {  	[sflag:s26] =	ssyncset.done $0x0  }
0x40: {  	s6 =	simm.s32 $0xFFFFB800;
	s7 =	simm.s32 $0x13980;
	[sflag:s26] =	ssyncadd.s32 $0xFFFFC180  }
.LBB2_2:
0x41: {  	[spmem:s2] =	stream.indirect.scatter.add.f32 [tilespmem:s22], [sflag:$0x4], $0x80, s7, s21, $0xb8;
	[tilespmem:$0x1E080] =	vst v63  }
0x42: {  	s7 =	smov.u32 s6  }
0x43: {  	p1 =	sne.s32 s6, $0xFFFFFC00;
	s6 =	sadd.s32 $0x400, s6;
	_ =	swait.ge [sflag:s28], $0x3E80  }
0x44: {  	s7 =	sshra.s32 s7, $0x2;
	[sflag:s28] =	ssyncset.done $0x0  }
0x45: {  	s8 =	sadd.s32 $0x1E080, s7;
	[sflag:s28] =	ssyncadd.s32 $0xFFFFC180  }
0x46: {  	[tilespmem:s22], [sflag:$0x1] =	stream.indirect.gather [hbm4b:s4+s21], $0x80, s8, s21, $0xb8;
	[tilespmem:$0x1E080] =	vst v63  }
0x47: {  	_ =	swait.ge [sflag:s29], $0x3E80  }
0x48: {  	[sflag:s29] =	ssyncset.done $0x0  }
0x49: {  	s8 =	sadd.s32 $0x14C00, s7;
	[sflag:s29] =	ssyncadd.s32 $0xFFFFC180  }
0x4a: {  	[spmem:s2] =	stream.indirect.scatter.add.f32 [tilespmem:s24], [sflag:$0x5], $0x80, s8, s21, $0xb8;
	[tilespmem:$0x1E080] =	vst v63  }
0x4b: {  	_ =	swait.ge [sflag:s30], $0x3E80  }
0x4c: {  	[sflag:s30] =	ssyncset.done $0x0  }
.Ltmp0:
0x4d: {  	s8 =	sadd.s32 $0x1E100, s7;
	[sflag:s30] =	ssyncadd.s32 $0xFFFFC180;
	(pc) =	sbr.rel @p1 .LBB2_2-.Ltmp0, $4  }
0x4e: {  	[tilespmem:s24], [sflag:$0x2] =	stream.indirect.gather [hbm4b:s4+s21], $0x80, s8, s21, $0xb8;
	[tilespmem:$0x1E080] =	vst v63  }
0x4f: {  	_ =	swait.ge [sflag:s26], $0x3E80  }
0x50: {  	[sflag:s26] =	ssyncset.done $0x0  }
0x51: {  	s7 =	sadd.s32 $0x14C80, s7;
	[sflag:s26] =	ssyncadd.s32 $0xFFFFC180  }
0x52: {  	[spmem:s2] =	stream.indirect.scatter.add.f32 [tilespmem:s22], [sflag:$0x4], $0x80, s7, s21, $0xb8;
	[tilespmem:$0x1E080] =	vst v63  }
0x53: {  	_ =	swait.ge [sflag:s29], $0x3E80  }
0x54: {  	[sflag:s29] =	ssyncset.done $0x0  }
0x55: {  	[sflag:s29] =	ssyncadd.s32 $0xFFFFC180  }
0x56: {  	[spmem:s2] =	stream.indirect.scatter.add.f32 [tilespmem:s24], [sflag:$0x5], $0x80, s31, s21, $0xb8;
	[tilespmem:$0x1E080] =	vst v63  }
0x57: {  	_ =	swait.ge [sflag:s28], $0x3E80  }
0x58: {  	[sflag:s28] =	ssyncset.done $0x0  }
0x59: {  	[sflag:s28] =	ssyncadd.s32 $0xFFFFC180  }
0x5a: {  	_ =	swait.ge [sflag:s30], $0x3E80  }
0x5b: {  	[sflag:s30] =	ssyncset.done $0x0  }
0x5c: {  	[sflag:s30] =	ssyncadd.s32 $0xFFFFC180  }
0x5d: {  	[tilespmem:s16], [sflag:$0x6] =	stream.linear.gather [hbm4b:s11+s3], $0x1400, $0x38;
	[tilespmem:$0x1E080] =	vst v63  }
0x5e: {  	_ =	swait.ge [sflag:s17], $0x1400  }
0x5f: {  	[sflag:s17] =	ssyncset.done $0x0  }
0x60: {  	[sflag:s17] =	ssyncadd.s32 $0xFFFFEC00  }
0x61: {  	[tilespmem:s18], [sflag:$0x6] =	stream.linear.gather [hbm4b:s12+s3], $0x1400, $0x38;
	[tilespmem:$0x1E080] =	vst v63  }
0x62: {  	_ =	swait.ge [sflag:s17], $0x1400  }
0x63: {  	[sflag:s17] =	ssyncset.done $0x0  }
0x64: {  	[sflag:s17] =	ssyncadd.s32 $0xFFFFEC00  }
0x65: {  	[tilespmem:s22], [sflag:$0x1] =	stream.indirect.gather [hbm4b:s4+s21], $0x80, s16, s21, $0xb8;
	[tilespmem:$0x1E080] =	vst v63  }
0x66: {  	_ = 	snop  }
0x67: {  	[tilespmem:s24], [sflag:$0x2] =	stream.indirect.gather [hbm4b:s4+s21], $0x80, s23, s21, $0xb8;
	[tilespmem:$0x1E080] =	vst v63  }
0x68: {  	_ =	swait.ge [sflag:s26], $0x3E80  }
0x69: {  	[sflag:s26] =	ssyncset.done $0x0  }
0x6a: {  	[sflag:s26] =	ssyncadd.s32 $0xFFFFC180  }
0x6b: {  	[spmem:s2] =	stream.indirect.scatter.add.f32 [tilespmem:s22], [sflag:$0x4], $0x80, s18, s21, $0xb8;
	[tilespmem:$0x1E080] =	vst v63  }
0x6c: {  	_ =	swait.ge [sflag:s28], $0x3E80  }
0x6d: {  	[sflag:s28] =	ssyncset.done $0x0  }
0x6e: {  	s6 =	simm.s32 $0x1CD80;
	[sflag:s28] =	ssyncadd.s32 $0xFFFFC180  }
0x6f: {  	[tilespmem:s22], [sflag:$0x1] =	stream.indirect.gather [hbm4b:s4+s21], $0x80, s6, s21, $0xb8;
	[tilespmem:$0x1E080] =	vst v63  }
0x70: {  	_ =	swait.ge [sflag:s29], $0x3E80  }
0x71: {  	[sflag:s29] =	ssyncset.done $0x0  }
0x72: {  	s7 =	simm.s32 $0x13900;
	[sflag:s29] =	ssyncadd.s32 $0xFFFFC180  }
0x73: {  	[spmem:s2] =	stream.indirect.scatter.add.f32 [tilespmem:s24], [sflag:$0x5], $0x80, s7, s21, $0xb8;
	[tilespmem:$0x1E080] =	vst v63  }
0x74: {  	_ =	swait.ge [sflag:s30], $0x3E80  }
0x75: {  	[sflag:s30] =	ssyncset.done $0x0  }
0x76: {  	s8 =	simm.s32 $0x1CE00;
	[sflag:s30] =	ssyncadd.s32 $0xFFFFC180  }
0x77: {  	[tilespmem:s24], [sflag:$0x2] =	stream.indirect.gather [hbm4b:s4+s21], $0x80, s8, s21, $0xb8;
	[tilespmem:$0x1E080] =	vst v63  }
0x78: {  	_ =	swait.ge [sflag:s26], $0x3E80  }
0x79: {  	[sflag:s26] =	ssyncset.done $0x0  }
0x7a: {  	s6 =	simm.s32 $0xFFFFB800;
	s7 =	simm.s32 $0x13980;
	[sflag:s26] =	ssyncadd.s32 $0xFFFFC180  }
.LBB2_4:
0x7b: {  	[spmem:s2] =	stream.indirect.scatter.add.f32 [tilespmem:s22], [sflag:$0x4], $0x80, s7, s21, $0xb8;
	[tilespmem:$0x1E080] =	vst v63  }
0x7c: {  	s7 =	smov.u32 s6  }
0x7d: {  	p1 =	sne.s32 s6, $0xFFFFFC00;
	s6 =	sadd.s32 $0x400, s6;
	_ =	swait.ge [sflag:s28], $0x3E80  }
0x7e: {  	s7 =	sshra.s32 s7, $0x2;
	[sflag:s28] =	ssyncset.done $0x0  }
0x7f: {  	s8 =	sadd.s32 $0x1E080, s7;
	[sflag:s28] =	ssyncadd.s32 $0xFFFFC180  }
0x80: {  	[tilespmem:s22], [sflag:$0x1] =	stream.indirect.gather [hbm4b:s4+s21], $0x80, s8, s21, $0xb8;
	[tilespmem:$0x1E080] =	vst v63  }
0x81: {  	_ =	swait.ge [sflag:s29], $0x3E80  }
0x82: {  	[sflag:s29] =	ssyncset.done $0x0  }
0x83: {  	s8 =	sadd.s32 $0x14C00, s7;
	[sflag:s29] =	ssyncadd.s32 $0xFFFFC180  }
0x84: {  	[spmem:s2] =	stream.indirect.scatter.add.f32 [tilespmem:s24], [sflag:$0x5], $0x80, s8, s21, $0xb8;
	[tilespmem:$0x1E080] =	vst v63  }
0x85: {  	_ =	swait.ge [sflag:s30], $0x3E80  }
0x86: {  	[sflag:s30] =	ssyncset.done $0x0  }
.Ltmp1:
0x87: {  	s8 =	sadd.s32 $0x1E100, s7;
	[sflag:s30] =	ssyncadd.s32 $0xFFFFC180;
	(pc) =	sbr.rel @p1 .LBB2_4-.Ltmp1, $4  }
0x88: {  	[tilespmem:s24], [sflag:$0x2] =	stream.indirect.gather [hbm4b:s4+s21], $0x80, s8, s21, $0xb8;
	[tilespmem:$0x1E080] =	vst v63  }
0x89: {  	_ =	swait.ge [sflag:s26], $0x3E80  }
0x8a: {  	[sflag:s26] =	ssyncset.done $0x0  }
0x8b: {  	s7 =	sadd.s32 $0x14C80, s7;
	[sflag:s26] =	ssyncadd.s32 $0xFFFFC180  }
0x8c: {  	[spmem:s2] =	stream.indirect.scatter.add.f32 [tilespmem:s22], [sflag:$0x4], $0x80, s7, s21, $0xb8;
	[tilespmem:$0x1E080] =	vst v63  }
0x8d: {  	_ =	swait.ge [sflag:s29], $0x3E80  }
0x8e: {  	[sflag:s29] =	ssyncset.done $0x0  }
0x8f: {  	[sflag:s29] =	ssyncadd.s32 $0xFFFFC180  }
0x90: {  	[spmem:s2] =	stream.indirect.scatter.add.f32 [tilespmem:s24], [sflag:$0x5], $0x80, s31, s21, $0xb8;
	[tilespmem:$0x1E080] =	vst v63  }
0x91: {  	_ =	swait.ge [sflag:s28], $0x3E80  }
0x92: {  	[sflag:s28] =	ssyncset.done $0x0  }
0x93: {  	[sflag:s28] =	ssyncadd.s32 $0xFFFFC180  }
0x94: {  	_ =	swait.ge [sflag:s30], $0x3E80  }
0x95: {  	[sflag:s30] =	ssyncset.done $0x0  }
0x96: {  	[sflag:s30] =	ssyncadd.s32 $0xFFFFC180  }
0x97: {  	s6 =	sor.u32 $0x1C06, s19;
	[bflag:$0x0] =	sbarrier.arrive $0xFFFF  }
0x98: {  	[hbm:s13], [sflag:s6] =	dma.local [spmem:s5], $0x2700  }
0x99: {  	_ =	swait.ge [sflag:s17], $0x2700  }
0x9a: {  	s0 =	sadd.s32 $0x1, s0;
	[sflag:s17] =	ssyncset.done $0x0  }
0x9b: {  	p1 =	sne.s32 s0, s15;
	[sflag:s17] =	ssyncadd.s32 $0xFFFFD900  }
0x9c: {  	[hbm:s14], [sflag:s6] =	dma.local @!p0 [spmem:s1], $0x100  }
.Ltmp2:
0x9d: {  	_ = 	snop;
	(pc) =	sbr.rel @p1 .LBB2_1-.Ltmp2, $4  }
0x9e: {  	s1 =	simm.s32 @!p0 $0x6  }
0x9f: {  	_ =	swait.ge @!p0 [sflag:s1], $0x100  }
0xa0: {  	[sflag:s1] =	ssyncset.done @!p0 $0x0  }
0xa1: {  	[sflag:s1] =	ssyncadd.s32 @!p0 $0xFFFFFF00  }
0xa2: {  	_ =	sfence.sel $0x180000  }
0xa3: {  	[bflag:$0x0] =	sbarrier.arrive $0xFFFF  }
0xa4: {  	_ =	strace $0x9000004A  }
0xa5: {  	s0 =	stileid.u32;
	[bflag:$0x2] =	sbarrier.arrive $0xFFFF  }
0xa6: {  	p0 =	sne.s32 s0, $0x0;
	s0 =	rddreg [dreg:$0x2]  }
0xa7: {  	s0 =	sadd.s32 @!p0 $0x100000, s0  }
0xa8: {  	[sflag:s0] =	ssyncadd.tile.s32 @!p0 $0x1;
	_ =	shalt  }
.Lfunc_end2:
_tile_overlayer_lowered:
.L_overlay_start_2:
0xa9: {  	(tag) =	ssettag $0x2  }
0xaa: {  	s0 =	rddreg [dreg:$0x0];
	s2 =	stileid.u32  }
0xab: {  	s1 =	rddreg [dreg:$0x1];
	p0 =	sne.s32 s2, $0x0  }
0xac: {  	s3 =	rddreg [dreg:$0x2];
	[bflag:$0x3] =	sbarrier.arrive $0xFFFF;
	s2 =	simm.s32 @!p0 $0x1C06  }
0xad: {  	[timem:s3], [sflag:s2] =	dma.local @!p0 [hbm:s0], s1  }
0xae: {  	s0 =	simm.s32 @!p0 $0x6  }
0xaf: {  	_ =	swait.ge @!p0 [sflag:s0], s1  }
0xb0: {  	s1 =	ssub.s32 @!p0 $0x0, s1;
	[sflag:s0] =	ssyncset.done @!p0 $0x0  }
0xb1: {  	[sflag:s0] =	ssyncadd.s32 @!p0 s1  }
0xb2: {  	[bflag:$0x3] =	sbarrier.arrive $0xFFFF  }
0xb3: {  	_ =	shalt  }

// kernel: kernel.14.cloned.1.call-start
scs
__scs_entry_jumppad:
0x0: {  	(pc) =	sbr.rel $0x88, $3  }
0x1: {  	(tag) =	ssettag $0x0;
	lr =	simm.s32 $0x1  }
0x2: {  	[smem:$0x3F94] =	sst lr;
	_ =	strace $0xD0000000  }
0x3: {  	_ = 	snop  }
0x4: {  	_ = 	snop  }
0x5: {  	_ = 	snop  }
0x6: {  	_ = 	snop  }
0x7: {  	_ = 	snop  }
__scs_overlays_trampoline_lowered:
0x8: {  	[smem:$0x3FA3] =	sst s0  }
0x9: {  	[smem:$0x3FA4] =	sst s1  }
0xa: {  	[smem:$0x3FA5] =	sst s2  }
0xb: {  	[smem:$0x3FA6] =	sst s3  }
0xc: {  	[smem:$0x3FA7] =	sst s4  }
0xd: {  	[smem:$0x3FA8] =	sst s5  }
0xe: {  	[smem:$0x3FA9] =	sst s6  }
0xf: {  	[smem:$0x3FAA] =	sst s7  }
0x10: {  	[smem:$0x3FAB] =	sst s8  }
0x11: {  	[smem:$0x3FAC] =	sst s9;
	s0 =	simm.s32 @!p0 $0x0  }
0x12: {  	s1 =	sld [smem:$0x3F92];
	s0 =	simm.s32 @p0 $0x1  }
0x13: {  	[smem:$0x3FAD] =	sst s0;
	s0 =	simm.s32 @!p1 $0x0  }
0x14: {  	s2 =	sld [smem:$0x3F91];
	s0 =	simm.s32 @p1 $0x1  }
0x15: {  	[smem:$0x3FAE] =	sst s0;
	s0 =	simm.s32 @!p2 $0x0  }
0x16: {  	s3 =	sld [smem:$0x3FDB];
	s0 =	simm.s32 @p2 $0x1  }
0x17: {  	s4 =	simm.s32 $0x1BF5;
	[smem:$0x3FB0] =	sst s0  }
0x18: {  	s0 =	sld [smem:$0x3F93];
	_ =	swait.ge [sflag:s4], $0x0  }
0x19: {  	s7 =	sld [smem:$0x3F94]  }
0x1a: {  	s8 =	sadd.s32 $0xFFFFE003, lr  }
0x1b: {  	s9 =	sadd.s32 $0xFFFFFEF7, lr;
	s5 =	simm.s32 $0xFFFFFFFF;
	p2 =	slt.u32 s8, $0xFFFFF086  }
0x1c: {  	p1 =	slt.u32 s9, $0xF7A;
	s5 =	simm.s32 @!p2 $0x0  }
0x1d: {  	s5 =	simm.s32 @p1 $0x1;
	p0 =	seq.s32 s7, s2  }
0x1e: {  	s7 =	smul.u32 @!p0 $0xF7A, s2;
	p2 =	seq.s32 @!p0 s5, $0x0  }
0x1f: {  	s9 =	smul.u32 $0xF7A, s1;
	s8 =	simm.s32 @!p0 $0x1BF5;
	p2 =	por !p2, p0  }
0x20: {  	[sflag:s8] =	ssyncset.s32 @!p0 $0xFFFFF086;
	s6 =	sadd.s32 @!p0 s3, s7;
	s7 =	simm.s32 @!p0 $0x108  }
0x21: {  	s3 =	sadd.s32 s3, s9;
	s6 =	sadd.s32 @!p0 $0x88, s6;
	s7 =	simm.s32 @p2 $0x1082  }
0x22: {  	[simem:s7], [sflag:s8] =	dma.local @!p0 [hbm:s6], $0xF7A  }
0x23: {  	s9 =	sor.u32 $0xD0000000, s2;
	s6 =	simm.s32 $0x108;
	_ =	swait.ge @!p0 [sflag:s8], $0x0  }
0x24: {  	s3 =	sadd.s32 $0x88, s3;
	s6 =	simm.s32 @!p1 $0x1082;
	[sflag:s4] =	ssyncset.s32 $0xFFFFF086  }
0x25: {  	[simem:s6], [sflag:s4] =	dma.local [hbm:s3], $0xF7A  }
0x26: {  	[smem:$0x3F94] =	sst s1;
	(tag) =	ssettag s2;
	_ =	strace s9  }
0x27: {  	s1 =	sld [smem:$0x3FA4]  }
0x28: {  	s2 =	sld [smem:$0x3FA5]  }
0x29: {  	s4 =	sld [smem:$0x3FA7]  }
0x2a: {  	p0 =	seq.s32 s5, $0x0;
	s5 =	sld [smem:$0x3FA8]  }
0x2b: {  	s6 =	sld [smem:$0x3FA9]  }
0x2c: {  	s7 =	sld [smem:$0x3FAA]  }
0x2d: {  	s3 =	simm.s32 $0x108;
	s8 =	sld [smem:$0x3FAB]  }
0x2e: {  	s3 =	simm.s32 @!p0 $0x1082;
	s9 =	sld [smem:$0x3FAC]  }
0x2f: {  	lr =	sadd.s32 s0, s3;
	s0 =	sld [smem:$0x3FA3]  }
0x30: {  	s3 =	sld [smem:$0x3FA6]  }
0x31: {  	[smem:$0x3FAF] =	sst s10  }
0x32: {  	s10 =	sld [smem:$0x3FAD];
	_ =	sdelay $0x3  }
0x33: {  	p0 =	seq.s32 s10, $0x1;
	s10 =	sld [smem:$0x3FAF];
	_ =	sdelay $0x3  }
0x34: {  	[smem:$0x3FAF] =	sst s10  }
0x35: {  	s10 =	sld [smem:$0x3FAE];
	_ =	sdelay $0x3  }
0x36: {  	p1 =	seq.s32 s10, $0x1;
	s10 =	sld [smem:$0x3FAF];
	_ =	sdelay $0x3  }
0x37: {  	[smem:$0x3FAF] =	sst s10  }
0x38: {  	s10 =	sld [smem:$0x3FB0]  }
0x39: {  	_ = 	snop;
	(pc) =	sbr.ind lr, $3  }
0x3a: {  	_ = 	snop  }
0x3b: {  	_ = 	snop  }
0x3c: {  	p2 =	seq.s32 s10, $0x1;
	s10 =	sld [smem:$0x3FAF]  }
0x3d: {  	_ =	shalt  }
0x3e: {  	_ =	shalt  }
0x3f: {  	_ =	shalt  }
0x40: {  	_ =	shalt  }
0x41: {  	_ =	shalt  }
0x42: {  	_ =	shalt  }
0x43: {  	_ =	shalt  }
0x44: {  	_ =	shalt  }
0x45: {  	_ =	shalt  }
0x46: {  	_ =	shalt  }
0x47: {  	_ =	shalt  }
0x48: {  	_ =	shalt  }
0x49: {  	_ =	shalt  }
0x4a: {  	_ =	shalt  }
0x4b: {  	_ =	shalt  }
0x4c: {  	_ =	shalt  }
0x4d: {  	_ =	shalt  }
0x4e: {  	_ =	shalt  }
0x4f: {  	_ =	shalt  }
0x50: {  	_ =	shalt  }
0x51: {  	_ =	shalt  }
0x52: {  	_ =	shalt  }
0x53: {  	_ =	shalt  }
0x54: {  	_ =	shalt  }
0x55: {  	_ =	shalt  }
0x56: {  	_ =	shalt  }
0x57: {  	_ =	shalt  }
0x58: {  	_ =	shalt  }
0x59: {  	_ =	shalt  }
0x5a: {  	_ =	shalt  }
0x5b: {  	_ =	shalt  }
0x5c: {  	_ =	shalt  }
0x5d: {  	_ =	shalt  }
0x5e: {  	_ =	shalt  }
0x5f: {  	_ =	shalt  }
0x60: {  	_ =	shalt  }
0x61: {  	_ =	shalt  }
0x62: {  	_ =	shalt  }
0x63: {  	_ =	shalt  }
0x64: {  	_ =	shalt  }
0x65: {  	_ =	shalt  }
0x66: {  	_ =	shalt  }
0x67: {  	_ =	shalt  }
0x68: {  	_ =	shalt  }
0x69: {  	_ =	shalt  }
0x6a: {  	_ =	shalt  }
0x6b: {  	_ =	shalt  }
0x6c: {  	_ =	shalt  }
0x6d: {  	_ =	shalt  }
0x6e: {  	_ =	shalt  }
0x6f: {  	_ =	shalt  }
0x70: {  	_ =	shalt  }
0x71: {  	_ =	shalt  }
0x72: {  	_ =	shalt  }
0x73: {  	_ =	shalt  }
0x74: {  	_ =	shalt  }
0x75: {  	_ =	shalt  }
0x76: {  	_ =	shalt  }
0x77: {  	_ =	shalt  }
0x78: {  	_ =	shalt  }
0x79: {  	_ =	shalt  }
0x7a: {  	_ =	shalt  }
0x7b: {  	_ =	shalt  }
0x7c: {  	_ =	shalt  }
0x7d: {  	_ =	shalt  }
0x7e: {  	_ =	shalt  }
0x7f: {  	_ =	shalt  }
0x80: {  	_ =	shalt  }
0x81: {  	_ =	shalt  }
0x82: {  	_ =	shalt  }
0x83: {  	_ =	shalt  }
0x84: {  	_ =	shalt  }
0x85: {  	_ =	shalt  }
0x86: {  	_ =	shalt  }
0x87: {  	_ =	shalt  }
.Lfunc_end0:
.L_simem_size_0:
called_computation.2_lowered:
.L_overlay_start_0:
0x88: {  	s2 =	sld [smem:$0x3FD9]  }
0x89: {  	s3 =	sld [smem:$0x3FFE];
	_ =	sdelay $0x1  }
0x8a: {  	s1 =	srdreg.scid  }
0x8b: {  	s0 =	sand.u32 $0x1, s1  }
0x8c: {  	s16 =	sshll.u32 s0, $0xA;
	s2 =	sadd.s32 s3, s2  }
0x8d: {  	s2 =	sadd.s32 s2, s16  }
0x8e: {  	[smem:$0x3FBB] =	sst s2  }
0x8f: {  	_ = 	snop  }
0x90: {  	(tm) =	ssettm $0x1  }
0x91: {  	s17 =	sld [smem:$0x3FFB];
	_ =	sdelay $0x3  }
0x92: {  	_ =	strace s17  }
0x93: {  	s2 =	sld [smem:$0x3FFC];
	_ =	sdelay $0x3  }
0x94: {  	_ =	strace s2  }
0x95: {  	s2 =	sld [smem:$0x3FFD];
	_ =	sdelay $0x3  }
0x96: {  	_ =	strace s2  }
0x97: {  	_ =	strace $0x8FFFFFFF  }
0x98: {  	s18 =	sld [smem:$0x3FDB];
	_ =	sdelay $0x1  }
0x99: {  	s19 =	simm.s32 $_scs_section_size  }
0x9a: {  	s4 =	simm.s32 $_size__tile_overlayer_lowered;
	s5 =	simm.s32 $_tile_overlayer_lowered  }
0x9b: {  	s22 =	simm.s32 $0x1BFF;
	s21 =	sshll.u32 s5, $0x1;
	s2 =	sadd.s32 s19, s18  }
0x9c: {  	s6 =	simm.s32 $0x0;
	s20 =	sshll.u32 s4, $0x1;
	s4 =	sadd.s32 s21, s2  }
0x9d: {  	[timem:s6], [sflag:s22] =	dma.local [hbm:s4], s20  }
0x9e: {  	_ =	swait.ge [sflag:s22], s20  }
0x9f: {  	s3 =	ssub.s32 $0x0, s20;
	[sflag:s22] =	ssyncset.done $0x0  }
0xa0: {  	[sflag:s22] =	ssyncadd.s32 s3;
	_ =	sdelay $0x1  }
0xa1: {  	s23 =	simm.s32 $0x1B8B  }
0xa2: {  	_ =	swait.ge [sflag:s23], $0x1  }
0xa3: {  	[sflag:s23] =	ssyncset.done $0x0  }
0xa4: {  	s25 =	simm.s32 $0x1B8E;
	s24 =	sld [smem:$0x3FFE];
	[sflag:s23] =	ssyncadd.s32 $0xFFFFFFFF  }
0xa5: {  	s26 =	simm.s32 $execute0_lowered;
	[smem:$0x3FD2] =	sst s25  }
0xa6: {  	s4 =	sshll.u32 s26, $0x1;
	_ =	strace $0x8000004C;
	[dreg:$0x1] =	wrdreg $0xFFFFFFFF  }
0xa7: {  	s28 =	simm.s32 $_size_execute0_lowered;
	s2 =	sadd.s32 s2, s4;
	[dreg:$0x0] =	wrdreg $0x0  }
0xa8: {  	s4 =	sshll.u32 s28, $0x1;
	[dreg:$0x2] =	wrdreg s2  }
0xa9: {  	[dreg:$0x3] =	wrdreg s4  }
0xaa: {  	[dreg:$0x4] =	wrdreg $0xC0  }
0xab: {  	_ =	task [dreg:s6], $0x5FFFF  }
0xac: {  	[dreg:$0x1] =	wrdreg $0xFFFFFFFF  }
0xad: {  	[dreg:$0x0] =	wrdreg $0x60  }
0xae: {  	[dreg:$0x2] =	wrdreg s24  }
0xaf: {  	[dreg:$0x3] =	wrdreg $0x0  }
0xb0: {  	[dreg:$0x4] =	wrdreg $0x9  }
0xb1: {  	_ =	task.clear_ibuf [dreg:s6], $0x5FFFF;
	_ =	strace $0x9000004C  }
0xb2: {  	s29 =	simm.s32 $0x9;
	_ =	strace $0x8000004E  }
0xb3: {  	_ =	swait.ge [sflag:s29], $0x1  }
0xb4: {  	[sflag:s29] =	ssyncadd.s32 $0xFFFFFFFF  }
0xb5: {  	_ =	strace $0x9000004E  }
0xb6: {  	_ =	sfence  }
0xb7: {  	s30 =	sld [smem:$0x0];
	_ =	sdelay $0x2  }
0xb8: {  	s31 =	sshll.u32 s1, $0xD;
	s1 =	sshrl.u32 s1, $0x2  }
0xb9: {  	s3 =	sand.u32 $0x4000, s31;
	s1 =	sadd.s32 s1, s30  }
0xba: {  	s0 =	sor.u32 s3, s0;
	s1 =	sshll.u32 s1, $0x11  }
0xbb: {  	s0 =	sor.u32 s1, s0  }
0xbc: {  	s0 =	sadd.s32 $0x8F2B, s0  }
0xbd: {  	[sflag:s0] =	ssyncadd.remote.s32 $0x1  }
0xbe: {  	_ =	sfence.sel $0xFFFF  }
0xbf: {  	[dreg:$0x0] =	wrdreg $0xFFFFFFFF;
	(pc) =	sbr.abs _section_cstart, $3  }
0xc0: {  	[dreg:$0x1] =	wrdreg $0xFFFFFFFF  }
0xc1: {  	_ =	task.clear_ibuf [dreg:s6], $0x2FFFF;
	_ =	strace $0x9FFFFFFF  }
0xc2: {  	(tm) =	ssettm $0x7FFFFFFF  }
0xc3: {  	_ =	shalt  }
tec
execute0_lowered:
.L_overlay_start_1:
0x0: {  	(tag) =	ssettag $0x1  }
0x1: {  	s0 =	rddreg [dreg:$0x0]  }
0x2: {  	s2 =	rddreg [dreg:$0x1]  }
0x3: {  	s3 =	simm.s32 $0x0;
	s1 =	srdreg.scid;
	s19 =	stileid.u32  }
0x4: {  	s16 =	simm.s32 $0x1CC80;
	s17 =	simm.s32 $0x6;
	s18 =	simm.s32 $0x13880  }
0x5: {  	s28 =	simm.s32 $0x4;
	s29 =	simm.s32 $0x2;
	s30 =	simm.s32 $0x5  }
0x6: {  	s31 =	simm.s32 $0x14C00;
	[smem:$0x7FF] =	sst s3;
	s1 =	sand.u32 $0x1, s1  }
0x7: {  	s4 =	sshll.u32 s19, $0x1;
	s6 =	sadd.s32 $0xDC00, s0;
	s9 =	smul.u32 $0x4E000, s19  }
0x8: {  	s12 =	sadd.s32 $0x3000, s0;
	s13 =	sadd.s32 $0x3EE00, s0;
	s11 =	smul.u32 $0x13800, s19  }
0x9: {  	p0 =	sne.s32 s19, $0xF;
	s19 =	sshll.u32 s19, $0x6;
	_ =	strace $0x8000004D  }
0xa: {  	s5 =	sor.u32 s1, s4;
	s8 =	ssub.s32 $0x2, s1;
	s1 =	smul.u32 $0x138800, s1  }
0xb: {  	s4 =	sadd.s32 $0x17C00, s0;
	s20 =	sor.u32 $0x1C03, s19;
	s7 =	smul.u32 $0x500, s5  }
0xc: {  	s10 =	sshrl.u32 s8, $0x1;
	s22 =	sshrl.u32 s9, $0x2;
	s23 =	sshrl.u32 s11, $0x3  }
0xd: {  	s5 =	smul.u32 $0x2800, s5;
	s9 =	sadd.s32 $0x138000, s2;
	s15 =	ssub.s32 s8, s10  }
0xe: {  	s24 =	sadd.s32 s4, s23;
	s10 =	sadd.s32 $0x3EC00, s0;
	s26 =	sadd.s32 s11, s1  }
0xf: {  	s1 =	sshrl.u32 s1, $0x3;
	s23 =	simm.s32 $0x1CD00;
	s21 =	sadd.s32 s6, s7  }
0x10: {  	s7 =	sadd.s32 s12, s7;
	[dreg:$0x6] =	wrdreg s24;
	s25 =	sshrl.u32 s5, $0x3  }
0x11: {  	s5 =	sshrl.u32 s26, $0x3;
	s1 =	sadd.s32 s13, s1;
	s15 =	smax.u32 s15, $0x1  }
0x12: {  	s24 =	simm.s32 $0x18C80;
	s26 =	simm.s32 $0x1;
	[dreg:$0x3] =	wrdreg s21  }
0x13: {  	[dreg:$0x4] =	wrdreg s7;
	s7 =	sadd.s32 s22, s2;
	s0 =	sadd.s32 $0x280, s25  }
0x14: {  	s13 =	sadd.s32 s13, s5;
	s14 =	sadd.s32 $0x27000, s1;
	s21 =	simm.s32 $0x7D  }
0x15: {  	s22 =	simm.s32 $0x14C80;
	s25 =	simm.s32 $0x3;
	[dreg:$0x5] =	wrdreg s7  }
0x16: {  	s11 =	sadd.s32 s6, s0;
	s12 =	sadd.s32 s12, s0;
	s0 =	simm.s32 $0x0  }
.LBB2_1:
0x17: {  	s1 =	rddreg [dreg:$0x3]  }
0x18: {  	[tilespmem:s16], [sflag:$0x6] =	stream.linear.gather [hbm4b:s1+s3], $0x1400, $0x38;
	[tilespmem:$0x1E080] =	vst v63  }
0x19: {  	_ =	swait.ge [sflag:s17], $0x1400  }
0x1a: {  	[sflag:s17] =	ssyncset.done $0x0  }
0x1b: {  	s5 =	rddreg [dreg:$0x4];
	[sflag:s17] =	ssyncadd.s32 $0xFFFFEC00  }
0x1c: {  	[tilespmem:s18], [sflag:$0x6] =	stream.linear.gather [hbm4b:s5+s3], $0x1400, $0x38;
	[tilespmem:$0x1E080] =	vst v63  }
0x1d: {  	_ =	swait.ge [sflag:s17], $0x1400  }
0x1e: {  	s6 =	rddreg [dreg:$0x5]  }
0x1f: {  	s1 =	sshrl.u32 @!p0 s9, $0x3;
	[sflag:s17] =	ssyncset.done $0x0;
	s7 =	rddreg [dreg:$0x6]  }
0x20: {  	[sflag:s17] =	ssyncadd.s32 $0xFFFFEC00;
	s5 =	sshrl.u32 s6, $0x3;
	s6 =	simm.s32 @!p0 $0x1FC6  }
0x21: {  	[spmem:s5], [sflag:s20] =	dma.local [hbm:s7], $0x2700  }
0x22: {  	[spmem:s1], [sflag:s6] =	dma.local @!p0 [hbm:s10], $0x100  }
0x23: {  	s6 =	simm.s32 @!p0 $0x6  }
0x24: {  	_ =	swait.ge @!p0 [sflag:s6], $0x100  }
0x25: {  	[sflag:s6] =	ssyncset.done @!p0 $0x0  }
0x26: {  	[sflag:s6] =	ssyncadd.s32 @!p0 $0xFFFFFF00  }
0x27: {  	[tilespmem:s22], [sflag:$0x1] =	stream.indirect.gather [hbm4b:s4+s21], $0x80, s16, s21, $0xb8;
	[tilespmem:$0x1E080] =	vst v63  }
0x28: {  	_ = 	snop  }
0x29: {  	[tilespmem:s24], [sflag:$0x2] =	stream.indirect.gather [hbm4b:s4+s21], $0x80, s23, s21, $0xb8;
	[tilespmem:$0x1E080] =	vst v63  }
0x2a: {  	_ =	swait.ge [sflag:s25], $0x2700  }
0x2b: {  	[sflag:s25] =	ssyncset.done $0x0  }
0x2c: {  	[sflag:s25] =	ssyncadd.s32 $0xFFFFD900  }
0x2d: {  	[bflag:$0x0] =	sbarrier.arrive $0xFFFF  }
0x2e: {  	_ =	swait.ge [sflag:s26], $0x3E80  }
0x2f: {  	[sflag:s26] =	ssyncset.done $0x0  }
0x30: {  	[sflag:s26] =	ssyncadd.s32 $0xFFFFC180  }
0x31: {  	[spmem:s2] =	stream.indirect.scatter.add.f32 [tilespmem:s22], [sflag:$0x4], $0x80, s18, s21, $0xb8;
	[tilespmem:$0x1E080] =	vst v63  }
0x32: {  	_ =	swait.ge [sflag:s28], $0x3E80  }
0x33: {  	[sflag:s28] =	ssyncset.done $0x0  }
0x34: {  	s8 =	simm.s32 $0x1CD80;
	[sflag:s28] =	ssyncadd.s32 $0xFFFFC180  }
0x35: {  	[tilespmem:s22], [sflag:$0x1] =	stream.indirect.gather [hbm4b:s4+s21], $0x80, s8, s21, $0xb8;
	[tilespmem:$0x1E080] =	vst v63  }
0x36: {  	_ =	swait.ge [sflag:s29], $0x3E80  }
0x37: {  	[sflag:s29] =	ssyncset.done $0x0  }
0x38: {  	s7 =	simm.s32 $0x13900;
	[sflag:s29] =	ssyncadd.s32 $0xFFFFC180  }
0x39: {  	[spmem:s2] =	stream.indirect.scatter.add.f32 [tilespmem:s24], [sflag:$0x5], $0x80, s7, s21, $0xb8;
	[tilespmem:$0x1E080] =	vst v63  }
0x3a: {  	_ =	swait.ge [sflag:s30], $0x3E80  }
0x3b: {  	[sflag:s30] =	ssyncset.done $0x0  }
0x3c: {  	s8 =	simm.s32 $0x1CE00;
	[sflag:s30] =	ssyncadd.s32 $0xFFFFC180  }
0x3d: {  	[tilespmem:s24], [sflag:$0x2] =	stream.indirect.gather [hbm4b:s4+s21], $0x80, s8, s21, $0xb8;
	[tilespmem:$0x1E080] =	vst v63  }
0x3e: {  	_ =	swait.ge [sflag:s26], $0x3E80  }
0x3f: {  	[sflag:s26] =	ssyncset.done $0x0  }
0x40: {  	s6 =	simm.s32 $0xFFFFB800;
	s7 =	simm.s32 $0x13980;
	[sflag:s26] =	ssyncadd.s32 $0xFFFFC180  }
.LBB2_2:
0x41: {  	[spmem:s2] =	stream.indirect.scatter.add.f32 [tilespmem:s22], [sflag:$0x4], $0x80, s7, s21, $0xb8;
	[tilespmem:$0x1E080] =	vst v63  }
0x42: {  	s7 =	smov.u32 s6  }
0x43: {  	p1 =	sne.s32 s6, $0xFFFFFC00;
	s6 =	sadd.s32 $0x400, s6;
	_ =	swait.ge [sflag:s28], $0x3E80  }
0x44: {  	s7 =	sshra.s32 s7, $0x2;
	[sflag:s28] =	ssyncset.done $0x0  }
0x45: {  	s8 =	sadd.s32 $0x1E080, s7;
	[sflag:s28] =	ssyncadd.s32 $0xFFFFC180  }
0x46: {  	[tilespmem:s22], [sflag:$0x1] =	stream.indirect.gather [hbm4b:s4+s21], $0x80, s8, s21, $0xb8;
	[tilespmem:$0x1E080] =	vst v63  }
0x47: {  	_ =	swait.ge [sflag:s29], $0x3E80  }
0x48: {  	[sflag:s29] =	ssyncset.done $0x0  }
0x49: {  	s8 =	sadd.s32 $0x14C00, s7;
	[sflag:s29] =	ssyncadd.s32 $0xFFFFC180  }
0x4a: {  	[spmem:s2] =	stream.indirect.scatter.add.f32 [tilespmem:s24], [sflag:$0x5], $0x80, s8, s21, $0xb8;
	[tilespmem:$0x1E080] =	vst v63  }
0x4b: {  	_ =	swait.ge [sflag:s30], $0x3E80  }
0x4c: {  	[sflag:s30] =	ssyncset.done $0x0  }
.Ltmp0:
0x4d: {  	s8 =	sadd.s32 $0x1E100, s7;
	[sflag:s30] =	ssyncadd.s32 $0xFFFFC180;
	(pc) =	sbr.rel @p1 .LBB2_2-.Ltmp0, $4  }
0x4e: {  	[tilespmem:s24], [sflag:$0x2] =	stream.indirect.gather [hbm4b:s4+s21], $0x80, s8, s21, $0xb8;
	[tilespmem:$0x1E080] =	vst v63  }
0x4f: {  	_ =	swait.ge [sflag:s26], $0x3E80  }
0x50: {  	[sflag:s26] =	ssyncset.done $0x0  }
0x51: {  	s7 =	sadd.s32 $0x14C80, s7;
	[sflag:s26] =	ssyncadd.s32 $0xFFFFC180  }
0x52: {  	[spmem:s2] =	stream.indirect.scatter.add.f32 [tilespmem:s22], [sflag:$0x4], $0x80, s7, s21, $0xb8;
	[tilespmem:$0x1E080] =	vst v63  }
0x53: {  	_ =	swait.ge [sflag:s29], $0x3E80  }
0x54: {  	[sflag:s29] =	ssyncset.done $0x0  }
0x55: {  	[sflag:s29] =	ssyncadd.s32 $0xFFFFC180  }
0x56: {  	[spmem:s2] =	stream.indirect.scatter.add.f32 [tilespmem:s24], [sflag:$0x5], $0x80, s31, s21, $0xb8;
	[tilespmem:$0x1E080] =	vst v63  }
0x57: {  	_ =	swait.ge [sflag:s28], $0x3E80  }
0x58: {  	[sflag:s28] =	ssyncset.done $0x0  }
0x59: {  	[sflag:s28] =	ssyncadd.s32 $0xFFFFC180  }
0x5a: {  	_ =	swait.ge [sflag:s30], $0x3E80  }
0x5b: {  	[sflag:s30] =	ssyncset.done $0x0  }
0x5c: {  	[sflag:s30] =	ssyncadd.s32 $0xFFFFC180  }
0x5d: {  	[tilespmem:s16], [sflag:$0x6] =	stream.linear.gather [hbm4b:s11+s3], $0x1400, $0x38;
	[tilespmem:$0x1E080] =	vst v63  }
0x5e: {  	_ =	swait.ge [sflag:s17], $0x1400  }
0x5f: {  	[sflag:s17] =	ssyncset.done $0x0  }
0x60: {  	[sflag:s17] =	ssyncadd.s32 $0xFFFFEC00  }
0x61: {  	[tilespmem:s18], [sflag:$0x6] =	stream.linear.gather [hbm4b:s12+s3], $0x1400, $0x38;
	[tilespmem:$0x1E080] =	vst v63  }
0x62: {  	_ =	swait.ge [sflag:s17], $0x1400  }
0x63: {  	[sflag:s17] =	ssyncset.done $0x0  }
0x64: {  	[sflag:s17] =	ssyncadd.s32 $0xFFFFEC00  }
0x65: {  	[tilespmem:s22], [sflag:$0x1] =	stream.indirect.gather [hbm4b:s4+s21], $0x80, s16, s21, $0xb8;
	[tilespmem:$0x1E080] =	vst v63  }
0x66: {  	_ = 	snop  }
0x67: {  	[tilespmem:s24], [sflag:$0x2] =	stream.indirect.gather [hbm4b:s4+s21], $0x80, s23, s21, $0xb8;
	[tilespmem:$0x1E080] =	vst v63  }
0x68: {  	_ =	swait.ge [sflag:s26], $0x3E80  }
0x69: {  	[sflag:s26] =	ssyncset.done $0x0  }
0x6a: {  	[sflag:s26] =	ssyncadd.s32 $0xFFFFC180  }
0x6b: {  	[spmem:s2] =	stream.indirect.scatter.add.f32 [tilespmem:s22], [sflag:$0x4], $0x80, s18, s21, $0xb8;
	[tilespmem:$0x1E080] =	vst v63  }
0x6c: {  	_ =	swait.ge [sflag:s28], $0x3E80  }
0x6d: {  	[sflag:s28] =	ssyncset.done $0x0  }
0x6e: {  	s6 =	simm.s32 $0x1CD80;
	[sflag:s28] =	ssyncadd.s32 $0xFFFFC180  }
0x6f: {  	[tilespmem:s22], [sflag:$0x1] =	stream.indirect.gather [hbm4b:s4+s21], $0x80, s6, s21, $0xb8;
	[tilespmem:$0x1E080] =	vst v63  }
0x70: {  	_ =	swait.ge [sflag:s29], $0x3E80  }
0x71: {  	[sflag:s29] =	ssyncset.done $0x0  }
0x72: {  	s7 =	simm.s32 $0x13900;
	[sflag:s29] =	ssyncadd.s32 $0xFFFFC180  }
0x73: {  	[spmem:s2] =	stream.indirect.scatter.add.f32 [tilespmem:s24], [sflag:$0x5], $0x80, s7, s21, $0xb8;
	[tilespmem:$0x1E080] =	vst v63  }
0x74: {  	_ =	swait.ge [sflag:s30], $0x3E80  }
0x75: {  	[sflag:s30] =	ssyncset.done $0x0  }
0x76: {  	s8 =	simm.s32 $0x1CE00;
	[sflag:s30] =	ssyncadd.s32 $0xFFFFC180  }
0x77: {  	[tilespmem:s24], [sflag:$0x2] =	stream.indirect.gather [hbm4b:s4+s21], $0x80, s8, s21, $0xb8;
	[tilespmem:$0x1E080] =	vst v63  }
0x78: {  	_ =	swait.ge [sflag:s26], $0x3E80  }
0x79: {  	[sflag:s26] =	ssyncset.done $0x0  }
0x7a: {  	s6 =	simm.s32 $0xFFFFB800;
	s7 =	simm.s32 $0x13980;
	[sflag:s26] =	ssyncadd.s32 $0xFFFFC180  }
.LBB2_4:
0x7b: {  	[spmem:s2] =	stream.indirect.scatter.add.f32 [tilespmem:s22], [sflag:$0x4], $0x80, s7, s21, $0xb8;
	[tilespmem:$0x1E080] =	vst v63  }
0x7c: {  	s7 =	smov.u32 s6  }
0x7d: {  	p1 =	sne.s32 s6, $0xFFFFFC00;
	s6 =	sadd.s32 $0x400, s6;
	_ =	swait.ge [sflag:s28], $0x3E80  }
0x7e: {  	s7 =	sshra.s32 s7, $0x2;
	[sflag:s28] =	ssyncset.done $0x0  }
0x7f: {  	s8 =	sadd.s32 $0x1E080, s7;
	[sflag:s28] =	ssyncadd.s32 $0xFFFFC180  }
0x80: {  	[tilespmem:s22], [sflag:$0x1] =	stream.indirect.gather [hbm4b:s4+s21], $0x80, s8, s21, $0xb8;
	[tilespmem:$0x1E080] =	vst v63  }
0x81: {  	_ =	swait.ge [sflag:s29], $0x3E80  }
0x82: {  	[sflag:s29] =	ssyncset.done $0x0  }
0x83: {  	s8 =	sadd.s32 $0x14C00, s7;
	[sflag:s29] =	ssyncadd.s32 $0xFFFFC180  }
0x84: {  	[spmem:s2] =	stream.indirect.scatter.add.f32 [tilespmem:s24], [sflag:$0x5], $0x80, s8, s21, $0xb8;
	[tilespmem:$0x1E080] =	vst v63  }
0x85: {  	_ =	swait.ge [sflag:s30], $0x3E80  }
0x86: {  	[sflag:s30] =	ssyncset.done $0x0  }
.Ltmp1:
0x87: {  	s8 =	sadd.s32 $0x1E100, s7;
	[sflag:s30] =	ssyncadd.s32 $0xFFFFC180;
	(pc) =	sbr.rel @p1 .LBB2_4-.Ltmp1, $4  }
0x88: {  	[tilespmem:s24], [sflag:$0x2] =	stream.indirect.gather [hbm4b:s4+s21], $0x80, s8, s21, $0xb8;
	[tilespmem:$0x1E080] =	vst v63  }
0x89: {  	_ =	swait.ge [sflag:s26], $0x3E80  }
0x8a: {  	[sflag:s26] =	ssyncset.done $0x0  }
0x8b: {  	s7 =	sadd.s32 $0x14C80, s7;
	[sflag:s26] =	ssyncadd.s32 $0xFFFFC180  }
0x8c: {  	[spmem:s2] =	stream.indirect.scatter.add.f32 [tilespmem:s22], [sflag:$0x4], $0x80, s7, s21, $0xb8;
	[tilespmem:$0x1E080] =	vst v63  }
0x8d: {  	_ =	swait.ge [sflag:s29], $0x3E80  }
0x8e: {  	[sflag:s29] =	ssyncset.done $0x0  }
0x8f: {  	[sflag:s29] =	ssyncadd.s32 $0xFFFFC180  }
0x90: {  	[spmem:s2] =	stream.indirect.scatter.add.f32 [tilespmem:s24], [sflag:$0x5], $0x80, s31, s21, $0xb8;
	[tilespmem:$0x1E080] =	vst v63  }
0x91: {  	_ =	swait.ge [sflag:s28], $0x3E80  }
0x92: {  	[sflag:s28] =	ssyncset.done $0x0  }
0x93: {  	[sflag:s28] =	ssyncadd.s32 $0xFFFFC180  }
0x94: {  	_ =	swait.ge [sflag:s30], $0x3E80  }
0x95: {  	[sflag:s30] =	ssyncset.done $0x0  }
0x96: {  	[sflag:s30] =	ssyncadd.s32 $0xFFFFC180  }
0x97: {  	s6 =	sor.u32 $0x1C06, s19;
	[bflag:$0x0] =	sbarrier.arrive $0xFFFF  }
0x98: {  	[hbm:s13], [sflag:s6] =	dma.local [spmem:s5], $0x2700  }
0x99: {  	_ =	swait.ge [sflag:s17], $0x2700  }
0x9a: {  	s0 =	sadd.s32 $0x1, s0;
	[sflag:s17] =	ssyncset.done $0x0  }
0x9b: {  	p1 =	sne.s32 s0, s15;
	[sflag:s17] =	ssyncadd.s32 $0xFFFFD900  }
0x9c: {  	[hbm:s14], [sflag:s6] =	dma.local @!p0 [spmem:s1], $0x100  }
.Ltmp2:
0x9d: {  	_ = 	snop;
	(pc) =	sbr.rel @p1 .LBB2_1-.Ltmp2, $4  }
0x9e: {  	s1 =	simm.s32 @!p0 $0x6  }
0x9f: {  	_ =	swait.ge @!p0 [sflag:s1], $0x100  }
0xa0: {  	[sflag:s1] =	ssyncset.done @!p0 $0x0  }
0xa1: {  	[sflag:s1] =	ssyncadd.s32 @!p0 $0xFFFFFF00  }
0xa2: {  	_ =	sfence.sel $0x180000  }
0xa3: {  	[bflag:$0x0] =	sbarrier.arrive $0xFFFF  }
0xa4: {  	_ =	strace $0x9000004D  }
0xa5: {  	s0 =	stileid.u32;
	[bflag:$0x2] =	sbarrier.arrive $0xFFFF  }
0xa6: {  	p0 =	sne.s32 s0, $0x0;
	s0 =	rddreg [dreg:$0x2]  }
0xa7: {  	s0 =	sadd.s32 @!p0 $0x100000, s0  }
0xa8: {  	[sflag:s0] =	ssyncadd.tile.s32 @!p0 $0x1;
	_ =	shalt  }
.Lfunc_end2:
_tile_overlayer_lowered:
.L_overlay_start_2:
0xa9: {  	(tag) =	ssettag $0x2  }
0xaa: {  	s0 =	rddreg [dreg:$0x0];
	s2 =	stileid.u32  }
0xab: {  	s1 =	rddreg [dreg:$0x1];
	p0 =	sne.s32 s2, $0x0  }
0xac: {  	s3 =	rddreg [dreg:$0x2];
	[bflag:$0x3] =	sbarrier.arrive $0xFFFF;
	s2 =	simm.s32 @!p0 $0x1C06  }
0xad: {  	[timem:s3], [sflag:s2] =	dma.local @!p0 [hbm:s0], s1  }
0xae: {  	s0 =	simm.s32 @!p0 $0x6  }
0xaf: {  	_ =	swait.ge @!p0 [sflag:s0], s1  }
0xb0: {  	s1 =	ssub.s32 @!p0 $0x0, s1;
	[sflag:s0] =	ssyncset.done @!p0 $0x0  }
0xb1: {  	[sflag:s0] =	ssyncadd.s32 @!p0 s1  }
0xb2: {  	[bflag:$0x3] =	sbarrier.arrive $0xFFFF  }
0xb3: {  	_ =	shalt  }

// kernel: kernel.8.cloned.1.call-start
scs
__scs_entry_jumppad:
0x0: {  	(pc) =	sbr.rel $0x88, $3  }
0x1: {  	(tag) =	ssettag $0x0;
	lr =	simm.s32 $0x1  }
0x2: {  	[smem:$0x3F94] =	sst lr;
	_ =	strace $0xD0000000  }
0x3: {  	_ = 	snop  }
0x4: {  	_ = 	snop  }
0x5: {  	_ = 	snop  }
0x6: {  	_ = 	snop  }
0x7: {  	_ = 	snop  }
__scs_overlays_trampoline_lowered:
0x8: {  	[smem:$0x3FA3] =	sst s0  }
0x9: {  	[smem:$0x3FA4] =	sst s1  }
0xa: {  	[smem:$0x3FA5] =	sst s2  }
0xb: {  	[smem:$0x3FA6] =	sst s3  }
0xc: {  	[smem:$0x3FA7] =	sst s4  }
0xd: {  	[smem:$0x3FA8] =	sst s5  }
0xe: {  	[smem:$0x3FA9] =	sst s6  }
0xf: {  	[smem:$0x3FAA] =	sst s7  }
0x10: {  	[smem:$0x3FAB] =	sst s8  }
0x11: {  	[smem:$0x3FAC] =	sst s9;
	s0 =	simm.s32 @!p0 $0x0  }
0x12: {  	s1 =	sld [smem:$0x3F92];
	s0 =	simm.s32 @p0 $0x1  }
0x13: {  	[smem:$0x3FAD] =	sst s0;
	s0 =	simm.s32 @!p1 $0x0  }
0x14: {  	s2 =	sld [smem:$0x3F91];
	s0 =	simm.s32 @p1 $0x1  }
0x15: {  	[smem:$0x3FAE] =	sst s0;
	s0 =	simm.s32 @!p2 $0x0  }
0x16: {  	s3 =	sld [smem:$0x3FDB];
	s0 =	simm.s32 @p2 $0x1  }
0x17: {  	s4 =	simm.s32 $0x1BF5;
	[smem:$0x3FB0] =	sst s0  }
0x18: {  	s0 =	sld [smem:$0x3F93];
	_ =	swait.ge [sflag:s4], $0x0  }
0x19: {  	s7 =	sld [smem:$0x3F94]  }
0x1a: {  	s8 =	sadd.s32 $0xFFFFE003, lr  }
0x1b: {  	s9 =	sadd.s32 $0xFFFFFEF7, lr;
	s5 =	simm.s32 $0xFFFFFFFF;
	p2 =	slt.u32 s8, $0xFFFFF086  }
0x1c: {  	p1 =	slt.u32 s9, $0xF7A;
	s5 =	simm.s32 @!p2 $0x0  }
0x1d: {  	s5 =	simm.s32 @p1 $0x1;
	p0 =	seq.s32 s7, s2  }
0x1e: {  	s7 =	smul.u32 @!p0 $0xF7A, s2;
	p2 =	seq.s32 @!p0 s5, $0x0  }
0x1f: {  	s9 =	smul.u32 $0xF7A, s1;
	s8 =	simm.s32 @!p0 $0x1BF5;
	p2 =	por !p2, p0  }
0x20: {  	[sflag:s8] =	ssyncset.s32 @!p0 $0xFFFFF086;
	s6 =	sadd.s32 @!p0 s3, s7;
	s7 =	simm.s32 @!p0 $0x108  }
0x21: {  	s3 =	sadd.s32 s3, s9;
	s6 =	sadd.s32 @!p0 $0x88, s6;
	s7 =	simm.s32 @p2 $0x1082  }
0x22: {  	[simem:s7], [sflag:s8] =	dma.local @!p0 [hbm:s6], $0xF7A  }
0x23: {  	s9 =	sor.u32 $0xD0000000, s2;
	s6 =	simm.s32 $0x108;
	_ =	swait.ge @!p0 [sflag:s8], $0x0  }
0x24: {  	s3 =	sadd.s32 $0x88, s3;
	s6 =	simm.s32 @!p1 $0x1082;
	[sflag:s4] =	ssyncset.s32 $0xFFFFF086  }
0x25: {  	[simem:s6], [sflag:s4] =	dma.local [hbm:s3], $0xF7A  }
0x26: {  	[smem:$0x3F94] =	sst s1;
	(tag) =	ssettag s2;
	_ =	strace s9  }
0x27: {  	s1 =	sld [smem:$0x3FA4]  }
0x28: {  	s2 =	sld [smem:$0x3FA5]  }
0x29: {  	s4 =	sld [smem:$0x3FA7]  }
0x2a: {  	p0 =	seq.s32 s5, $0x0;
	s5 =	sld [smem:$0x3FA8]  }
0x2b: {  	s6 =	sld [smem:$0x3FA9]  }
0x2c: {  	s7 =	sld [smem:$0x3FAA]  }
0x2d: {  	s3 =	simm.s32 $0x108;
	s8 =	sld [smem:$0x3FAB]  }
0x2e: {  	s3 =	simm.s32 @!p0 $0x1082;
	s9 =	sld [smem:$0x3FAC]  }
0x2f: {  	lr =	sadd.s32 s0, s3;
	s0 =	sld [smem:$0x3FA3]  }
0x30: {  	s3 =	sld [smem:$0x3FA6]  }
0x31: {  	[smem:$0x3FAF] =	sst s10  }
0x32: {  	s10 =	sld [smem:$0x3FAD];
	_ =	sdelay $0x3  }
0x33: {  	p0 =	seq.s32 s10, $0x1;
	s10 =	sld [smem:$0x3FAF];
	_ =	sdelay $0x3  }
0x34: {  	[smem:$0x3FAF] =	sst s10  }
0x35: {  	s10 =	sld [smem:$0x3FAE];
	_ =	sdelay $0x3  }
0x36: {  	p1 =	seq.s32 s10, $0x1;
	s10 =	sld [smem:$0x3FAF];
	_ =	sdelay $0x3  }
0x37: {  	[smem:$0x3FAF] =	sst s10  }
0x38: {  	s10 =	sld [smem:$0x3FB0]  }
0x39: {  	_ = 	snop;
	(pc) =	sbr.ind lr, $3  }
0x3a: {  	_ = 	snop  }
0x3b: {  	_ = 	snop  }
0x3c: {  	p2 =	seq.s32 s10, $0x1;
	s10 =	sld [smem:$0x3FAF]  }
0x3d: {  	_ =	shalt  }
0x3e: {  	_ =	shalt  }
0x3f: {  	_ =	shalt  }
0x40: {  	_ =	shalt  }
0x41: {  	_ =	shalt  }
0x42: {  	_ =	shalt  }
0x43: {  	_ =	shalt  }
0x44: {  	_ =	shalt  }
0x45: {  	_ =	shalt  }
0x46: {  	_ =	shalt  }
0x47: {  	_ =	shalt  }
0x48: {  	_ =	shalt  }
0x49: {  	_ =	shalt  }
0x4a: {  	_ =	shalt  }
0x4b: {  	_ =	shalt  }
0x4c: {  	_ =	shalt  }
0x4d: {  	_ =	shalt  }
0x4e: {  	_ =	shalt  }
0x4f: {  	_ =	shalt  }
0x50: {  	_ =	shalt  }
0x51: {  	_ =	shalt  }
0x52: {  	_ =	shalt  }
0x53: {  	_ =	shalt  }
0x54: {  	_ =	shalt  }
0x55: {  	_ =	shalt  }
0x56: {  	_ =	shalt  }
0x57: {  	_ =	shalt  }
0x58: {  	_ =	shalt  }
0x59: {  	_ =	shalt  }
0x5a: {  	_ =	shalt  }
0x5b: {  	_ =	shalt  }
0x5c: {  	_ =	shalt  }
0x5d: {  	_ =	shalt  }
0x5e: {  	_ =	shalt  }
0x5f: {  	_ =	shalt  }
0x60: {  	_ =	shalt  }
0x61: {  	_ =	shalt  }
0x62: {  	_ =	shalt  }
0x63: {  	_ =	shalt  }
0x64: {  	_ =	shalt  }
0x65: {  	_ =	shalt  }
0x66: {  	_ =	shalt  }
0x67: {  	_ =	shalt  }
0x68: {  	_ =	shalt  }
0x69: {  	_ =	shalt  }
0x6a: {  	_ =	shalt  }
0x6b: {  	_ =	shalt  }
0x6c: {  	_ =	shalt  }
0x6d: {  	_ =	shalt  }
0x6e: {  	_ =	shalt  }
0x6f: {  	_ =	shalt  }
0x70: {  	_ =	shalt  }
0x71: {  	_ =	shalt  }
0x72: {  	_ =	shalt  }
0x73: {  	_ =	shalt  }
0x74: {  	_ =	shalt  }
0x75: {  	_ =	shalt  }
0x76: {  	_ =	shalt  }
0x77: {  	_ =	shalt  }
0x78: {  	_ =	shalt  }
0x79: {  	_ =	shalt  }
0x7a: {  	_ =	shalt  }
0x7b: {  	_ =	shalt  }
0x7c: {  	_ =	shalt  }
0x7d: {  	_ =	shalt  }
0x7e: {  	_ =	shalt  }
0x7f: {  	_ =	shalt  }
0x80: {  	_ =	shalt  }
0x81: {  	_ =	shalt  }
0x82: {  	_ =	shalt  }
0x83: {  	_ =	shalt  }
0x84: {  	_ =	shalt  }
0x85: {  	_ =	shalt  }
0x86: {  	_ =	shalt  }
0x87: {  	_ =	shalt  }
.Lfunc_end0:
.L_simem_size_0:
called_computation_lowered:
.L_overlay_start_0:
0x88: {  	s2 =	sld [smem:$0x3FD9]  }
0x89: {  	s3 =	sld [smem:$0x3FFE];
	_ =	sdelay $0x1  }
0x8a: {  	s1 =	srdreg.scid  }
0x8b: {  	s0 =	sand.u32 $0x1, s1  }
0x8c: {  	s16 =	sshll.u32 s0, $0xA;
	s2 =	sadd.s32 s3, s2  }
0x8d: {  	s2 =	sadd.s32 s2, s16  }
0x8e: {  	[smem:$0x3FBB] =	sst s2  }
0x8f: {  	_ = 	snop  }
0x90: {  	(tm) =	ssettm $0x1  }
0x91: {  	s17 =	sld [smem:$0x3FFB];
	_ =	sdelay $0x3  }
0x92: {  	_ =	strace s17  }
0x93: {  	s2 =	sld [smem:$0x3FFC];
	_ =	sdelay $0x3  }
0x94: {  	_ =	strace s2  }
0x95: {  	s2 =	sld [smem:$0x3FFD];
	_ =	sdelay $0x3  }
0x96: {  	_ =	strace s2  }
0x97: {  	_ =	strace $0x8FFFFFFF  }
0x98: {  	s18 =	sld [smem:$0x3FDB];
	_ =	sdelay $0x1  }
0x99: {  	s19 =	simm.s32 $_scs_section_size  }
0x9a: {  	s4 =	simm.s32 $_size__tile_overlayer_lowered;
	s5 =	simm.s32 $_tile_overlayer_lowered  }
0x9b: {  	s22 =	simm.s32 $0x1BFF;
	s21 =	sshll.u32 s5, $0x1;
	s2 =	sadd.s32 s19, s18  }
0x9c: {  	s6 =	simm.s32 $0x0;
	s20 =	sshll.u32 s4, $0x1;
	s4 =	sadd.s32 s21, s2  }
0x9d: {  	[timem:s6], [sflag:s22] =	dma.local [hbm:s4], s20  }
0x9e: {  	_ =	swait.ge [sflag:s22], s20  }
0x9f: {  	s3 =	ssub.s32 $0x0, s20;
	[sflag:s22] =	ssyncset.done $0x0  }
0xa0: {  	[sflag:s22] =	ssyncadd.s32 s3;
	_ =	sdelay $0x1  }
0xa1: {  	s23 =	simm.s32 $0x1B8B  }
0xa2: {  	_ =	swait.ge [sflag:s23], $0x1  }
0xa3: {  	[sflag:s23] =	ssyncset.done $0x0  }
0xa4: {  	s25 =	simm.s32 $0x1B8E;
	s24 =	sld [smem:$0x3FFE];
	[sflag:s23] =	ssyncadd.s32 $0xFFFFFFFF  }
0xa5: {  	s26 =	simm.s32 $execute0_lowered;
	[smem:$0x3FD2] =	sst s25  }
0xa6: {  	s4 =	sshll.u32 s26, $0x1;
	_ =	strace $0x80000046;
	[dreg:$0x1] =	wrdreg $0xFFFFFFFF  }
0xa7: {  	s28 =	simm.s32 $_size_execute0_lowered;
	s2 =	sadd.s32 s2, s4;
	[dreg:$0x0] =	wrdreg $0x0  }
0xa8: {  	s4 =	sshll.u32 s28, $0x1;
	[dreg:$0x2] =	wrdreg s2  }
0xa9: {  	[dreg:$0x3] =	wrdreg s4  }
0xaa: {  	[dreg:$0x4] =	wrdreg $0xC0  }
0xab: {  	_ =	task [dreg:s6], $0x5FFFF  }
0xac: {  	[dreg:$0x1] =	wrdreg $0xFFFFFFFF  }
0xad: {  	[dreg:$0x0] =	wrdreg $0x60  }
0xae: {  	[dreg:$0x2] =	wrdreg s24  }
0xaf: {  	[dreg:$0x3] =	wrdreg $0x0  }
0xb0: {  	[dreg:$0x4] =	wrdreg $0x9  }
0xb1: {  	_ =	task.clear_ibuf [dreg:s6], $0x5FFFF;
	_ =	strace $0x90000046  }
0xb2: {  	s29 =	simm.s32 $0x9;
	_ =	strace $0x80000048  }
0xb3: {  	_ =	swait.ge [sflag:s29], $0x1  }
0xb4: {  	[sflag:s29] =	ssyncadd.s32 $0xFFFFFFFF  }
0xb5: {  	_ =	strace $0x90000048  }
0xb6: {  	_ =	sfence  }
0xb7: {  	s30 =	sld [smem:$0x0];
	_ =	sdelay $0x2  }
0xb8: {  	s31 =	sshll.u32 s1, $0xD;
	s1 =	sshrl.u32 s1, $0x2  }
0xb9: {  	s3 =	sand.u32 $0x4000, s31;
	s1 =	sadd.s32 s1, s30  }
0xba: {  	s0 =	sor.u32 s3, s0;
	s1 =	sshll.u32 s1, $0x11  }
0xbb: {  	s0 =	sor.u32 s1, s0  }
0xbc: {  	s0 =	sadd.s32 $0x8F2B, s0  }
0xbd: {  	[sflag:s0] =	ssyncadd.remote.s32 $0x1  }
0xbe: {  	_ =	sfence.sel $0xFFFF  }
0xbf: {  	[dreg:$0x0] =	wrdreg $0xFFFFFFFF;
	(pc) =	sbr.abs _section_cstart, $3  }
0xc0: {  	[dreg:$0x1] =	wrdreg $0xFFFFFFFF  }
0xc1: {  	_ =	task.clear_ibuf [dreg:s6], $0x2FFFF;
	_ =	strace $0x9FFFFFFF  }
0xc2: {  	(tm) =	ssettm $0x7FFFFFFF  }
0xc3: {  	_ =	shalt  }
tec
execute0_lowered:
.L_overlay_start_1:
0x0: {  	(tag) =	ssettag $0x1  }
0x1: {  	s1 =	srdreg.scid  }
0x2: {  	s0 =	stileid.u32;
	s6 =	rddreg [dreg:$0x0]  }
0x3: {  	s2 =	rddreg [dreg:$0x1];
	s3 =	simm.s32 $0x0;
	s10 =	simm.s32 $0xD600  }
0x4: {  	s11 =	simm.s32 $0x7D;
	s12 =	simm.s32 $0x2A80;
	s13 =	simm.s32 $0x1  }
0x5: {  	s16 =	simm.s32 $0x0;
	s4 =	sand.u32 $0x1, s1;
	s1 =	rddreg [dreg:$0x2]  }
0x6: {  	s29 =	sshll.u32 s0, $0x1;
	[smem:$0x7FF] =	sst s3;
	s9 =	smul.u32 $0x280, s0  }
0x7: {  	s14 =	sshll.u32 s0, $0x6;
	s5 =	sor.u32 s4, s29;
	s7 =	ssub.s32 $0x2, s4  }
0x8: {  	_ =	strace $0x80000047;
	p0 =	seq.s32 s4, $0x1;
	s14 =	sor.u32 $0x1C02, s14  }
0x9: {  	s5 =	smul.u32 $0x500, s5;
	s8 =	sshrl.u32 s7, $0x1;
	s10 =	simm.s32 @!p0 $0xD000  }
0xa: {  	s30 =	sshrl.u32 s9, $0x3;
	s7 =	ssub.s32 s7, s8;
	s31 =	sadd.s32 s10, s6  }
0xb: {  	s8 =	simm.s32 $0x280;
	s10 =	simm.s32 $0x2B00;
	s5 =	sadd.s32 s5, s6  }
0xc: {  	s6 =	smax.u32 s7, $0x1;
	s4 =	sadd.s32 $0x3000, s5;
	s5 =	sadd.s32 s9, s2  }
0xd: {  	v0 =	vimm.f32 $1.000000000e+00;
	v1 =	vimm.f32 $0.0e+00;
	s7 =	sadd.s32 s31, s30;
	s9 =	simm.s32 $0x2;
	s15 =	sshrl.u32 s5, $0x3  }
.LBB2_1:
0xe: {  	[tilespmem:$0x2A80] =	vst v0  }
0xf: {  	[tilespmem:$0x2A90] =	vst v0  }
0x10: {  	[tilespmem:$0x2AA0] =	vst v0  }
0x11: {  	[tilespmem:$0x2AB0] =	vst v0  }
0x12: {  	[tilespmem:$0x2AC0] =	vst v0  }
0x13: {  	[tilespmem:$0x2AD0] =	vst v0  }
0x14: {  	[tilespmem:$0x2AE0] =	vst v0  }
0x15: {  	[tilespmem:$0x2AF0] =	vst v0  }
0x16: {  	[tilespmem:$0x2B00] =	vst v1  }
0x17: {  	[tilespmem:$0x2B10] =	vst v1  }
0x18: {  	[tilespmem:$0x2B20] =	vst v1  }
0x19: {  	[tilespmem:$0x2B30] =	vst v1  }
0x1a: {  	[tilespmem:$0x2B40] =	vst v1  }
0x1b: {  	[tilespmem:$0x2B50] =	vst v1  }
0x1c: {  	[tilespmem:$0x2B60] =	vst v1  }
0x1d: {  	[tilespmem:$0x2B70] =	vst v1  }
0x1e: {  	[tilespmem:$0x2B80] =	vst v1  }
0x1f: {  	[tilespmem:$0x2B90] =	vst v1  }
0x20: {  	[tilespmem:$0x2BA0] =	vst v1  }
0x21: {  	[tilespmem:$0x2BB0] =	vst v1  }
0x22: {  	[tilespmem:$0x2BC0] =	vst v1  }
0x23: {  	[tilespmem:$0x2BD0] =	vst v1  }
0x24: {  	[tilespmem:$0x2BE0] =	vst v1  }
0x25: {  	[tilespmem:$0x2BF0] =	vst v1  }
0x26: {  	[tilespmem:$0x2C00] =	vst v1  }
0x27: {  	[tilespmem:$0x2C10] =	vst v1  }
0x28: {  	[tilespmem:$0x2C20] =	vst v1  }
0x29: {  	[tilespmem:$0x2C30] =	vst v1  }
0x2a: {  	[tilespmem:$0x2C40] =	vst v1  }
0x2b: {  	[tilespmem:$0x2C50] =	vst v1  }
0x2c: {  	[tilespmem:$0x2C60] =	vst v1  }
0x2d: {  	[tilespmem:$0x2C70] =	vst v1  }
0x2e: {  	[tilespmem:$0x2C80] =	vst v1  }
0x2f: {  	[tilespmem:$0x2C90] =	vst v1  }
0x30: {  	[tilespmem:$0x2CA0] =	vst v1  }
0x31: {  	[tilespmem:$0x2CB0] =	vst v1  }
0x32: {  	[tilespmem:$0x2CC0] =	vst v1  }
0x33: {  	[tilespmem:$0x2CD0] =	vst v1  }
0x34: {  	[tilespmem:$0x2CE0] =	vst v1  }
0x35: {  	[tilespmem:$0x2CF0] =	vst v1  }
0x36: {  	[tilespmem:$0x2D00] =	vst v1  }
0x37: {  	[tilespmem:$0x2D10] =	vst v1  }
0x38: {  	[tilespmem:$0x2D20] =	vst v1  }
0x39: {  	[tilespmem:$0x2D30] =	vst v1  }
0x3a: {  	[tilespmem:$0x2D40] =	vst v1  }
0x3b: {  	[tilespmem:$0x2D50] =	vst v1  }
0x3c: {  	[tilespmem:$0x2D60] =	vst v1  }
0x3d: {  	[tilespmem:$0x2D70] =	vst v1  }
0x3e: {  	[tilespmem:s8], [sflag:$0x2] =	stream.linear.gather [hbm4b:s4+s3], $0x2800, $0x38;
	[tilespmem:$0x2D80] =	vst v63  }
0x3f: {  	_ =	swait.ge [sflag:s9], $0x2800  }
0x40: {  	[sflag:s9] =	ssyncset.done $0x0  }
0x41: {  	[sflag:s9] =	ssyncadd.s32 $0xFFFFD800  }
0x42: {  	[spmem:s5] =	stream.linear.scatter [tilespmem:s10], [sflag:$0x2], $0x280, $0x38;
	[tilespmem:$0x2D80] =	vst v63  }
0x43: {  	_ =	swait.ge [sflag:s9], $0x280  }
0x44: {  	[sflag:s9] =	ssyncset.done $0x0  }
0x45: {  	[sflag:s9] =	ssyncadd.s32 $0xFFFFFD80  }
0x46: {  	s17 =	simm.s32 $0x0;
	[bflag:$0x0] =	sbarrier.arrive $0xFFFF  }
.LBB2_2:
0x47: {  	p0 =	sne.s32 s17, $0x9E00  }
.Ltmp0:
0x48: {  	_ = 	snop;
	(pc) =	sbr.rel @p0 .LBB2_2-.Ltmp0, $4  }
0x49: {  	_ = 	snop  }
0x4a: {  	s18 =	sshra.s32 s17, $0x2  }
0x4b: {  	s17 =	sadd.s32 $0x200, s17;
	s18 =	sadd.s32 $0x280, s18  }
0x4c: {  	[spmem:s2] =	stream.indirect.scatter.add.f32 [tilespmem:s12], [sflag:$0x1], $0x1, s18, s11, $0xb8;
	[tilespmem:$0x2D80] =	vst v63  }
0x4d: {  	_ =	swait.ge [sflag:s13], $0x7D  }
0x4e: {  	s17 =	simm.s32 $0x4F;
	[sflag:s13] =	ssyncset.done $0x0  }
.LBB2_4:
0x4f: {  	p0 =	sne.s32 s17, $0x1;
	s17 =	sadd.s32 $0xFFFFFFFF, s17;
	[sflag:s13] =	ssyncadd.s32 $0xFFFFFF83  }
.Ltmp1:
0x50: {  	(pc) =	sbr.rel @p0 .LBB2_4-.Ltmp1, $3  }
0x51: {  	_ =	sdelay $0x1  }
0x52: {  	_ =	swait.ge [sflag:s13], $0x7D  }
0x53: {  	[sflag:s13] =	ssyncset.done $0x0  }
0x54: {  	s16 =	sadd.s32 $0x1, s16  }
0x55: {  	[sflag:s13] =	ssyncadd.s32 $0xFFFFFF83;
	p0 =	sne.s32 s16, s6  }
.Ltmp2:
0x56: {  	[bflag:$0x0] =	sbarrier.arrive $0xFFFF;
	(pc) =	sbr.rel @p0 .LBB2_1-.Ltmp2, $4  }
0x57: {  	[hbm:s7], [sflag:s14] =	dma.local [spmem:s15], $0x50  }
0x58: {  	_ =	swait.ge [sflag:s9], $0x50  }
0x59: {  	[sflag:s9] =	ssyncset.done $0x0  }
0x5a: {  	[sflag:s9] =	ssyncadd.s32 $0xFFFFFFB0  }
0x5b: {  	_ =	sfence.sel $0x180000  }
0x5c: {  	[bflag:$0x0] =	sbarrier.arrive $0xFFFF  }
0x5d: {  	p0 =	sne.s32 s0, $0x0;
	_ =	strace $0x90000047  }
0x5e: {  	s0 =	sadd.s32 @!p0 $0x100000, s1;
	[bflag:$0x2] =	sbarrier.arrive $0xFFFF  }
0x5f: {  	[sflag:s0] =	ssyncadd.tile.s32 @!p0 $0x1;
	_ =	shalt  }
.Lfunc_end2:
_tile_overlayer_lowered:
.L_overlay_start_2:
0x60: {  	(tag) =	ssettag $0x2  }
0x61: {  	s0 =	rddreg [dreg:$0x0];
	s2 =	stileid.u32  }
0x62: {  	s1 =	rddreg [dreg:$0x1];
	p0 =	sne.s32 s2, $0x0  }
0x63: {  	s3 =	rddreg [dreg:$0x2];
	[bflag:$0x3] =	sbarrier.arrive $0xFFFF;
	s2 =	simm.s32 @!p0 $0x1C02  }
0x64: {  	[timem:s3], [sflag:s2] =	dma.local @!p0 [hbm:s0], s1  }
0x65: {  	s0 =	simm.s32 @!p0 $0x2  }
0x66: {  	_ =	swait.ge @!p0 [sflag:s0], s1  }
0x67: {  	s1 =	ssub.s32 @!p0 $0x0, s1;
	[sflag:s0] =	ssyncset.done @!p0 $0x0  }
0x68: {  	[sflag:s0] =	ssyncadd.s32 @!p0 s1  }
0x69: {  	[bflag:$0x3] =	sbarrier.arrive $0xFFFF  }
0x6a: {  	_ =	shalt  }

</sc_bundles>
